<compile_context>
chip_gen: v7x
topology: tpu7x:2x2x1
jax: 0.10.2.dev20260603
libtpu: 0.0.44.dev20260713+nightly
codegen_flags: <defaults>
</compile_context>

<pallas_src>
import functools

import jax
import jax.numpy as jnp
from jax import lax
from jax.experimental import pallas as pl
from jax.experimental.pallas import tpu as pltpu
from jax.experimental.pallas import tpu_sc as plsc

_f32 = jnp.float32

N = 10000
E = 320000
NC = 32
NT = 10240
TD = 128
NW = 32
CH = 128
NCHK = 80
EW = NCHK * CH
EP = NW * EW
BE = 4096
GRID_E = EP // BE
MD = 128
RPS = NT // 16
PH = 5
CPP = NCHK // PH


def _leak(v):
    return jnp.where(v > 0, v, 0.01 * v)


def _dotT(a, w):
    return lax.dot_general(a, w, (((1,), (1,)), ((), ())),
                           precision=lax.Precision.HIGHEST,
                           preferred_element_type=_f32)



_MESH = dict(core_axis_name="c", subcore_axis_name="s")


def _sc_gather(tbl, dstw, srcw):
    @functools.partial(
        pl.kernel,
        out_type=[jax.ShapeDtypeStruct((EP, TD), _f32),
                  jax.ShapeDtypeStruct((EP, TD), _f32)],
        mesh=plsc.VectorSubcoreMesh(**_MESH),
        scratch_types=[
            pltpu.VMEM((CPP, CH), jnp.int32),
            pltpu.VMEM((CPP, CH), jnp.int32),
            pltpu.VMEM((CH, TD), _f32),
            pltpu.VMEM((CH, TD), _f32),
            pltpu.VMEM_SHARED((NT, TD), _f32),
            pltpu.SemaphoreType.DMA,
            pltpu.SemaphoreType.DMA,
        ])
    def k(tbl_hbm, dst_hbm, src_hbm, gd_hbm, gs_hbm,
          idx_d, idx_s, buf_d, buf_s, tbl_sh, sem_d, sem_s):
        sid = lax.axis_index("s")
        wid = sid * 2 + lax.axis_index("c")
        base = wid * EW
        row0 = sid * RPS

        def stg(kk, c):
            pltpu.sync_copy(tbl_hbm.at[pl.ds(row0 + kk * CH, CH)], buf_d)
            pltpu.sync_copy(buf_d, tbl_sh.at[pl.ds(row0 + kk * CH, CH)])
            return c

        lax.fori_loop(0, RPS // CH, stg, 0)
        plsc.subcore_barrier()

        def phase(p, c):
            pltpu.sync_copy(dst_hbm.at[wid * PH + p], idx_d)
            pltpu.sync_copy(src_hbm.at[wid * PH + p], idx_s)

            def body(i, c2):
                cp_d = pltpu.async_copy(tbl_sh.at[idx_d.at[i]], buf_d, sem_d)
                cp_s = pltpu.async_copy(tbl_sh.at[idx_s.at[i]], buf_s, sem_s)
                cp_d.wait()
                cp_s.wait()
                row = base + (p * CPP + i) * CH
                pltpu.sync_copy(buf_d, gd_hbm.at[pl.ds(row, CH)])
                pltpu.sync_copy(buf_s, gs_hbm.at[pl.ds(row, CH)])
                return c2

            return lax.fori_loop(0, CPP, body, c)

        lax.fori_loop(0, PH, phase, 0)

    return k(tbl, dstw, srcw)


def _sc_scatter(msg2, dstw2, zrows):
    @functools.partial(
        pl.kernel,
        out_type=jax.ShapeDtypeStruct((2, NT, MD), _f32),
        mesh=plsc.VectorSubcoreMesh(**_MESH),
        scratch_types=[
            pltpu.VMEM((NCHK, CH), jnp.int32),
            pltpu.VMEM((CH, MD), _f32),
            pltpu.VMEM((CH, MD), _f32),
            pltpu.VMEM_SHARED((NT, MD), _f32),
        ])
    def k(msg_hbm, dst_hbm, z_hbm, out_hbm, idx, bufl, buf2, agg):
        cid = lax.axis_index("c")
        sid = lax.axis_index("s")
        wid = sid * 2 + cid
        row0 = sid * RPS
        pltpu.sync_copy(z_hbm, buf2)

        def z0(kk, c):
            pltpu.sync_copy(buf2, agg.at[pl.ds(row0 + kk * CH, CH)])
            return c

        lax.fori_loop(0, RPS // CH, z0, 0)
        pltpu.sync_copy(dst_hbm.at[wid], idx)
        plsc.subcore_barrier()

        def body(i, c2):
            pltpu.sync_copy(msg_hbm.at[wid * NCHK + i], bufl)
            pltpu.sync_copy(bufl, agg.at[idx.at[i]], add=True)
            return c2

        lax.fori_loop(0, NCHK, body, 0)
        plsc.subcore_barrier()

        def cpout(kk, c):
            pltpu.sync_copy(agg.at[pl.ds(row0 + kk * CH, CH)], buf2)
            pltpu.sync_copy(buf2, out_hbm.at[cid, pl.ds(row0 + kk * CH, CH)])
            return c

        lax.fori_loop(0, RPS // CH, cpout, 0)

    return k(msg2, dstw2, zrows)



def _full(shape):
    return pl.BlockSpec(shape, lambda *_: tuple(0 for _ in shape))


def _prologue(h, x, W, b, g, bb):
    def body(h_ref, x_ref, W_ref, b_ref, g_ref, bb_ref, o_ref):
        z = _dotT(h_ref[...], W_ref[...]) + b_ref[...]
        mu = jnp.mean(z, axis=0, keepdims=True)
        var = jnp.mean(z * z, axis=0, keepdims=True) - mu * mu
        hh = _leak((z - mu) * lax.rsqrt(var + 1e-5) * g_ref[...] + bb_ref[...])
        blk = jnp.concatenate([hh, x_ref[...], jnp.zeros((N, TD - 35), _f32)],
                              axis=1)
        o_ref[...] = jnp.concatenate([blk, jnp.zeros((NT - N, TD), _f32)],
                                     axis=0)

    return pl.pallas_call(
        body,
        out_shape=jax.ShapeDtypeStruct((NT, TD), _f32),
    )(h, x, W, b, g, bb)


def _edge_stats(gd, gs):
    def body(gd_ref, gs_ref, o_ref):
        i = pl.program_id(0)
        gdv = gd_ref[...]
        gsv = gs_ref[...]
        hi = gdv[:, :NC]
        hj = gsv[:, :NC]
        diff = gdv[:, NC:NC + 3] - gsv[:, NC:NC + 3]
        dsq = jnp.sum(diff * diff, axis=1, keepdims=True)
        d = jnp.sqrt(dsq)
        z63 = jnp.zeros((1, 63), _f32)
        s1 = jnp.concatenate([jnp.sum(hi, 0, keepdims=True),
                              jnp.sum(hj, 0, keepdims=True),
                              jnp.sum(d, 0, keepdims=True), z63], axis=1)
        s2 = jnp.concatenate([jnp.sum(hi * hi, 0, keepdims=True),
                              jnp.sum(hj * hj, 0, keepdims=True),
                              jnp.sum(dsq, 0, keepdims=True), z63], axis=1)
        blk = jnp.concatenate([s1, s2], axis=0)

        @pl.when(i == 0)
        def _():
            o_ref[...] = blk

        @pl.when(i != 0)
        def _():
            o_ref[...] = o_ref[...] + blk

    return pl.pallas_call(
        body,
        grid=(GRID_E,),
        in_specs=[pl.BlockSpec((BE, TD), lambda i: (i, 0)),
                  pl.BlockSpec((BE, TD), lambda i: (i, 0))],
        out_specs=pl.BlockSpec((2, 128), lambda i: (0, 0)),
        out_shape=jax.ShapeDtypeStruct((2, 128), _f32),
    )(gd, gs)


def _edge_mlp(gd, gs, st, eg, eb, W1, b1, W2, b2, cW1, cb1, cW2):
    def body(gd_ref, gs_ref, st_ref, eg_ref, eb_ref, W1_ref, b1_ref,
             W2_ref, b2_ref, cW1_ref, cb1_ref, cW2_ref, o_ref):
        inv_e = 1.0 / E
        mu = st_ref[0:1, 0:65] * inv_e
        var = st_ref[1:2, 0:65] * inv_e - mu * mu
        s = eg_ref[...] * lax.rsqrt(var + 1e-5)
        t = eb_ref[...] - mu * s
        gdv = gd_ref[...]
        gsv = gs_ref[...]
        hi = gdv[:, :NC]
        hj = gsv[:, :NC]
        diff = gdv[:, NC:NC + 3] - gsv[:, NC:NC + 3]
        d = jnp.sqrt(jnp.sum(diff * diff, axis=1, keepdims=True))
        m = jnp.concatenate([hi, hj, d], axis=1) * s + t
        y = _leak(_dotT(m, W1_ref[...]) + b1_ref[...])
        m2 = _leak(_dotT(y, W2_ref[...]) + b2_ref[...])
        c1 = _leak(_dotT(m2, cW1_ref[...]) + cb1_ref[...])
        c = _dotT(c1, cW2_ref[...])
        o_ref[...] = jnp.concatenate(
            [m2, diff * c, jnp.zeros((BE, MD - 35), _f32)], axis=1)

    wspecs = [_full(w.shape) for w in
              (st, eg, eb, W1, b1, W2, b2, cW1, cb1, cW2)]
    return pl.pallas_call(
        body,
        grid=(GRID_E,),
        in_specs=[pl.BlockSpec((BE, TD), lambda i: (i, 0)),
                  pl.BlockSpec((BE, TD), lambda i: (i, 0))] + wspecs,
        out_specs=pl.BlockSpec((BE, MD), lambda i: (i, 0)),
        out_shape=jax.ShapeDtypeStruct((EP, MD), _f32),
    )(gd, gs, st, eg, eb, W1, b1, W2, b2, cW1, cb1, cW2)


def _node_update(tprev, parts, W1, b1, g, bb, W2, b2):
    def body(t_ref, p_ref, W1_ref, b1_ref, g_ref, bb_ref, W2_ref, b2_ref,
             o_ref):
        tv = t_ref[...]
        agg = p_ref[0] + p_ref[1]
        hh = tv[:N, 0:NC]
        x_new = tv[:N, NC:NC + 3] + agg[:N, NC:NC + 3]
        z = _dotT(jnp.concatenate([hh, agg[:N, 0:NC]], axis=1),
                  W1_ref[...]) + b1_ref[...]
        mu = jnp.mean(z, axis=0, keepdims=True)
        var = jnp.mean(z * z, axis=0, keepdims=True) - mu * mu
        z = _leak((z - mu) * lax.rsqrt(var + 1e-5) * g_ref[...] + bb_ref[...])
        hn = _dotT(z, W2_ref[...]) + b2_ref[...]
        blk = jnp.concatenate([hn, x_new, jnp.zeros((N, TD - 35), _f32)],
                              axis=1)
        o_ref[...] = jnp.concatenate([blk, jnp.zeros((NT - N, TD), _f32)],
                                     axis=0)

    return pl.pallas_call(
        body,
        out_shape=jax.ShapeDtypeStruct((NT, TD), _f32),
    )(tprev, parts, W1, b1, g, bb, W2, b2)


def _final_proj(t2, W, b):
    def body(t_ref, W_ref, b_ref, o_ref):
        o_ref[...] = _dotT(t_ref[:N, 0:NC], W_ref[...]) + b_ref[...]

    return pl.pallas_call(
        body,
        out_shape=jax.ShapeDtypeStruct((N, 128), _f32),
    )(t2, W, b)




def _jnp_rest(h, x, edge_index, params, use_sc_gather=True, use_sc_scatter=False, gl=(0, 1), sl=(0, 1)):
    p = params
    src = edge_index[0].astype(jnp.int32)
    dst = edge_index[1].astype(jnp.int32)
    pad_ids = (jnp.arange(EP - E, dtype=jnp.int32) % (NT - N)) + N
    dstw = jnp.concatenate([dst, pad_ids]).reshape(NW * PH, CPP, CH)
    srcw = jnp.concatenate([src, pad_ids]).reshape(NW * PH, CPP, CH)
    zrows = jnp.zeros((CH, MD), _f32)

    def bn(v, g, b):
        mu = jnp.mean(v, 0); var = jnp.var(v, 0)
        return (v - mu) / jnp.sqrt(var + 1e-5) * g + b
    hh = _leak(bn(h @ p['ri_W'].T + p['ri_b'], p['ri_g'], p['ri_bb']))
    xx = x
    for l in range(2):
        pre = 'l%d_' % l
        tbl = jnp.zeros((NT, TD), _f32).at[:N, :NC].set(hh).at[:N, NC:NC+3].set(xx)
        if use_sc_gather and l in gl:
            gd, gs = _sc_gather(tbl, dstw, srcw)
        else:
            gd = tbl[dstw.reshape(-1)]
            gs = tbl[srcw.reshape(-1)]
        hi = gd[:E, :NC]; hj = gs[:E, :NC]
        diff = gd[:E, NC:NC+3] - gs[:E, NC:NC+3]
        d = jnp.sqrt(jnp.sum(diff*diff, 1, keepdims=True))
        m = jnp.concatenate([hi, hj, d], 1)
        m = bn(m, p[pre+'ein_g'], p[pre+'ein_b'])
        m = _leak(m @ p[pre+'e_W1'].T + p[pre+'e_b1'])
        m = _leak(m @ p[pre+'e_W2'].T + p[pre+'e_b2'])
        c = _leak(m @ p[pre+'c_W1'].T + p[pre+'c_b1'])
        c = c @ p[pre+'c_W2'].T
        x_ij = diff * c
        msg = jnp.concatenate([m, x_ij, jnp.zeros((E, MD-35), _f32)], 1)
        msgp = jnp.concatenate([msg, jnp.zeros((EP-E, MD), _f32)], 0)
        if use_sc_scatter and l in sl:
            parts = _sc_scatter(msgp.reshape(NW*NCHK, CH, MD),
                                jnp.concatenate([dst, pad_ids]).reshape(NW, NCHK, CH), zrows)
            agg = (parts[0] + parts[1])[:N]
        else:
            agg = jnp.zeros((N, MD), _f32).at[dst].add(msg[:E])
        m_agg = agg[:, :NC]
        xx = xx + agg[:, NC:NC+3]
        z = jnp.concatenate([hh, m_agg], 1) @ p[pre+'n_W1'].T + p[pre+'n_b1']
        hh = _leak(bn(z, p[pre+'n_g'], p[pre+'n_bb'])) @ p[pre+'n_W2'].T + p[pre+'n_b2']
    out = hh @ p['ro_W'].T + p['ro_b']
    return jnp.concatenate([out, xx], 1)


def kernel(h, x, edge_index, params):
    p = params
    src = edge_index[0].astype(jnp.int32)
    dst = edge_index[1].astype(jnp.int32)
    pad_ids = (jnp.arange(EP - E, dtype=jnp.int32) % (NT - N)) + N
    dstw = jnp.concatenate([dst, pad_ids]).reshape(NW * PH, CPP, CH)
    srcw = jnp.concatenate([src, pad_ids]).reshape(NW * PH, CPP, CH)
    zrows = jnp.zeros((CH, MD), _f32)

    def row(v):
        return v.reshape(1, -1)

    tbl = _prologue(h, x, p['ri_W'], row(p['ri_b']), row(p['ri_g']),
                    row(p['ri_bb']))
    for l in range(2):
        pre = 'l%d_' % l
        gd, gs = _sc_gather(tbl, dstw, srcw)
        st = _edge_stats(gd, gs)
        msg = _edge_mlp(gd, gs, st,
                        row(p[pre + 'ein_g']), row(p[pre + 'ein_b']),
                        p[pre + 'e_W1'], row(p[pre + 'e_b1']),
                        p[pre + 'e_W2'], row(p[pre + 'e_b2']),
                        p[pre + 'c_W1'], row(p[pre + 'c_b1']),
                        p[pre + 'c_W2'])
        parts = _sc_scatter(msg.reshape(NW * NCHK, CH, MD),
                            jnp.concatenate([dst, pad_ids]).reshape(NW, NCHK, CH),
                            zrows)
        tbl = _node_update(tbl, parts,
                           p[pre + 'n_W1'], row(p[pre + 'n_b1']),
                           row(p[pre + 'n_g']), row(p[pre + 'n_bb']),
                           p[pre + 'n_W2'], row(p[pre + 'n_b2']))
    out = _final_proj(tbl, p['ro_W'], row(p['ro_b']))
    return jnp.concatenate([out, tbl[:N, NC:NC + 3]], axis=1)

# --- scband reference (transcript-rebuilt; emitter-appended) ---
"""Pipeline reference for scband-egcn-31834297598021 (READ-ONLY COPY).

The authoritative reference and input builder live on the scoring server;
editing this copy changes nothing except your own understanding.
"""

import jax, jax.numpy as jnp
import numpy as np

NC = 32
CC = 3

def _leaky(v):
    return jnp.where(v > 0, v, 0.01 * v)

def _bn(v, g, b, eps=1e-5):
    mu = jnp.mean(v, axis=0)
    var = jnp.var(v, axis=0)
    return (v - mu) / jnp.sqrt(var + eps) * g + b

def _lin(v, W, b=None):
    y = v @ W.T
    if b is not None:
        y = y + b
    return y

def _layer(h, x, edge_index, p, pre):
    src = edge_index[0]
    dst = edge_index[1]
    h_i = h[dst]; h_j = h[src]
    x_i = x[dst]; x_j = x[src]
    diff = x_i - x_j
    d = jnp.sqrt(jnp.sum(diff * diff, axis=1, keepdims=True))
    m = jnp.concatenate([h_i, h_j, d], axis=1)
    m = _bn(m, p[pre + 'ein_g'], p[pre + 'ein_b'])
    m = _leaky(_lin(m, p[pre + 'e_W1'], p[pre + 'e_b1']))
    m = _leaky(_lin(m, p[pre + 'e_W2'], p[pre + 'e_b2']))
    c = _leaky(_lin(m, p[pre + 'c_W1'], p[pre + 'c_b1']))
    c = _lin(c, p[pre + 'c_W2'])
    x_ij = diff * c
    msg = jnp.concatenate([m, x_ij], axis=1)
    agg = jnp.zeros((h.shape[0], NC + CC), dtype=msg.dtype).at[dst].add(msg)
    m_agg = agg[:, :NC]
    x_new = x + agg[:, NC:]
    z = _lin(jnp.concatenate([h, m_agg], axis=1), p[pre + 'n_W1'], p[pre + 'n_b1'])
    z = _leaky(_bn(z, p[pre + 'n_g'], p[pre + 'n_bb']))
    h_new = _lin(z, p[pre + 'n_W2'], p[pre + 'n_b2'])
    return h_new, x_new

def _forward(h, x, edge_index, params):
    hh = _leaky(_bn(_lin(h, params['ri_W'], params['ri_b']), params['ri_g'], params['ri_bb']))
    xx = x
    for l in range(2):
        hh, xx = _layer(hh, xx, edge_index, params, 'l%d_' % l)
    out = _lin(hh, params['ro_W'], params['ro_b'])
    return jnp.concatenate([out, xx], axis=1)

def setup_inputs(seed: int = 0):
    key = jax.random.key(seed)
    ks = jax.random.split(key, 32)
    N, E = 10000, 320000
    IN, OUT = 128, 128
    h = jax.random.normal(ks[0], (N, IN), dtype=jnp.float32)
    x = jax.random.normal(ks[1], (N, CC), dtype=jnp.float32)
    src = jax.random.randint(ks[2], (E,), 0, N)
    offs = jax.random.randint(ks[3], (E,), 1, N)
    dst = (src + offs) % N
    edge_index = jnp.stack([src, dst], axis=0)
    idx = [4]
    def w(shape, scale=0.1):
        a = jax.random.normal(ks[idx[0]], shape, dtype=jnp.float32) * scale
        idx[0] += 1
        return a
    p = {}
    p['ri_W'] = w((NC, IN)); p['ri_b'] = jnp.zeros((NC,), jnp.float32)
    p['ri_g'] = jnp.ones((NC,), jnp.float32); p['ri_bb'] = jnp.zeros((NC,), jnp.float32)
    for l in range(2):
        pre = 'l%d_' % l
        p[pre + 'ein_g'] = jnp.ones((2 * NC + 1,), jnp.float32)
        p[pre + 'ein_b'] = jnp.zeros((2 * NC + 1,), jnp.float32)
        p[pre + 'e_W1'] = w((NC, 2 * NC + 1)); p[pre + 'e_b1'] = jnp.zeros((NC,), jnp.float32)
        p[pre + 'e_W2'] = w((NC, NC)); p[pre + 'e_b2'] = jnp.zeros((NC,), jnp.float32)
        p[pre + 'c_W1'] = w((NC, NC)); p[pre + 'c_b1'] = jnp.zeros((NC,), jnp.float32)
        p[pre + 'c_W2'] = w((CC, NC), scale=0.001)
        p[pre + 'n_W1'] = w((NC, 2 * NC)); p[pre + 'n_b1'] = jnp.zeros((NC,), jnp.float32)
        p[pre + 'n_g'] = jnp.ones((NC,), jnp.float32); p[pre + 'n_bb'] = jnp.zeros((NC,), jnp.float32)
        p[pre + 'n_W2'] = w((NC, NC)); p[pre + 'n_b2'] = jnp.zeros((NC,), jnp.float32)
    p['ro_W'] = w((OUT, NC)); p['ro_b'] = jnp.zeros((OUT,), jnp.float32)
    return {'h': h, 'x': x, 'edge_index': edge_index, 'params': p}

def reference(h, x, edge_index, params):
    return _forward(h, x, edge_index, params)

if __name__ == "__main__":
    import jax
    _d = setup_inputs()
    print(jax.jit(kernel)(*tuple(_d.values())))

</pallas_src>

<mosaic_0001>
#map = affine_map<(d0, d1) -> (0, 0, 0)>
#map1 = affine_map<(d0, d1) -> (0, 0)>
module attributes {stable_mosaic.version = 14 : i64} {
  func.func @k(%arg0: i32, %arg1: i32, %arg2: memref<2560x128x128xf32, #tpu.memory_space<hbm>>, %arg3: memref<32x80x128xi32, #tpu.memory_space<hbm>>, %arg4: memref<128x128xf32, #tpu.memory_space<hbm>>, %arg5: memref<2x10240x128xf32, #tpu.memory_space<hbm>>, %arg6: memref<80x128xi32, #tpu.memory_space<vmem>>, %arg7: memref<128x128xf32, #tpu.memory_space<vmem>>, %arg8: memref<128x128xf32, #tpu.memory_space<vmem>>, %arg9: memref<10240x128xf32, #tpu.memory_space<vmem_shared>>) attributes {dimension_semantics = [#tpu.dimension_semantics<core_parallel>, #tpu.dimension_semantics<subcore_parallel>], iteration_bounds = array<i64: 2, 16>, scalar_prefetch = 0 : i64, scratch_operands = 4 : i64, tpu.core_type = #tpu.core_type<sc_vector_subcore>, window_params = [{transform_indices = #map}, {transform_indices = #map}, {transform_indices = #map1}, {transform_indices = #map}]} {
    %mul3A = arith.constant 2 : i32
    %mul3A_0 = arith.muli %arg1, %mul3A : i32
    %add3A = arith.addi %mul3A_0, %arg0 : i32
    %mul3A_1 = arith.constant 640 : i32
    %mul3A_2 = arith.muli %arg1, %mul3A_1 : i32
    "tpu.region"() ({
      %run_scoped3A = tpu.sem_alloc : memref<!tpu.dma_semaphore, #tpu.memory_space<semaphore_mem>>
      tpu.enqueue_dma source(%arg4 : memref<128x128xf32, #tpu.memory_space<hbm>>) target(%arg8 : memref<128x128xf32, #tpu.memory_space<vmem>>) target_semaphore(%run_scoped3A : memref<!tpu.dma_semaphore, #tpu.memory_space<semaphore_mem>>)
      tpu.wait_dma2 semaphore(%run_scoped3A : memref<!tpu.dma_semaphore, #tpu.memory_space<semaphore_mem>>) src(%arg4 : memref<128x128xf32, #tpu.memory_space<hbm>>) dst(%arg8 : memref<128x128xf32, #tpu.memory_space<vmem>>)
      tpu.yield
    }) : () -> ()
    %scan3A = arith.constant 0 : i32
    %scan3A_3 = arith.constant 0 : i32
    %scan3A_4 = arith.constant 5 : i32
    %scan3A_5 = arith.addi %scan3A_3, %scan3A_4 : i32
    %scan3A_6 = arith.constant 1 : i32
    scf.for %scan3A_21 = %scan3A_3 to %scan3A_5 step %scan3A_6  : i32 {
      %mul3A_22 = arith.constant 128 : i32
      %mul3A_23 = arith.muli %scan3A_21, %mul3A_22 : i32
      %add3A_24 = arith.addi %mul3A_2, %mul3A_23 : i32
      "tpu.region"() ({
        %run_scoped3A = tpu.sem_alloc : memref<!tpu.dma_semaphore, #tpu.memory_space<semaphore_mem>>
        %dma_start3A = arith.constant 0 : i32
        %dma_start3A_25 = tpu.memref_slice %arg9[%add3A_24, %dma_start3A] : memref<10240x128xf32, #tpu.memory_space<vmem_shared>> -> memref<128x128xf32, #tpu.memory_space<vmem_shared>>
        %dma_start3A_26 = arith.constant 0 : i32
        %dma_start3A_27 = tpu.memref_slice %arg9[%add3A_24, %dma_start3A_26] : memref<10240x128xf32, #tpu.memory_space<vmem_shared>> -> memref<128x128xf32, #tpu.memory_space<vmem_shared>>
        tpu.enqueue_dma source(%arg8 : memref<128x128xf32, #tpu.memory_space<vmem>>) target(%dma_start3A_27 : memref<128x128xf32, #tpu.memory_space<vmem_shared>>) target_semaphore(%run_scoped3A : memref<!tpu.dma_semaphore, #tpu.memory_space<semaphore_mem>>)
        %dma_wait3A = arith.constant 0 : i32
        %dma_wait3A_28 = tpu.memref_slice %arg9[%add3A_24, %dma_wait3A] : memref<10240x128xf32, #tpu.memory_space<vmem_shared>> -> memref<128x128xf32, #tpu.memory_space<vmem_shared>>
        %dma_wait3A_29 = arith.constant 0 : i32
        %dma_wait3A_30 = tpu.memref_slice %arg9[%add3A_24, %dma_wait3A_29] : memref<10240x128xf32, #tpu.memory_space<vmem_shared>> -> memref<128x128xf32, #tpu.memory_space<vmem_shared>>
        tpu.wait_dma2 semaphore(%run_scoped3A : memref<!tpu.dma_semaphore, #tpu.memory_space<semaphore_mem>>) src(%arg8 : memref<128x128xf32, #tpu.memory_space<vmem>>) dst(%dma_wait3A_30 : memref<128x128xf32, #tpu.memory_space<vmem_shared>>)
        tpu.yield
      }) : () -> ()
    }
    %scan3A_7 = arith.constant 5 : i32
    "tpu.region"() ({
      %run_scoped3A = tpu.sem_alloc : memref<!tpu.dma_semaphore, #tpu.memory_space<semaphore_mem>>
      %dma_start3A = arith.constant 0 : i32
      %dma_start3A_21 = arith.constant 0 : i32
      %dma_start3A_22 = tpu.memref_slice %arg3[%add3A, %dma_start3A, %dma_start3A_21] : memref<32x80x128xi32, #tpu.memory_space<hbm>> -> memref<1x80x128xi32, #tpu.memory_space<hbm>>
      %dma_start3A_23 = tpu.memref_squeeze %dma_start3A_22 : memref<1x80x128xi32, #tpu.memory_space<hbm>> -> memref<80x128xi32, #tpu.memory_space<hbm>>
      %dma_start3A_24 = arith.constant 0 : i32
      %dma_start3A_25 = arith.constant 0 : i32
      %dma_start3A_26 = tpu.memref_slice %arg3[%add3A, %dma_start3A_24, %dma_start3A_25] : memref<32x80x128xi32, #tpu.memory_space<hbm>> -> memref<1x80x128xi32, #tpu.memory_space<hbm>>
      %dma_start3A_27 = tpu.memref_squeeze %dma_start3A_26 : memref<1x80x128xi32, #tpu.memory_space<hbm>> -> memref<80x128xi32, #tpu.memory_space<hbm>>
      tpu.enqueue_dma source(%dma_start3A_27 : memref<80x128xi32, #tpu.memory_space<hbm>>) target(%arg6 : memref<80x128xi32, #tpu.memory_space<vmem>>) target_semaphore(%run_scoped3A : memref<!tpu.dma_semaphore, #tpu.memory_space<semaphore_mem>>)
      %dma_wait3A = arith.constant 0 : i32
      %dma_wait3A_28 = arith.constant 0 : i32
      %dma_wait3A_29 = tpu.memref_slice %arg3[%add3A, %dma_wait3A, %dma_wait3A_28] : memref<32x80x128xi32, #tpu.memory_space<hbm>> -> memref<1x80x128xi32, #tpu.memory_space<hbm>>
      %dma_wait3A_30 = tpu.memref_squeeze %dma_wait3A_29 : memref<1x80x128xi32, #tpu.memory_space<hbm>> -> memref<80x128xi32, #tpu.memory_space<hbm>>
      %dma_wait3A_31 = arith.constant 0 : i32
      %dma_wait3A_32 = arith.constant 0 : i32
      %dma_wait3A_33 = tpu.memref_slice %arg3[%add3A, %dma_wait3A_31, %dma_wait3A_32] : memref<32x80x128xi32, #tpu.memory_space<hbm>> -> memref<1x80x128xi32, #tpu.memory_space<hbm>>
      %dma_wait3A_34 = tpu.memref_squeeze %dma_wait3A_33 : memref<1x80x128xi32, #tpu.memory_space<hbm>> -> memref<80x128xi32, #tpu.memory_space<hbm>>
      tpu.wait_dma2 semaphore(%run_scoped3A : memref<!tpu.dma_semaphore, #tpu.memory_space<semaphore_mem>>) src(%dma_wait3A_34 : memref<80x128xi32, #tpu.memory_space<hbm>>) dst(%arg6 : memref<80x128xi32, #tpu.memory_space<vmem>>)
      tpu.yield
    }) : () -> ()
    %barrier3A = arith.constant 0 : index
    tpu.barrier barrier_id(%barrier3A)
    %scan3A_8 = arith.constant 0 : i32
    %scan3A_9 = arith.constant 0 : i32
    %scan3A_10 = arith.constant 80 : i32
    %scan3A_11 = arith.addi %scan3A_9, %scan3A_10 : i32
    %scan3A_12 = arith.constant 1 : i32
    scf.for %scan3A_21 = %scan3A_9 to %scan3A_11 step %scan3A_12  : i32 {
      %mul3A_22 = arith.constant 80 : i32
      %mul3A_23 = arith.muli %add3A, %mul3A_22 : i32
      %add3A_24 = arith.addi %mul3A_23, %scan3A_21 : i32
      "tpu.region"() ({
        %run_scoped3A = tpu.sem_alloc : memref<!tpu.dma_semaphore, #tpu.memory_space<semaphore_mem>>
        %dma_start3A = arith.constant 0 : i32
        %dma_start3A_25 = arith.constant 0 : i32
        %dma_start3A_26 = tpu.memref_slice %arg2[%add3A_24, %dma_start3A, %dma_start3A_25] : memref<2560x128x128xf32, #tpu.memory_space<hbm>> -> memref<1x128x128xf32, #tpu.memory_space<hbm>>
        %dma_start3A_27 = tpu.memref_squeeze %dma_start3A_26 : memref<1x128x128xf32, #tpu.memory_space<hbm>> -> memref<128x128xf32, #tpu.memory_space<hbm>>
        %dma_start3A_28 = arith.constant 0 : i32
        %dma_start3A_29 = arith.constant 0 : i32
        %dma_start3A_30 = tpu.memref_slice %arg2[%add3A_24, %dma_start3A_28, %dma_start3A_29] : memref<2560x128x128xf32, #tpu.memory_space<hbm>> -> memref<1x128x128xf32, #tpu.memory_space<hbm>>
        %dma_start3A_31 = tpu.memref_squeeze %dma_start3A_30 : memref<1x128x128xf32, #tpu.memory_space<hbm>> -> memref<128x128xf32, #tpu.memory_space<hbm>>
        tpu.enqueue_dma source(%dma_start3A_31 : memref<128x128xf32, #tpu.memory_space<hbm>>) target(%arg7 : memref<128x128xf32, #tpu.memory_space<vmem>>) target_semaphore(%run_scoped3A : memref<!tpu.dma_semaphore, #tpu.memory_space<semaphore_mem>>)
        %dma_wait3A = arith.constant 0 : i32
        %dma_wait3A_32 = arith.constant 0 : i32
        %dma_wait3A_33 = tpu.memref_slice %arg2[%add3A_24, %dma_wait3A, %dma_wait3A_32] : memref<2560x128x128xf32, #tpu.memory_space<hbm>> -> memref<1x128x128xf32, #tpu.memory_space<hbm>>
        %dma_wait3A_34 = tpu.memref_squeeze %dma_wait3A_33 : memref<1x128x128xf32, #tpu.memory_space<hbm>> -> memref<128x128xf32, #tpu.memory_space<hbm>>
        %dma_wait3A_35 = arith.constant 0 : i32
        %dma_wait3A_36 = arith.constant 0 : i32
        %dma_wait3A_37 = tpu.memref_slice %arg2[%add3A_24, %dma_wait3A_35, %dma_wait3A_36] : memref<2560x128x128xf32, #tpu.memory_space<hbm>> -> memref<1x128x128xf32, #tpu.memory_space<hbm>>
        %dma_wait3A_38 = tpu.memref_squeeze %dma_wait3A_37 : memref<1x128x128xf32, #tpu.memory_space<hbm>> -> memref<128x128xf32, #tpu.memory_space<hbm>>
        tpu.wait_dma2 semaphore(%run_scoped3A : memref<!tpu.dma_semaphore, #tpu.memory_space<semaphore_mem>>) src(%dma_wait3A_38 : memref<128x128xf32, #tpu.memory_space<hbm>>) dst(%arg7 : memref<128x128xf32, #tpu.memory_space<vmem>>)
        tpu.yield
      }) : () -> ()
      "tpu.region"() ({
        %run_scoped3A = tpu.sem_alloc : memref<!tpu.dma_semaphore, #tpu.memory_space<semaphore_mem>>
        %dma_start3A = arith.constant 0 : i32
        %dma_start3A_25 = tpu.memref_slice %arg6[%scan3A_21, %dma_start3A] : memref<80x128xi32, #tpu.memory_space<vmem>> -> memref<1x128xi32, #tpu.memory_space<vmem>>
        %dma_start3A_26 = tpu.memref_squeeze %dma_start3A_25 : memref<1x128xi32, #tpu.memory_space<vmem>> -> memref<128xi32, #tpu.memory_space<vmem>>
        %dma_start3A_27 = arith.constant 0 : i32
        %dma_start3A_28 = arith.constant 0 : i32
        %dma_start3A_29 = tpu.memref_slice %arg9[%dma_start3A_27, %dma_start3A_28] : memref<10240x128xf32, #tpu.memory_space<vmem_shared>> -> memref<10240x128xf32, #tpu.memory_space<vmem_shared>>
        tpu.enqueue_indirect_dma source(%arg7 : memref<128x128xf32, #tpu.memory_space<vmem>>) target(%dma_start3A_29 : memref<10240x128xf32, #tpu.memory_space<vmem_shared>>) offsets(%dma_start3A_26 : memref<128xi32, #tpu.memory_space<vmem>>) semaphore(%run_scoped3A : memref<!tpu.dma_semaphore, #tpu.memory_space<semaphore_mem>>) {add = true}
        %dma_wait3A = arith.constant 0 : i32
        %dma_wait3A_30 = tpu.memref_slice %arg6[%scan3A_21, %dma_wait3A] : memref<80x128xi32, #tpu.memory_space<vmem>> -> memref<1x128xi32, #tpu.memory_space<vmem>>
        %dma_wait3A_31 = tpu.memref_squeeze %dma_wait3A_30 : memref<1x128xi32, #tpu.memory_space<vmem>> -> memref<128xi32, #tpu.memory_space<vmem>>
        %dma_wait3A_32 = arith.constant 0 : i32
        %dma_wait3A_33 = arith.constant 0 : i32
        %dma_wait3A_34 = tpu.memref_slice %arg9[%dma_wait3A_32, %dma_wait3A_33] : memref<10240x128xf32, #tpu.memory_space<vmem_shared>> -> memref<10240x128xf32, #tpu.memory_space<vmem_shared>>
        tpu.wait_indirect_dma semaphore(%run_scoped3A : memref<!tpu.dma_semaphore, #tpu.memory_space<semaphore_mem>>) src(%arg7 : memref<128x128xf32, #tpu.memory_space<vmem>>) dst(%dma_wait3A_34 : memref<10240x128xf32, #tpu.memory_space<vmem_shared>>)
        tpu.yield
      }) : () -> ()
    }
    %scan3A_13 = arith.constant 80 : i32
    %barrier3A_14 = arith.constant 0 : index
    tpu.barrier barrier_id(%barrier3A_14)
    %scan3A_15 = arith.constant 0 : i32
    %scan3A_16 = arith.constant 0 : i32
    %scan3A_17 = arith.constant 5 : i32
    %scan3A_18 = arith.addi %scan3A_16, %scan3A_17 : i32
    %scan3A_19 = arith.constant 1 : i32
    scf.for %scan3A_21 = %scan3A_16 to %scan3A_18 step %scan3A_19  : i32 {
      %mul3A_22 = arith.constant 128 : i32
      %mul3A_23 = arith.muli %scan3A_21, %mul3A_22 : i32
      %add3A_24 = arith.addi %mul3A_2, %mul3A_23 : i32
      "tpu.region"() ({
        %run_scoped3A = tpu.sem_alloc : memref<!tpu.dma_semaphore, #tpu.memory_space<semaphore_mem>>
        %dma_start3A = arith.constant 0 : i32
        %dma_start3A_28 = tpu.memref_slice %arg9[%add3A_24, %dma_start3A] : memref<10240x128xf32, #tpu.memory_space<vmem_shared>> -> memref<128x128xf32, #tpu.memory_space<vmem_shared>>
        %dma_start3A_29 = arith.constant 0 : i32
        %dma_start3A_30 = tpu.memref_slice %arg9[%add3A_24, %dma_start3A_29] : memref<10240x128xf32, #tpu.memory_space<vmem_shared>> -> memref<128x128xf32, #tpu.memory_space<vmem_shared>>
        tpu.enqueue_dma source(%dma_start3A_30 : memref<128x128xf32, #tpu.memory_space<vmem_shared>>) target(%arg8 : memref<128x128xf32, #tpu.memory_space<vmem>>) target_semaphore(%run_scoped3A : memref<!tpu.dma_semaphore, #tpu.memory_space<semaphore_mem>>)
        %dma_wait3A = arith.constant 0 : i32
        %dma_wait3A_31 = tpu.memref_slice %arg9[%add3A_24, %dma_wait3A] : memref<10240x128xf32, #tpu.memory_space<vmem_shared>> -> memref<128x128xf32, #tpu.memory_space<vmem_shared>>
        %dma_wait3A_32 = arith.constant 0 : i32
        %dma_wait3A_33 = tpu.memref_slice %arg9[%add3A_24, %dma_wait3A_32] : memref<10240x128xf32, #tpu.memory_space<vmem_shared>> -> memref<128x128xf32, #tpu.memory_space<vmem_shared>>
        tpu.wait_dma2 semaphore(%run_scoped3A : memref<!tpu.dma_semaphore, #tpu.memory_space<semaphore_mem>>) src(%dma_wait3A_33 : memref<128x128xf32, #tpu.memory_space<vmem_shared>>) dst(%arg8 : memref<128x128xf32, #tpu.memory_space<vmem>>)
        tpu.yield
      }) : () -> ()
      %mul3A_25 = arith.constant 128 : i32
      %mul3A_26 = arith.muli %scan3A_21, %mul3A_25 : i32
      %add3A_27 = arith.addi %mul3A_2, %mul3A_26 : i32
      "tpu.region"() ({
        %run_scoped3A = tpu.sem_alloc : memref<!tpu.dma_semaphore, #tpu.memory_space<semaphore_mem>>
        %dma_start3A = arith.constant 0 : i32
        %dma_start3A_28 = tpu.memref_slice %arg5[%arg0, %add3A_27, %dma_start3A] : memref<2x10240x128xf32, #tpu.memory_space<hbm>> -> memref<1x128x128xf32, #tpu.memory_space<hbm>>
        %dma_start3A_29 = tpu.memref_squeeze %dma_start3A_28 : memref<1x128x128xf32, #tpu.memory_space<hbm>> -> memref<128x128xf32, #tpu.memory_space<hbm>>
        %dma_start3A_30 = arith.constant 0 : i32
        %dma_start3A_31 = tpu.memref_slice %arg5[%arg0, %add3A_27, %dma_start3A_30] : memref<2x10240x128xf32, #tpu.memory_space<hbm>> -> memref<1x128x128xf32, #tpu.memory_space<hbm>>
        %dma_start3A_32 = tpu.memref_squeeze %dma_start3A_31 : memref<1x128x128xf32, #tpu.memory_space<hbm>> -> memref<128x128xf32, #tpu.memory_space<hbm>>
        tpu.enqueue_dma source(%arg8 : memref<128x128xf32, #tpu.memory_space<vmem>>) target(%dma_start3A_32 : memref<128x128xf32, #tpu.memory_space<hbm>>) target_semaphore(%run_scoped3A : memref<!tpu.dma_semaphore, #tpu.memory_space<semaphore_mem>>)
        %dma_wait3A = arith.constant 0 : i32
        %dma_wait3A_33 = tpu.memref_slice %arg5[%arg0, %add3A_27, %dma_wait3A] : memref<2x10240x128xf32, #tpu.memory_space<hbm>> -> memref<1x128x128xf32, #tpu.memory_space<hbm>>
        %dma_wait3A_34 = tpu.memref_squeeze %dma_wait3A_33 : memref<1x128x128xf32, #tpu.memory_space<hbm>> -> memref<128x128xf32, #tpu.memory_space<hbm>>
        %dma_wait3A_35 = arith.constant 0 : i32
        %dma_wait3A_36 = tpu.memref_slice %arg5[%arg0, %add3A_27, %dma_wait3A_35] : memref<2x10240x128xf32, #tpu.memory_space<hbm>> -> memref<1x128x128xf32, #tpu.memory_space<hbm>>
        %dma_wait3A_37 = tpu.memref_squeeze %dma_wait3A_36 : memref<1x128x128xf32, #tpu.memory_space<hbm>> -> memref<128x128xf32, #tpu.memory_space<hbm>>
        tpu.wait_dma2 semaphore(%run_scoped3A : memref<!tpu.dma_semaphore, #tpu.memory_space<semaphore_mem>>) src(%arg8 : memref<128x128xf32, #tpu.memory_space<vmem>>) dst(%dma_wait3A_37 : memref<128x128xf32, #tpu.memory_space<hbm>>)
        tpu.yield
      }) : () -> ()
    }
    %scan3A_20 = arith.constant 5 : i32
    return
  }
}

#map = affine_map<(d0, d1) -> (0, 0)>
#map1 = affine_map<(d0, d1) -> (0, 0, 0)>
module attributes {stable_mosaic.version = 14 : i64} {
  func.func @k(%arg0: i32, %arg1: i32, %arg2: memref<10240x128xf32, #tpu.memory_space<hbm>>, %arg3: memref<160x16x128xi32, #tpu.memory_space<hbm>>, %arg4: memref<160x16x128xi32, #tpu.memory_space<hbm>>, %arg5: memref<327680x128xf32, #tpu.memory_space<hbm>>, %arg6: memref<327680x128xf32, #tpu.memory_space<hbm>>, %arg7: memref<16x128xi32, #tpu.memory_space<vmem>>, %arg8: memref<16x128xi32, #tpu.memory_space<vmem>>, %arg9: memref<128x128xf32, #tpu.memory_space<vmem>>, %arg10: memref<128x128xf32, #tpu.memory_space<vmem>>, %arg11: memref<10240x128xf32, #tpu.memory_space<vmem_shared>>, %arg12: memref<!tpu.dma_semaphore, #tpu.memory_space<semaphore_mem>>, %arg13: memref<!tpu.dma_semaphore, #tpu.memory_space<semaphore_mem>>) attributes {dimension_semantics = [#tpu.dimension_semantics<core_parallel>, #tpu.dimension_semantics<subcore_parallel>], iteration_bounds = array<i64: 2, 16>, scalar_prefetch = 0 : i64, scratch_operands = 7 : i64, tpu.core_type = #tpu.core_type<sc_vector_subcore>, window_params = [{transform_indices = #map}, {transform_indices = #map1}, {transform_indices = #map1}, {transform_indices = #map}, {transform_indices = #map}]} {
    %mul3A = arith.constant 2 : i32
    %mul3A_0 = arith.muli %arg1, %mul3A : i32
    %add3A = arith.addi %mul3A_0, %arg0 : i32
    %mul3A_1 = arith.constant 10240 : i32
    %mul3A_2 = arith.muli %add3A, %mul3A_1 : i32
    %mul3A_3 = arith.constant 640 : i32
    %mul3A_4 = arith.muli %arg1, %mul3A_3 : i32
    %scan3A = arith.constant 0 : i32
    %scan3A_5 = arith.constant 0 : i32
    %scan3A_6 = arith.constant 5 : i32
    %scan3A_7 = arith.addi %scan3A_5, %scan3A_6 : i32
    %scan3A_8 = arith.constant 1 : i32
    scf.for %scan3A_16 = %scan3A_5 to %scan3A_7 step %scan3A_8  : i32 {
      %mul3A_17 = arith.constant 128 : i32
      %mul3A_18 = arith.muli %scan3A_16, %mul3A_17 : i32
      %add3A_19 = arith.addi %mul3A_4, %mul3A_18 : i32
      "tpu.region"() ({
        %run_scoped3A = tpu.sem_alloc : memref<!tpu.dma_semaphore, #tpu.memory_space<semaphore_mem>>
        %dma_start3A = arith.constant 0 : i32
        %dma_start3A_23 = tpu.memref_slice %arg2[%add3A_19, %dma_start3A] : memref<10240x128xf32, #tpu.memory_space<hbm>> -> memref<128x128xf32, #tpu.memory_space<hbm>>
        %dma_start3A_24 = arith.constant 0 : i32
        %dma_start3A_25 = tpu.memref_slice %arg2[%add3A_19, %dma_start3A_24] : memref<10240x128xf32, #tpu.memory_space<hbm>> -> memref<128x128xf32, #tpu.memory_space<hbm>>
        tpu.enqueue_dma source(%dma_start3A_25 : memref<128x128xf32, #tpu.memory_space<hbm>>) target(%arg9 : memref<128x128xf32, #tpu.memory_space<vmem>>) target_semaphore(%run_scoped3A : memref<!tpu.dma_semaphore, #tpu.memory_space<semaphore_mem>>)
        %dma_wait3A = arith.constant 0 : i32
        %dma_wait3A_26 = tpu.memref_slice %arg2[%add3A_19, %dma_wait3A] : memref<10240x128xf32, #tpu.memory_space<hbm>> -> memref<128x128xf32, #tpu.memory_space<hbm>>
        %dma_wait3A_27 = arith.constant 0 : i32
        %dma_wait3A_28 = tpu.memref_slice %arg2[%add3A_19, %dma_wait3A_27] : memref<10240x128xf32, #tpu.memory_space<hbm>> -> memref<128x128xf32, #tpu.memory_space<hbm>>
        tpu.wait_dma2 semaphore(%run_scoped3A : memref<!tpu.dma_semaphore, #tpu.memory_space<semaphore_mem>>) src(%dma_wait3A_28 : memref<128x128xf32, #tpu.memory_space<hbm>>) dst(%arg9 : memref<128x128xf32, #tpu.memory_space<vmem>>)
        tpu.yield
      }) : () -> ()
      %mul3A_20 = arith.constant 128 : i32
      %mul3A_21 = arith.muli %scan3A_16, %mul3A_20 : i32
      %add3A_22 = arith.addi %mul3A_4, %mul3A_21 : i32
      "tpu.region"() ({
        %run_scoped3A = tpu.sem_alloc : memref<!tpu.dma_semaphore, #tpu.memory_space<semaphore_mem>>
        %dma_start3A = arith.constant 0 : i32
        %dma_start3A_23 = tpu.memref_slice %arg11[%add3A_22, %dma_start3A] : memref<10240x128xf32, #tpu.memory_space<vmem_shared>> -> memref<128x128xf32, #tpu.memory_space<vmem_shared>>
        %dma_start3A_24 = arith.constant 0 : i32
        %dma_start3A_25 = tpu.memref_slice %arg11[%add3A_22, %dma_start3A_24] : memref<10240x128xf32, #tpu.memory_space<vmem_shared>> -> memref<128x128xf32, #tpu.memory_space<vmem_shared>>
        tpu.enqueue_dma source(%arg9 : memref<128x128xf32, #tpu.memory_space<vmem>>) target(%dma_start3A_25 : memref<128x128xf32, #tpu.memory_space<vmem_shared>>) target_semaphore(%run_scoped3A : memref<!tpu.dma_semaphore, #tpu.memory_space<semaphore_mem>>)
        %dma_wait3A = arith.constant 0 : i32
        %dma_wait3A_26 = tpu.memref_slice %arg11[%add3A_22, %dma_wait3A] : memref<10240x128xf32, #tpu.memory_space<vmem_shared>> -> memref<128x128xf32, #tpu.memory_space<vmem_shared>>
        %dma_wait3A_27 = arith.constant 0 : i32
        %dma_wait3A_28 = tpu.memref_slice %arg11[%add3A_22, %dma_wait3A_27] : memref<10240x128xf32, #tpu.memory_space<vmem_shared>> -> memref<128x128xf32, #tpu.memory_space<vmem_shared>>
        tpu.wait_dma2 semaphore(%run_scoped3A : memref<!tpu.dma_semaphore, #tpu.memory_space<semaphore_mem>>) src(%arg9 : memref<128x128xf32, #tpu.memory_space<vmem>>) dst(%dma_wait3A_28 : memref<128x128xf32, #tpu.memory_space<vmem_shared>>)
        tpu.yield
      }) : () -> ()
    }
    %scan3A_9 = arith.constant 5 : i32
    %barrier3A = arith.constant 0 : index
    tpu.barrier barrier_id(%barrier3A)
    %scan3A_10 = arith.constant 0 : i32
    %scan3A_11 = arith.constant 0 : i32
    %scan3A_12 = arith.constant 5 : i32
    %scan3A_13 = arith.addi %scan3A_11, %scan3A_12 : i32
    %scan3A_14 = arith.constant 1 : i32
    scf.for %scan3A_16 = %scan3A_11 to %scan3A_13 step %scan3A_14  : i32 {
      %mul3A_17 = arith.constant 5 : i32
      %mul3A_18 = arith.muli %add3A, %mul3A_17 : i32
      %add3A_19 = arith.addi %mul3A_18, %scan3A_16 : i32
      "tpu.region"() ({
        %run_scoped3A = tpu.sem_alloc : memref<!tpu.dma_semaphore, #tpu.memory_space<semaphore_mem>>
        %dma_start3A = arith.constant 0 : i32
        %dma_start3A_28 = arith.constant 0 : i32
        %dma_start3A_29 = tpu.memref_slice %arg3[%add3A_19, %dma_start3A, %dma_start3A_28] : memref<160x16x128xi32, #tpu.memory_space<hbm>> -> memref<1x16x128xi32, #tpu.memory_space<hbm>>
        %dma_start3A_30 = tpu.memref_squeeze %dma_start3A_29 : memref<1x16x128xi32, #tpu.memory_space<hbm>> -> memref<16x128xi32, #tpu.memory_space<hbm>>
        %dma_start3A_31 = arith.constant 0 : i32
        %dma_start3A_32 = arith.constant 0 : i32
        %dma_start3A_33 = tpu.memref_slice %arg3[%add3A_19, %dma_start3A_31, %dma_start3A_32] : memref<160x16x128xi32, #tpu.memory_space<hbm>> -> memref<1x16x128xi32, #tpu.memory_space<hbm>>
        %dma_start3A_34 = tpu.memref_squeeze %dma_start3A_33 : memref<1x16x128xi32, #tpu.memory_space<hbm>> -> memref<16x128xi32, #tpu.memory_space<hbm>>
        tpu.enqueue_dma source(%dma_start3A_34 : memref<16x128xi32, #tpu.memory_space<hbm>>) target(%arg7 : memref<16x128xi32, #tpu.memory_space<vmem>>) target_semaphore(%run_scoped3A : memref<!tpu.dma_semaphore, #tpu.memory_space<semaphore_mem>>)
        %dma_wait3A = arith.constant 0 : i32
        %dma_wait3A_35 = arith.constant 0 : i32
        %dma_wait3A_36 = tpu.memref_slice %arg3[%add3A_19, %dma_wait3A, %dma_wait3A_35] : memref<160x16x128xi32, #tpu.memory_space<hbm>> -> memref<1x16x128xi32, #tpu.memory_space<hbm>>
        %dma_wait3A_37 = tpu.memref_squeeze %dma_wait3A_36 : memref<1x16x128xi32, #tpu.memory_space<hbm>> -> memref<16x128xi32, #tpu.memory_space<hbm>>
        %dma_wait3A_38 = arith.constant 0 : i32
        %dma_wait3A_39 = arith.constant 0 : i32
        %dma_wait3A_40 = tpu.memref_slice %arg3[%add3A_19, %dma_wait3A_38, %dma_wait3A_39] : memref<160x16x128xi32, #tpu.memory_space<hbm>> -> memref<1x16x128xi32, #tpu.memory_space<hbm>>
        %dma_wait3A_41 = tpu.memref_squeeze %dma_wait3A_40 : memref<1x16x128xi32, #tpu.memory_space<hbm>> -> memref<16x128xi32, #tpu.memory_space<hbm>>
        tpu.wait_dma2 semaphore(%run_scoped3A : memref<!tpu.dma_semaphore, #tpu.memory_space<semaphore_mem>>) src(%dma_wait3A_41 : memref<16x128xi32, #tpu.memory_space<hbm>>) dst(%arg7 : memref<16x128xi32, #tpu.memory_space<vmem>>)
        tpu.yield
      }) : () -> ()
      %mul3A_20 = arith.constant 5 : i32
      %mul3A_21 = arith.muli %add3A, %mul3A_20 : i32
      %add3A_22 = arith.addi %mul3A_21, %scan3A_16 : i32
      "tpu.region"() ({
        %run_scoped3A = tpu.sem_alloc : memref<!tpu.dma_semaphore, #tpu.memory_space<semaphore_mem>>
        %dma_start3A = arith.constant 0 : i32
        %dma_start3A_28 = arith.constant 0 : i32
        %dma_start3A_29 = tpu.memref_slice %arg4[%add3A_22, %dma_start3A, %dma_start3A_28] : memref<160x16x128xi32, #tpu.memory_space<hbm>> -> memref<1x16x128xi32, #tpu.memory_space<hbm>>
        %dma_start3A_30 = tpu.memref_squeeze %dma_start3A_29 : memref<1x16x128xi32, #tpu.memory_space<hbm>> -> memref<16x128xi32, #tpu.memory_space<hbm>>
        %dma_start3A_31 = arith.constant 0 : i32
        %dma_start3A_32 = arith.constant 0 : i32
        %dma_start3A_33 = tpu.memref_slice %arg4[%add3A_22, %dma_start3A_31, %dma_start3A_32] : memref<160x16x128xi32, #tpu.memory_space<hbm>> -> memref<1x16x128xi32, #tpu.memory_space<hbm>>
        %dma_start3A_34 = tpu.memref_squeeze %dma_start3A_33 : memref<1x16x128xi32, #tpu.memory_space<hbm>> -> memref<16x128xi32, #tpu.memory_space<hbm>>
        tpu.enqueue_dma source(%dma_start3A_34 : memref<16x128xi32, #tpu.memory_space<hbm>>) target(%arg8 : memref<16x128xi32, #tpu.memory_space<vmem>>) target_semaphore(%run_scoped3A : memref<!tpu.dma_semaphore, #tpu.memory_space<semaphore_mem>>)
        %dma_wait3A = arith.constant 0 : i32
        %dma_wait3A_35 = arith.constant 0 : i32
        %dma_wait3A_36 = tpu.memref_slice %arg4[%add3A_22, %dma_wait3A, %dma_wait3A_35] : memref<160x16x128xi32, #tpu.memory_space<hbm>> -> memref<1x16x128xi32, #tpu.memory_space<hbm>>
        %dma_wait3A_37 = tpu.memref_squeeze %dma_wait3A_36 : memref<1x16x128xi32, #tpu.memory_space<hbm>> -> memref<16x128xi32, #tpu.memory_space<hbm>>
        %dma_wait3A_38 = arith.constant 0 : i32
        %dma_wait3A_39 = arith.constant 0 : i32
        %dma_wait3A_40 = tpu.memref_slice %arg4[%add3A_22, %dma_wait3A_38, %dma_wait3A_39] : memref<160x16x128xi32, #tpu.memory_space<hbm>> -> memref<1x16x128xi32, #tpu.memory_space<hbm>>
        %dma_wait3A_41 = tpu.memref_squeeze %dma_wait3A_40 : memref<1x16x128xi32, #tpu.memory_space<hbm>> -> memref<16x128xi32, #tpu.memory_space<hbm>>
        tpu.wait_dma2 semaphore(%run_scoped3A : memref<!tpu.dma_semaphore, #tpu.memory_space<semaphore_mem>>) src(%dma_wait3A_41 : memref<16x128xi32, #tpu.memory_space<hbm>>) dst(%arg8 : memref<16x128xi32, #tpu.memory_space<vmem>>)
        tpu.yield
      }) : () -> ()
      %scan3A_23 = arith.constant 0 : i32
      %scan3A_24 = arith.constant 16 : i32
      %scan3A_25 = arith.addi %scan3A_23, %scan3A_24 : i32
      %scan3A_26 = arith.constant 1 : i32
      scf.for %scan3A_28 = %scan3A_23 to %scan3A_25 step %scan3A_26  : i32 {
        %dma_start3A = arith.constant 0 : i32
        %dma_start3A_29 = tpu.memref_slice %arg7[%scan3A_28, %dma_start3A] : memref<16x128xi32, #tpu.memory_space<vmem>> -> memref<1x128xi32, #tpu.memory_space<vmem>>
        %dma_start3A_30 = tpu.memref_squeeze %dma_start3A_29 : memref<1x128xi32, #tpu.memory_space<vmem>> -> memref<128xi32, #tpu.memory_space<vmem>>
        %dma_start3A_31 = arith.constant 0 : i32
        %dma_start3A_32 = arith.constant 0 : i32
        %dma_start3A_33 = tpu.memref_slice %arg11[%dma_start3A_31, %dma_start3A_32] : memref<10240x128xf32, #tpu.memory_space<vmem_shared>> -> memref<10240x128xf32, #tpu.memory_space<vmem_shared>>
        tpu.enqueue_indirect_dma source(%dma_start3A_33 : memref<10240x128xf32, #tpu.memory_space<vmem_shared>>) target(%arg9 : memref<128x128xf32, #tpu.memory_space<vmem>>) offsets(%dma_start3A_30 : memref<128xi32, #tpu.memory_space<vmem>>) semaphore(%arg12 : memref<!tpu.dma_semaphore, #tpu.memory_space<semaphore_mem>>)
        %dma_start3A_34 = arith.constant 0 : i32
        %dma_start3A_35 = tpu.memref_slice %arg8[%scan3A_28, %dma_start3A_34] : memref<16x128xi32, #tpu.memory_space<vmem>> -> memref<1x128xi32, #tpu.memory_space<vmem>>
        %dma_start3A_36 = tpu.memref_squeeze %dma_start3A_35 : memref<1x128xi32, #tpu.memory_space<vmem>> -> memref<128xi32, #tpu.memory_space<vmem>>
        %dma_start3A_37 = arith.constant 0 : i32
        %dma_start3A_38 = arith.constant 0 : i32
        %dma_start3A_39 = tpu.memref_slice %arg11[%dma_start3A_37, %dma_start3A_38] : memref<10240x128xf32, #tpu.memory_space<vmem_shared>> -> memref<10240x128xf32, #tpu.memory_space<vmem_shared>>
        tpu.enqueue_indirect_dma source(%dma_start3A_39 : memref<10240x128xf32, #tpu.memory_space<vmem_shared>>) target(%arg10 : memref<128x128xf32, #tpu.memory_space<vmem>>) offsets(%dma_start3A_36 : memref<128xi32, #tpu.memory_space<vmem>>) semaphore(%arg13 : memref<!tpu.dma_semaphore, #tpu.memory_space<semaphore_mem>>)
        %dma_wait3A = arith.constant 0 : i32
        %dma_wait3A_40 = tpu.memref_slice %arg7[%scan3A_28, %dma_wait3A] : memref<16x128xi32, #tpu.memory_space<vmem>> -> memref<1x128xi32, #tpu.memory_space<vmem>>
        %dma_wait3A_41 = tpu.memref_squeeze %dma_wait3A_40 : memref<1x128xi32, #tpu.memory_space<vmem>> -> memref<128xi32, #tpu.memory_space<vmem>>
        %dma_wait3A_42 = arith.constant 0 : i32
        %dma_wait3A_43 = arith.constant 0 : i32
        %dma_wait3A_44 = tpu.memref_slice %arg11[%dma_wait3A_42, %dma_wait3A_43] : memref<10240x128xf32, #tpu.memory_space<vmem_shared>> -> memref<10240x128xf32, #tpu.memory_space<vmem_shared>>
        tpu.wait_indirect_dma semaphore(%arg12 : memref<!tpu.dma_semaphore, #tpu.memory_space<semaphore_mem>>) src(%dma_wait3A_44 : memref<10240x128xf32, #tpu.memory_space<vmem_shared>>) dst(%arg9 : memref<128x128xf32, #tpu.memory_space<vmem>>)
        %dma_wait3A_45 = arith.constant 0 : i32
        %dma_wait3A_46 = tpu.memref_slice %arg8[%scan3A_28, %dma_wait3A_45] : memref<16x128xi32, #tpu.memory_space<vmem>> -> memref<1x128xi32, #tpu.memory_space<vmem>>
        %dma_wait3A_47 = tpu.memref_squeeze %dma_wait3A_46 : memref<1x128xi32, #tpu.memory_space<vmem>> -> memref<128xi32, #tpu.memory_space<vmem>>
        %dma_wait3A_48 = arith.constant 0 : i32
        %dma_wait3A_49 = arith.constant 0 : i32
        %dma_wait3A_50 = tpu.memref_slice %arg11[%dma_wait3A_48, %dma_wait3A_49] : memref<10240x128xf32, #tpu.memory_space<vmem_shared>> -> memref<10240x128xf32, #tpu.memory_space<vmem_shared>>
        tpu.wait_indirect_dma semaphore(%arg13 : memref<!tpu.dma_semaphore, #tpu.memory_space<semaphore_mem>>) src(%dma_wait3A_50 : memref<10240x128xf32, #tpu.memory_space<vmem_shared>>) dst(%arg10 : memref<128x128xf32, #tpu.memory_space<vmem>>)
        %mul3A_51 = arith.constant 16 : i32
        %mul3A_52 = arith.muli %scan3A_16, %mul3A_51 : i32
        %add3A_53 = arith.addi %mul3A_52, %scan3A_28 : i32
        %mul3A_54 = arith.constant 128 : i32
        %mul3A_55 = arith.muli %add3A_53, %mul3A_54 : i32
        %add3A_56 = arith.addi %mul3A_2, %mul3A_55 : i32
        "tpu.region"() ({
          %run_scoped3A = tpu.sem_alloc : memref<!tpu.dma_semaphore, #tpu.memory_space<semaphore_mem>>
          %dma_start3A_57 = arith.constant 0 : i32
          %dma_start3A_58 = tpu.memref_slice %arg5[%add3A_56, %dma_start3A_57] : memref<327680x128xf32, #tpu.memory_space<hbm>> -> memref<128x128xf32, #tpu.memory_space<hbm>>
          %dma_start3A_59 = arith.constant 0 : i32
          %dma_start3A_60 = tpu.memref_slice %arg5[%add3A_56, %dma_start3A_59] : memref<327680x128xf32, #tpu.memory_space<hbm>> -> memref<128x128xf32, #tpu.memory_space<hbm>>
          tpu.enqueue_dma source(%arg9 : memref<128x128xf32, #tpu.memory_space<vmem>>) target(%dma_start3A_60 : memref<128x128xf32, #tpu.memory_space<hbm>>) target_semaphore(%run_scoped3A : memref<!tpu.dma_semaphore, #tpu.memory_space<semaphore_mem>>)
          %dma_wait3A_61 = arith.constant 0 : i32
          %dma_wait3A_62 = tpu.memref_slice %arg5[%add3A_56, %dma_wait3A_61] : memref<327680x128xf32, #tpu.memory_space<hbm>> -> memref<128x128xf32, #tpu.memory_space<hbm>>
          %dma_wait3A_63 = arith.constant 0 : i32
          %dma_wait3A_64 = tpu.memref_slice %arg5[%add3A_56, %dma_wait3A_63] : memref<327680x128xf32, #tpu.memory_space<hbm>> -> memref<128x128xf32, #tpu.memory_space<hbm>>
          tpu.wait_dma2 semaphore(%run_scoped3A : memref<!tpu.dma_semaphore, #tpu.memory_space<semaphore_mem>>) src(%arg9 : memref<128x128xf32, #tpu.memory_space<vmem>>) dst(%dma_wait3A_64 : memref<128x128xf32, #tpu.memory_space<hbm>>)
          tpu.yield
        }) : () -> ()
        "tpu.region"() ({
          %run_scoped3A = tpu.sem_alloc : memref<!tpu.dma_semaphore, #tpu.memory_space<semaphore_mem>>
          %dma_start3A_57 = arith.constant 0 : i32
          %dma_start3A_58 = tpu.memref_slice %arg6[%add3A_56, %dma_start3A_57] : memref<327680x128xf32, #tpu.memory_space<hbm>> -> memref<128x128xf32, #tpu.memory_space<hbm>>
          %dma_start3A_59 = arith.constant 0 : i32
          %dma_start3A_60 = tpu.memref_slice %arg6[%add3A_56, %dma_start3A_59] : memref<327680x128xf32, #tpu.memory_space<hbm>> -> memref<128x128xf32, #tpu.memory_space<hbm>>
          tpu.enqueue_dma source(%arg10 : memref<128x128xf32, #tpu.memory_space<vmem>>) target(%dma_start3A_60 : memref<128x128xf32, #tpu.memory_space<hbm>>) target_semaphore(%run_scoped3A : memref<!tpu.dma_semaphore, #tpu.memory_space<semaphore_mem>>)
          %dma_wait3A_61 = arith.constant 0 : i32
          %dma_wait3A_62 = tpu.memref_slice %arg6[%add3A_56, %dma_wait3A_61] : memref<327680x128xf32, #tpu.memory_space<hbm>> -> memref<128x128xf32, #tpu.memory_space<hbm>>
          %dma_wait3A_63 = arith.constant 0 : i32
          %dma_wait3A_64 = tpu.memref_slice %arg6[%add3A_56, %dma_wait3A_63] : memref<327680x128xf32, #tpu.memory_space<hbm>> -> memref<128x128xf32, #tpu.memory_space<hbm>>
          tpu.wait_dma2 semaphore(%run_scoped3A : memref<!tpu.dma_semaphore, #tpu.memory_space<semaphore_mem>>) src(%arg10 : memref<128x128xf32, #tpu.memory_space<vmem>>) dst(%dma_wait3A_64 : memref<128x128xf32, #tpu.memory_space<hbm>>)
          tpu.yield
        }) : () -> ()
      }
      %scan3A_27 = arith.constant 16 : i32
    }
    %scan3A_15 = arith.constant 5 : i32
    return
  }
}

#map = affine_map<(d0, d1) -> (0, 0, 0)>
#map1 = affine_map<(d0, d1) -> (0, 0)>
module attributes {stable_mosaic.version = 14 : i64} {
  func.func @k(%arg0: i32, %arg1: i32, %arg2: memref<2560x128x128xf32, #tpu.memory_space<hbm>>, %arg3: memref<32x80x128xi32, #tpu.memory_space<hbm>>, %arg4: memref<128x128xf32, #tpu.memory_space<hbm>>, %arg5: memref<2x10240x128xf32, #tpu.memory_space<hbm>>, %arg6: memref<80x128xi32, #tpu.memory_space<vmem>>, %arg7: memref<128x128xf32, #tpu.memory_space<vmem>>, %arg8: memref<128x128xf32, #tpu.memory_space<vmem>>, %arg9: memref<10240x128xf32, #tpu.memory_space<vmem_shared>>) attributes {dimension_semantics = [#tpu.dimension_semantics<core_parallel>, #tpu.dimension_semantics<subcore_parallel>], iteration_bounds = array<i64: 2, 16>, scalar_prefetch = 0 : i64, scratch_operands = 4 : i64, tpu.core_type = #tpu.core_type<sc_vector_subcore>, window_params = [{transform_indices = #map}, {transform_indices = #map}, {transform_indices = #map1}, {transform_indices = #map}]} {
    %mul3A = arith.constant 2 : i32
    %mul3A_0 = arith.muli %arg1, %mul3A : i32
    %add3A = arith.addi %mul3A_0, %arg0 : i32
    %mul3A_1 = arith.constant 640 : i32
    %mul3A_2 = arith.muli %arg1, %mul3A_1 : i32
    "tpu.region"() ({
      %run_scoped3A = tpu.sem_alloc : memref<!tpu.dma_semaphore, #tpu.memory_space<semaphore_mem>>
      tpu.enqueue_dma source(%arg4 : memref<128x128xf32, #tpu.memory_space<hbm>>) target(%arg8 : memref<128x128xf32, #tpu.memory_space<vmem>>) target_semaphore(%run_scoped3A : memref<!tpu.dma_semaphore, #tpu.memory_space<semaphore_mem>>)
      tpu.wait_dma2 semaphore(%run_scoped3A : memref<!tpu.dma_semaphore, #tpu.memory_space<semaphore_mem>>) src(%arg4 : memref<128x128xf32, #tpu.memory_space<hbm>>) dst(%arg8 : memref<128x128xf32, #tpu.memory_space<vmem>>)
      tpu.yield
    }) : () -> ()
    %scan3A = arith.constant 0 : i32
    %scan3A_3 = arith.constant 0 : i32
    %scan3A_4 = arith.constant 5 : i32
    %scan3A_5 = arith.addi %scan3A_3, %scan3A_4 : i32
    %scan3A_6 = arith.constant 1 : i32
    scf.for %scan3A_21 = %scan3A_3 to %scan3A_5 step %scan3A_6  : i32 {
      %mul3A_22 = arith.constant 128 : i32
      %mul3A_23 = arith.muli %scan3A_21, %mul3A_22 : i32
      %add3A_24 = arith.addi %mul3A_2, %mul3A_23 : i32
      "tpu.region"() ({
        %run_scoped3A = tpu.sem_alloc : memref<!tpu.dma_semaphore, #tpu.memory_space<semaphore_mem>>
        %dma_start3A = arith.constant 0 : i32
        %dma_start3A_25 = tpu.memref_slice %arg9[%add3A_24, %dma_start3A] : memref<10240x128xf32, #tpu.memory_space<vmem_shared>> -> memref<128x128xf32, #tpu.memory_space<vmem_shared>>
        %dma_start3A_26 = arith.constant 0 : i32
        %dma_start3A_27 = tpu.memref_slice %arg9[%add3A_24, %dma_start3A_26] : memref<10240x128xf32, #tpu.memory_space<vmem_shared>> -> memref<128x128xf32, #tpu.memory_space<vmem_shared>>
        tpu.enqueue_dma source(%arg8 : memref<128x128xf32, #tpu.memory_space<vmem>>) target(%dma_start3A_27 : memref<128x128xf32, #tpu.memory_space<vmem_shared>>) target_semaphore(%run_scoped3A : memref<!tpu.dma_semaphore, #tpu.memory_space<semaphore_mem>>)
        %dma_wait3A = arith.constant 0 : i32
        %dma_wait3A_28 = tpu.memref_slice %arg9[%add3A_24, %dma_wait3A] : memref<10240x128xf32, #tpu.memory_space<vmem_shared>> -> memref<128x128xf32, #tpu.memory_space<vmem_shared>>
        %dma_wait3A_29 = arith.constant 0 : i32
        %dma_wait3A_30 = tpu.memref_slice %arg9[%add3A_24, %dma_wait3A_29] : memref<10240x128xf32, #tpu.memory_space<vmem_shared>> -> memref<128x128xf32, #tpu.memory_space<vmem_shared>>
        tpu.wait_dma2 semaphore(%run_scoped3A : memref<!tpu.dma_semaphore, #tpu.memory_space<semaphore_mem>>) src(%arg8 : memref<128x128xf32, #tpu.memory_space<vmem>>) dst(%dma_wait3A_30 : memref<128x128xf32, #tpu.memory_space<vmem_shared>>)
        tpu.yield
      }) : () -> ()
    }
    %scan3A_7 = arith.constant 5 : i32
    "tpu.region"() ({
      %run_scoped3A = tpu.sem_alloc : memref<!tpu.dma_semaphore, #tpu.memory_space<semaphore_mem>>
      %dma_start3A = arith.constant 0 : i32
      %dma_start3A_21 = arith.constant 0 : i32
      %dma_start3A_22 = tpu.memref_slice %arg3[%add3A, %dma_start3A, %dma_start3A_21] : memref<32x80x128xi32, #tpu.memory_space<hbm>> -> memref<1x80x128xi32, #tpu.memory_space<hbm>>
      %dma_start3A_23 = tpu.memref_squeeze %dma_start3A_22 : memref<1x80x128xi32, #tpu.memory_space<hbm>> -> memref<80x128xi32, #tpu.memory_space<hbm>>
      %dma_start3A_24 = arith.constant 0 : i32
      %dma_start3A_25 = arith.constant 0 : i32
      %dma_start3A_26 = tpu.memref_slice %arg3[%add3A, %dma_start3A_24, %dma_start3A_25] : memref<32x80x128xi32, #tpu.memory_space<hbm>> -> memref<1x80x128xi32, #tpu.memory_space<hbm>>
      %dma_start3A_27 = tpu.memref_squeeze %dma_start3A_26 : memref<1x80x128xi32, #tpu.memory_space<hbm>> -> memref<80x128xi32, #tpu.memory_space<hbm>>
      tpu.enqueue_dma source(%dma_start3A_27 : memref<80x128xi32, #tpu.memory_space<hbm>>) target(%arg6 : memref<80x128xi32, #tpu.memory_space<vmem>>) target_semaphore(%run_scoped3A : memref<!tpu.dma_semaphore, #tpu.memory_space<semaphore_mem>>)
      %dma_wait3A = arith.constant 0 : i32
      %dma_wait3A_28 = arith.constant 0 : i32
      %dma_wait3A_29 = tpu.memref_slice %arg3[%add3A, %dma_wait3A, %dma_wait3A_28] : memref<32x80x128xi32, #tpu.memory_space<hbm>> -> memref<1x80x128xi32, #tpu.memory_space<hbm>>
      %dma_wait3A_30 = tpu.memref_squeeze %dma_wait3A_29 : memref<1x80x128xi32, #tpu.memory_space<hbm>> -> memref<80x128xi32, #tpu.memory_space<hbm>>
      %dma_wait3A_31 = arith.constant 0 : i32
      %dma_wait3A_32 = arith.constant 0 : i32
      %dma_wait3A_33 = tpu.memref_slice %arg3[%add3A, %dma_wait3A_31, %dma_wait3A_32] : memref<32x80x128xi32, #tpu.memory_space<hbm>> -> memref<1x80x128xi32, #tpu.memory_space<hbm>>
      %dma_wait3A_34 = tpu.memref_squeeze %dma_wait3A_33 : memref<1x80x128xi32, #tpu.memory_space<hbm>> -> memref<80x128xi32, #tpu.memory_space<hbm>>
      tpu.wait_dma2 semaphore(%run_scoped3A : memref<!tpu.dma_semaphore, #tpu.memory_space<semaphore_mem>>) src(%dma_wait3A_34 : memref<80x128xi32, #tpu.memory_space<hbm>>) dst(%arg6 : memref<80x128xi32, #tpu.memory_space<vmem>>)
      tpu.yield
    }) : () -> ()
    %barrier3A = arith.constant 0 : index
    tpu.barrier barrier_id(%barrier3A)
    %scan3A_8 = arith.constant 0 : i32
    %scan3A_9 = arith.constant 0 : i32
    %scan3A_10 = arith.constant 80 : i32
    %scan3A_11 = arith.addi %scan3A_9, %scan3A_10 : i32
    %scan3A_12 = arith.constant 1 : i32
    scf.for %scan3A_21 = %scan3A_9 to %scan3A_11 step %scan3A_12  : i32 {
      %mul3A_22 = arith.constant 80 : i32
      %mul3A_23 = arith.muli %add3A, %mul3A_22 : i32
      %add3A_24 = arith.addi %mul3A_23, %scan3A_21 : i32
      "tpu.region"() ({
        %run_scoped3A = tpu.sem_alloc : memref<!tpu.dma_semaphore, #tpu.memory_space<semaphore_mem>>
        %dma_start3A = arith.constant 0 : i32
        %dma_start3A_25 = arith.constant 0 : i32
        %dma_start3A_26 = tpu.memref_slice %arg2[%add3A_24, %dma_start3A, %dma_start3A_25] : memref<2560x128x128xf32, #tpu.memory_space<hbm>> -> memref<1x128x128xf32, #tpu.memory_space<hbm>>
        %dma_start3A_27 = tpu.memref_squeeze %dma_start3A_26 : memref<1x128x128xf32, #tpu.memory_space<hbm>> -> memref<128x128xf32, #tpu.memory_space<hbm>>
        %dma_start3A_28 = arith.constant 0 : i32
        %dma_start3A_29 = arith.constant 0 : i32
        %dma_start3A_30 = tpu.memref_slice %arg2[%add3A_24, %dma_start3A_28, %dma_start3A_29] : memref<2560x128x128xf32, #tpu.memory_space<hbm>> -> memref<1x128x128xf32, #tpu.memory_space<hbm>>
        %dma_start3A_31 = tpu.memref_squeeze %dma_start3A_30 : memref<1x128x128xf32, #tpu.memory_space<hbm>> -> memref<128x128xf32, #tpu.memory_space<hbm>>
        tpu.enqueue_dma source(%dma_start3A_31 : memref<128x128xf32, #tpu.memory_space<hbm>>) target(%arg7 : memref<128x128xf32, #tpu.memory_space<vmem>>) target_semaphore(%run_scoped3A : memref<!tpu.dma_semaphore, #tpu.memory_space<semaphore_mem>>)
        %dma_wait3A = arith.constant 0 : i32
        %dma_wait3A_32 = arith.constant 0 : i32
        %dma_wait3A_33 = tpu.memref_slice %arg2[%add3A_24, %dma_wait3A, %dma_wait3A_32] : memref<2560x128x128xf32, #tpu.memory_space<hbm>> -> memref<1x128x128xf32, #tpu.memory_space<hbm>>
        %dma_wait3A_34 = tpu.memref_squeeze %dma_wait3A_33 : memref<1x128x128xf32, #tpu.memory_space<hbm>> -> memref<128x128xf32, #tpu.memory_space<hbm>>
        %dma_wait3A_35 = arith.constant 0 : i32
        %dma_wait3A_36 = arith.constant 0 : i32
        %dma_wait3A_37 = tpu.memref_slice %arg2[%add3A_24, %dma_wait3A_35, %dma_wait3A_36] : memref<2560x128x128xf32, #tpu.memory_space<hbm>> -> memref<1x128x128xf32, #tpu.memory_space<hbm>>
        %dma_wait3A_38 = tpu.memref_squeeze %dma_wait3A_37 : memref<1x128x128xf32, #tpu.memory_space<hbm>> -> memref<128x128xf32, #tpu.memory_space<hbm>>
        tpu.wait_dma2 semaphore(%run_scoped3A : memref<!tpu.dma_semaphore, #tpu.memory_space<semaphore_mem>>) src(%dma_wait3A_38 : memref<128x128xf32, #tpu.memory_space<hbm>>) dst(%arg7 : memref<128x128xf32, #tpu.memory_space<vmem>>)
        tpu.yield
      }) : () -> ()
      "tpu.region"() ({
        %run_scoped3A = tpu.sem_alloc : memref<!tpu.dma_semaphore, #tpu.memory_space<semaphore_mem>>
        %dma_start3A = arith.constant 0 : i32
        %dma_start3A_25 = tpu.memref_slice %arg6[%scan3A_21, %dma_start3A] : memref<80x128xi32, #tpu.memory_space<vmem>> -> memref<1x128xi32, #tpu.memory_space<vmem>>
        %dma_start3A_26 = tpu.memref_squeeze %dma_start3A_25 : memref<1x128xi32, #tpu.memory_space<vmem>> -> memref<128xi32, #tpu.memory_space<vmem>>
        %dma_start3A_27 = arith.constant 0 : i32
        %dma_start3A_28 = arith.constant 0 : i32
        %dma_start3A_29 = tpu.memref_slice %arg9[%dma_start3A_27, %dma_start3A_28] : memref<10240x128xf32, #tpu.memory_space<vmem_shared>> -> memref<10240x128xf32, #tpu.memory_space<vmem_shared>>
        tpu.enqueue_indirect_dma source(%arg7 : memref<128x128xf32, #tpu.memory_space<vmem>>) target(%dma_start3A_29 : memref<10240x128xf32, #tpu.memory_space<vmem_shared>>) offsets(%dma_start3A_26 : memref<128xi32, #tpu.memory_space<vmem>>) semaphore(%run_scoped3A : memref<!tpu.dma_semaphore, #tpu.memory_space<semaphore_mem>>) {add = true}
        %dma_wait3A = arith.constant 0 : i32
        %dma_wait3A_30 = tpu.memref_slice %arg6[%scan3A_21, %dma_wait3A] : memref<80x128xi32, #tpu.memory_space<vmem>> -> memref<1x128xi32, #tpu.memory_space<vmem>>
        %dma_wait3A_31 = tpu.memref_squeeze %dma_wait3A_30 : memref<1x128xi32, #tpu.memory_space<vmem>> -> memref<128xi32, #tpu.memory_space<vmem>>
        %dma_wait3A_32 = arith.constant 0 : i32
        %dma_wait3A_33 = arith.constant 0 : i32
        %dma_wait3A_34 = tpu.memref_slice %arg9[%dma_wait3A_32, %dma_wait3A_33] : memref<10240x128xf32, #tpu.memory_space<vmem_shared>> -> memref<10240x128xf32, #tpu.memory_space<vmem_shared>>
        tpu.wait_indirect_dma semaphore(%run_scoped3A : memref<!tpu.dma_semaphore, #tpu.memory_space<semaphore_mem>>) src(%arg7 : memref<128x128xf32, #tpu.memory_space<vmem>>) dst(%dma_wait3A_34 : memref<10240x128xf32, #tpu.memory_space<vmem_shared>>)
        tpu.yield
      }) : () -> ()
    }
    %scan3A_13 = arith.constant 80 : i32
    %barrier3A_14 = arith.constant 0 : index
    tpu.barrier barrier_id(%barrier3A_14)
    %scan3A_15 = arith.constant 0 : i32
    %scan3A_16 = arith.constant 0 : i32
    %scan3A_17 = arith.constant 5 : i32
    %scan3A_18 = arith.addi %scan3A_16, %scan3A_17 : i32
    %scan3A_19 = arith.constant 1 : i32
    scf.for %scan3A_21 = %scan3A_16 to %scan3A_18 step %scan3A_19  : i32 {
      %mul3A_22 = arith.constant 128 : i32
      %mul3A_23 = arith.muli %scan3A_21, %mul3A_22 : i32
      %add3A_24 = arith.addi %mul3A_2, %mul3A_23 : i32
      "tpu.region"() ({
        %run_scoped3A = tpu.sem_alloc : memref<!tpu.dma_semaphore, #tpu.memory_space<semaphore_mem>>
        %dma_start3A = arith.constant 0 : i32
        %dma_start3A_28 = tpu.memref_slice %arg9[%add3A_24, %dma_start3A] : memref<10240x128xf32, #tpu.memory_space<vmem_shared>> -> memref<128x128xf32, #tpu.memory_space<vmem_shared>>
        %dma_start3A_29 = arith.constant 0 : i32
        %dma_start3A_30 = tpu.memref_slice %arg9[%add3A_24, %dma_start3A_29] : memref<10240x128xf32, #tpu.memory_space<vmem_shared>> -> memref<128x128xf32, #tpu.memory_space<vmem_shared>>
        tpu.enqueue_dma source(%dma_start3A_30 : memref<128x128xf32, #tpu.memory_space<vmem_shared>>) target(%arg8 : memref<128x128xf32, #tpu.memory_space<vmem>>) target_semaphore(%run_scoped3A : memref<!tpu.dma_semaphore, #tpu.memory_space<semaphore_mem>>)
        %dma_wait3A = arith.constant 0 : i32
        %dma_wait3A_31 = tpu.memref_slice %arg9[%add3A_24, %dma_wait3A] : memref<10240x128xf32, #tpu.memory_space<vmem_shared>> -> memref<128x128xf32, #tpu.memory_space<vmem_shared>>
        %dma_wait3A_32 = arith.constant 0 : i32
        %dma_wait3A_33 = tpu.memref_slice %arg9[%add3A_24, %dma_wait3A_32] : memref<10240x128xf32, #tpu.memory_space<vmem_shared>> -> memref<128x128xf32, #tpu.memory_space<vmem_shared>>
        tpu.wait_dma2 semaphore(%run_scoped3A : memref<!tpu.dma_semaphore, #tpu.memory_space<semaphore_mem>>) src(%dma_wait3A_33 : memref<128x128xf32, #tpu.memory_space<vmem_shared>>) dst(%arg8 : memref<128x128xf32, #tpu.memory_space<vmem>>)
        tpu.yield
      }) : () -> ()
      %mul3A_25 = arith.constant 128 : i32
      %mul3A_26 = arith.muli %scan3A_21, %mul3A_25 : i32
      %add3A_27 = arith.addi %mul3A_2, %mul3A_26 : i32
      "tpu.region"() ({
        %run_scoped3A = tpu.sem_alloc : memref<!tpu.dma_semaphore, #tpu.memory_space<semaphore_mem>>
        %dma_start3A = arith.constant 0 : i32
        %dma_start3A_28 = tpu.memref_slice %arg5[%arg0, %add3A_27, %dma_start3A] : memref<2x10240x128xf32, #tpu.memory_space<hbm>> -> memref<1x128x128xf32, #tpu.memory_space<hbm>>
        %dma_start3A_29 = tpu.memref_squeeze %dma_start3A_28 : memref<1x128x128xf32, #tpu.memory_space<hbm>> -> memref<128x128xf32, #tpu.memory_space<hbm>>
        %dma_start3A_30 = arith.constant 0 : i32
        %dma_start3A_31 = tpu.memref_slice %arg5[%arg0, %add3A_27, %dma_start3A_30] : memref<2x10240x128xf32, #tpu.memory_space<hbm>> -> memref<1x128x128xf32, #tpu.memory_space<hbm>>
        %dma_start3A_32 = tpu.memref_squeeze %dma_start3A_31 : memref<1x128x128xf32, #tpu.memory_space<hbm>> -> memref<128x128xf32, #tpu.memory_space<hbm>>
        tpu.enqueue_dma source(%arg8 : memref<128x128xf32, #tpu.memory_space<vmem>>) target(%dma_start3A_32 : memref<128x128xf32, #tpu.memory_space<hbm>>) target_semaphore(%run_scoped3A : memref<!tpu.dma_semaphore, #tpu.memory_space<semaphore_mem>>)
        %dma_wait3A = arith.constant 0 : i32
        %dma_wait3A_33 = tpu.memref_slice %arg5[%arg0, %add3A_27, %dma_wait3A] : memref<2x10240x128xf32, #tpu.memory_space<hbm>> -> memref<1x128x128xf32, #tpu.memory_space<hbm>>
        %dma_wait3A_34 = tpu.memref_squeeze %dma_wait3A_33 : memref<1x128x128xf32, #tpu.memory_space<hbm>> -> memref<128x128xf32, #tpu.memory_space<hbm>>
        %dma_wait3A_35 = arith.constant 0 : i32
        %dma_wait3A_36 = tpu.memref_slice %arg5[%arg0, %add3A_27, %dma_wait3A_35] : memref<2x10240x128xf32, #tpu.memory_space<hbm>> -> memref<1x128x128xf32, #tpu.memory_space<hbm>>
        %dma_wait3A_37 = tpu.memref_squeeze %dma_wait3A_36 : memref<1x128x128xf32, #tpu.memory_space<hbm>> -> memref<128x128xf32, #tpu.memory_space<hbm>>
        tpu.wait_dma2 semaphore(%run_scoped3A : memref<!tpu.dma_semaphore, #tpu.memory_space<semaphore_mem>>) src(%arg8 : memref<128x128xf32, #tpu.memory_space<vmem>>) dst(%dma_wait3A_37 : memref<128x128xf32, #tpu.memory_space<hbm>>)
        tpu.yield
      }) : () -> ()
    }
    %scan3A_20 = arith.constant 5 : i32
    return
  }
}

#map = affine_map<(d0, d1) -> (0, 0)>
#map1 = affine_map<(d0, d1) -> (0, 0, 0)>
module attributes {stable_mosaic.version = 14 : i64} {
  func.func @k(%arg0: i32, %arg1: i32, %arg2: memref<10240x128xf32, #tpu.memory_space<hbm>>, %arg3: memref<160x16x128xi32, #tpu.memory_space<hbm>>, %arg4: memref<160x16x128xi32, #tpu.memory_space<hbm>>, %arg5: memref<327680x128xf32, #tpu.memory_space<hbm>>, %arg6: memref<327680x128xf32, #tpu.memory_space<hbm>>, %arg7: memref<16x128xi32, #tpu.memory_space<vmem>>, %arg8: memref<16x128xi32, #tpu.memory_space<vmem>>, %arg9: memref<128x128xf32, #tpu.memory_space<vmem>>, %arg10: memref<128x128xf32, #tpu.memory_space<vmem>>, %arg11: memref<10240x128xf32, #tpu.memory_space<vmem_shared>>, %arg12: memref<!tpu.dma_semaphore, #tpu.memory_space<semaphore_mem>>, %arg13: memref<!tpu.dma_semaphore, #tpu.memory_space<semaphore_mem>>) attributes {dimension_semantics = [#tpu.dimension_semantics<core_parallel>, #tpu.dimension_semantics<subcore_parallel>], iteration_bounds = array<i64: 2, 16>, scalar_prefetch = 0 : i64, scratch_operands = 7 : i64, tpu.core_type = #tpu.core_type<sc_vector_subcore>, window_params = [{transform_indices = #map}, {transform_indices = #map1}, {transform_indices = #map1}, {transform_indices = #map}, {transform_indices = #map}]} {
    %mul3A = arith.constant 2 : i32
    %mul3A_0 = arith.muli %arg1, %mul3A : i32
    %add3A = arith.addi %mul3A_0, %arg0 : i32
    %mul3A_1 = arith.constant 10240 : i32
    %mul3A_2 = arith.muli %add3A, %mul3A_1 : i32
    %mul3A_3 = arith.constant 640 : i32
    %mul3A_4 = arith.muli %arg1, %mul3A_3 : i32
    %scan3A = arith.constant 0 : i32
    %scan3A_5 = arith.constant 0 : i32
    %scan3A_6 = arith.constant 5 : i32
    %scan3A_7 = arith.addi %scan3A_5, %scan3A_6 : i32
    %scan3A_8 = arith.constant 1 : i32
    scf.for %scan3A_16 = %scan3A_5 to %scan3A_7 step %scan3A_8  : i32 {
      %mul3A_17 = arith.constant 128 : i32
      %mul3A_18 = arith.muli %scan3A_16, %mul3A_17 : i32
      %add3A_19 = arith.addi %mul3A_4, %mul3A_18 : i32
      "tpu.region"() ({
        %run_scoped3A = tpu.sem_alloc : memref<!tpu.dma_semaphore, #tpu.memory_space<semaphore_mem>>
        %dma_start3A = arith.constant 0 : i32
        %dma_start3A_23 = tpu.memref_slice %arg2[%add3A_19, %dma_start3A] : memref<10240x128xf32, #tpu.memory_space<hbm>> -> memref<128x128xf32, #tpu.memory_space<hbm>>
        %dma_start3A_24 = arith.constant 0 : i32
        %dma_start3A_25 = tpu.memref_slice %arg2[%add3A_19, %dma_start3A_24] : memref<10240x128xf32, #tpu.memory_space<hbm>> -> memref<128x128xf32, #tpu.memory_space<hbm>>
        tpu.enqueue_dma source(%dma_start3A_25 : memref<128x128xf32, #tpu.memory_space<hbm>>) target(%arg9 : memref<128x128xf32, #tpu.memory_space<vmem>>) target_semaphore(%run_scoped3A : memref<!tpu.dma_semaphore, #tpu.memory_space<semaphore_mem>>)
        %dma_wait3A = arith.constant 0 : i32
        %dma_wait3A_26 = tpu.memref_slice %arg2[%add3A_19, %dma_wait3A] : memref<10240x128xf32, #tpu.memory_space<hbm>> -> memref<128x128xf32, #tpu.memory_space<hbm>>
        %dma_wait3A_27 = arith.constant 0 : i32
        %dma_wait3A_28 = tpu.memref_slice %arg2[%add3A_19, %dma_wait3A_27] : memref<10240x128xf32, #tpu.memory_space<hbm>> -> memref<128x128xf32, #tpu.memory_space<hbm>>
        tpu.wait_dma2 semaphore(%run_scoped3A : memref<!tpu.dma_semaphore, #tpu.memory_space<semaphore_mem>>) src(%dma_wait3A_28 : memref<128x128xf32, #tpu.memory_space<hbm>>) dst(%arg9 : memref<128x128xf32, #tpu.memory_space<vmem>>)
        tpu.yield
      }) : () -> ()
      %mul3A_20 = arith.constant 128 : i32
      %mul3A_21 = arith.muli %scan3A_16, %mul3A_20 : i32
      %add3A_22 = arith.addi %mul3A_4, %mul3A_21 : i32
      "tpu.region"() ({
        %run_scoped3A = tpu.sem_alloc : memref<!tpu.dma_semaphore, #tpu.memory_space<semaphore_mem>>
        %dma_start3A = arith.constant 0 : i32
        %dma_start3A_23 = tpu.memref_slice %arg11[%add3A_22, %dma_start3A] : memref<10240x128xf32, #tpu.memory_space<vmem_shared>> -> memref<128x128xf32, #tpu.memory_space<vmem_shared>>
        %dma_start3A_24 = arith.constant 0 : i32
        %dma_start3A_25 = tpu.memref_slice %arg11[%add3A_22, %dma_start3A_24] : memref<10240x128xf32, #tpu.memory_space<vmem_shared>> -> memref<128x128xf32, #tpu.memory_space<vmem_shared>>
        tpu.enqueue_dma source(%arg9 : memref<128x128xf32, #tpu.memory_space<vmem>>) target(%dma_start3A_25 : memref<128x128xf32, #tpu.memory_space<vmem_shared>>) target_semaphore(%run_scoped3A : memref<!tpu.dma_semaphore, #tpu.memory_space<semaphore_mem>>)
        %dma_wait3A = arith.constant 0 : i32
        %dma_wait3A_26 = tpu.memref_slice %arg11[%add3A_22, %dma_wait3A] : memref<10240x128xf32, #tpu.memory_space<vmem_shared>> -> memref<128x128xf32, #tpu.memory_space<vmem_shared>>
        %dma_wait3A_27 = arith.constant 0 : i32
        %dma_wait3A_28 = tpu.memref_slice %arg11[%add3A_22, %dma_wait3A_27] : memref<10240x128xf32, #tpu.memory_space<vmem_shared>> -> memref<128x128xf32, #tpu.memory_space<vmem_shared>>
        tpu.wait_dma2 semaphore(%run_scoped3A : memref<!tpu.dma_semaphore, #tpu.memory_space<semaphore_mem>>) src(%arg9 : memref<128x128xf32, #tpu.memory_space<vmem>>) dst(%dma_wait3A_28 : memref<128x128xf32, #tpu.memory_space<vmem_shared>>)
        tpu.yield
      }) : () -> ()
    }
    %scan3A_9 = arith.constant 5 : i32
    %barrier3A = arith.constant 0 : index
    tpu.barrier barrier_id(%barrier3A)
    %scan3A_10 = arith.constant 0 : i32
    %scan3A_11 = arith.constant 0 : i32
    %scan3A_12 = arith.constant 5 : i32
    %scan3A_13 = arith.addi %scan3A_11, %scan3A_12 : i32
    %scan3A_14 = arith.constant 1 : i32
    scf.for %scan3A_16 = %scan3A_11 to %scan3A_13 step %scan3A_14  : i32 {
      %mul3A_17 = arith.constant 5 : i32
      %mul3A_18 = arith.muli %add3A, %mul3A_17 : i32
      %add3A_19 = arith.addi %mul3A_18, %scan3A_16 : i32
      "tpu.region"() ({
        %run_scoped3A = tpu.sem_alloc : memref<!tpu.dma_semaphore, #tpu.memory_space<semaphore_mem>>
        %dma_start3A = arith.constant 0 : i32
        %dma_start3A_28 = arith.constant 0 : i32
        %dma_start3A_29 = tpu.memref_slice %arg3[%add3A_19, %dma_start3A, %dma_start3A_28] : memref<160x16x128xi32, #tpu.memory_space<hbm>> -> memref<1x16x128xi32, #tpu.memory_space<hbm>>
        %dma_start3A_30 = tpu.memref_squeeze %dma_start3A_29 : memref<1x16x128xi32, #tpu.memory_space<hbm>> -> memref<16x128xi32, #tpu.memory_space<hbm>>
        %dma_start3A_31 = arith.constant 0 : i32
        %dma_start3A_32 = arith.constant 0 : i32
        %dma_start3A_33 = tpu.memref_slice %arg3[%add3A_19, %dma_start3A_31, %dma_start3A_32] : memref<160x16x128xi32, #tpu.memory_space<hbm>> -> memref<1x16x128xi32, #tpu.memory_space<hbm>>
        %dma_start3A_34 = tpu.memref_squeeze %dma_start3A_33 : memref<1x16x128xi32, #tpu.memory_space<hbm>> -> memref<16x128xi32, #tpu.memory_space<hbm>>
        tpu.enqueue_dma source(%dma_start3A_34 : memref<16x128xi32, #tpu.memory_space<hbm>>) target(%arg7 : memref<16x128xi32, #tpu.memory_space<vmem>>) target_semaphore(%run_scoped3A : memref<!tpu.dma_semaphore, #tpu.memory_space<semaphore_mem>>)
        %dma_wait3A = arith.constant 0 : i32
        %dma_wait3A_35 = arith.constant 0 : i32
        %dma_wait3A_36 = tpu.memref_slice %arg3[%add3A_19, %dma_wait3A, %dma_wait3A_35] : memref<160x16x128xi32, #tpu.memory_space<hbm>> -> memref<1x16x128xi32, #tpu.memory_space<hbm>>
        %dma_wait3A_37 = tpu.memref_squeeze %dma_wait3A_36 : memref<1x16x128xi32, #tpu.memory_space<hbm>> -> memref<16x128xi32, #tpu.memory_space<hbm>>
        %dma_wait3A_38 = arith.constant 0 : i32
        %dma_wait3A_39 = arith.constant 0 : i32
        %dma_wait3A_40 = tpu.memref_slice %arg3[%add3A_19, %dma_wait3A_38, %dma_wait3A_39] : memref<160x16x128xi32, #tpu.memory_space<hbm>> -> memref<1x16x128xi32, #tpu.memory_space<hbm>>
        %dma_wait3A_41 = tpu.memref_squeeze %dma_wait3A_40 : memref<1x16x128xi32, #tpu.memory_space<hbm>> -> memref<16x128xi32, #tpu.memory_space<hbm>>
        tpu.wait_dma2 semaphore(%run_scoped3A : memref<!tpu.dma_semaphore, #tpu.memory_space<semaphore_mem>>) src(%dma_wait3A_41 : memref<16x128xi32, #tpu.memory_space<hbm>>) dst(%arg7 : memref<16x128xi32, #tpu.memory_space<vmem>>)
        tpu.yield
      }) : () -> ()
      %mul3A_20 = arith.constant 5 : i32
      %mul3A_21 = arith.muli %add3A, %mul3A_20 : i32
      %add3A_22 = arith.addi %mul3A_21, %scan3A_16 : i32
      "tpu.region"() ({
        %run_scoped3A = tpu.sem_alloc : memref<!tpu.dma_semaphore, #tpu.memory_space<semaphore_mem>>
        %dma_start3A = arith.constant 0 : i32
        %dma_start3A_28 = arith.constant 0 : i32
        %dma_start3A_29 = tpu.memref_slice %arg4[%add3A_22, %dma_start3A, %dma_start3A_28] : memref<160x16x128xi32, #tpu.memory_space<hbm>> -> memref<1x16x128xi32, #tpu.memory_space<hbm>>
        %dma_start3A_30 = tpu.memref_squeeze %dma_start3A_29 : memref<1x16x128xi32, #tpu.memory_space<hbm>> -> memref<16x128xi32, #tpu.memory_space<hbm>>
        %dma_start3A_31 = arith.constant 0 : i32
        %dma_start3A_32 = arith.constant 0 : i32
        %dma_start3A_33 = tpu.memref_slice %arg4[%add3A_22, %dma_start3A_31, %dma_start3A_32] : memref<160x16x128xi32, #tpu.memory_space<hbm>> -> memref<1x16x128xi32, #tpu.memory_space<hbm>>
        %dma_start3A_34 = tpu.memref_squeeze %dma_start3A_33 : memref<1x16x128xi32, #tpu.memory_space<hbm>> -> memref<16x128xi32, #tpu.memory_space<hbm>>
        tpu.enqueue_dma source(%dma_start3A_34 : memref<16x128xi32, #tpu.memory_space<hbm>>) target(%arg8 : memref<16x128xi32, #tpu.memory_space<vmem>>) target_semaphore(%run_scoped3A : memref<!tpu.dma_semaphore, #tpu.memory_space<semaphore_mem>>)
        %dma_wait3A = arith.constant 0 : i32
        %dma_wait3A_35 = arith.constant 0 : i32
        %dma_wait3A_36 = tpu.memref_slice %arg4[%add3A_22, %dma_wait3A, %dma_wait3A_35] : memref<160x16x128xi32, #tpu.memory_space<hbm>> -> memref<1x16x128xi32, #tpu.memory_space<hbm>>
        %dma_wait3A_37 = tpu.memref_squeeze %dma_wait3A_36 : memref<1x16x128xi32, #tpu.memory_space<hbm>> -> memref<16x128xi32, #tpu.memory_space<hbm>>
        %dma_wait3A_38 = arith.constant 0 : i32
        %dma_wait3A_39 = arith.constant 0 : i32
        %dma_wait3A_40 = tpu.memref_slice %arg4[%add3A_22, %dma_wait3A_38, %dma_wait3A_39] : memref<160x16x128xi32, #tpu.memory_space<hbm>> -> memref<1x16x128xi32, #tpu.memory_space<hbm>>
        %dma_wait3A_41 = tpu.memref_squeeze %dma_wait3A_40 : memref<1x16x128xi32, #tpu.memory_space<hbm>> -> memref<16x128xi32, #tpu.memory_space<hbm>>
        tpu.wait_dma2 semaphore(%run_scoped3A : memref<!tpu.dma_semaphore, #tpu.memory_space<semaphore_mem>>) src(%dma_wait3A_41 : memref<16x128xi32, #tpu.memory_space<hbm>>) dst(%arg8 : memref<16x128xi32, #tpu.memory_space<vmem>>)
        tpu.yield
      }) : () -> ()
      %scan3A_23 = arith.constant 0 : i32
      %scan3A_24 = arith.constant 16 : i32
      %scan3A_25 = arith.addi %scan3A_23, %scan3A_24 : i32
      %scan3A_26 = arith.constant 1 : i32
      scf.for %scan3A_28 = %scan3A_23 to %scan3A_25 step %scan3A_26  : i32 {
        %dma_start3A = arith.constant 0 : i32
        %dma_start3A_29 = tpu.memref_slice %arg7[%scan3A_28, %dma_start3A] : memref<16x128xi32, #tpu.memory_space<vmem>> -> memref<1x128xi32, #tpu.memory_space<vmem>>
        %dma_start3A_30 = tpu.memref_squeeze %dma_start3A_29 : memref<1x128xi32, #tpu.memory_space<vmem>> -> memref<128xi32, #tpu.memory_space<vmem>>
        %dma_start3A_31 = arith.constant 0 : i32
        %dma_start3A_32 = arith.constant 0 : i32
        %dma_start3A_33 = tpu.memref_slice %arg11[%dma_start3A_31, %dma_start3A_32] : memref<10240x128xf32, #tpu.memory_space<vmem_shared>> -> memref<10240x128xf32, #tpu.memory_space<vmem_shared>>
        tpu.enqueue_indirect_dma source(%dma_start3A_33 : memref<10240x128xf32, #tpu.memory_space<vmem_shared>>) target(%arg9 : memref<128x128xf32, #tpu.memory_space<vmem>>) offsets(%dma_start3A_30 : memref<128xi32, #tpu.memory_space<vmem>>) semaphore(%arg12 : memref<!tpu.dma_semaphore, #tpu.memory_space<semaphore_mem>>)
        %dma_start3A_34 = arith.constant 0 : i32
        %dma_start3A_35 = tpu.memref_slice %arg8[%scan3A_28, %dma_start3A_34] : memref<16x128xi32, #tpu.memory_space<vmem>> -> memref<1x128xi32, #tpu.memory_space<vmem>>
        %dma_start3A_36 = tpu.memref_squeeze %dma_start3A_35 : memref<1x128xi32, #tpu.memory_space<vmem>> -> memref<128xi32, #tpu.memory_space<vmem>>
        %dma_start3A_37 = arith.constant 0 : i32
        %dma_start3A_38 = arith.constant 0 : i32
        %dma_start3A_39 = tpu.memref_slice %arg11[%dma_start3A_37, %dma_start3A_38] : memref<10240x128xf32, #tpu.memory_space<vmem_shared>> -> memref<10240x128xf32, #tpu.memory_space<vmem_shared>>
        tpu.enqueue_indirect_dma source(%dma_start3A_39 : memref<10240x128xf32, #tpu.memory_space<vmem_shared>>) target(%arg10 : memref<128x128xf32, #tpu.memory_space<vmem>>) offsets(%dma_start3A_36 : memref<128xi32, #tpu.memory_space<vmem>>) semaphore(%arg13 : memref<!tpu.dma_semaphore, #tpu.memory_space<semaphore_mem>>)
        %dma_wait3A = arith.constant 0 : i32
        %dma_wait3A_40 = tpu.memref_slice %arg7[%scan3A_28, %dma_wait3A] : memref<16x128xi32, #tpu.memory_space<vmem>> -> memref<1x128xi32, #tpu.memory_space<vmem>>
        %dma_wait3A_41 = tpu.memref_squeeze %dma_wait3A_40 : memref<1x128xi32, #tpu.memory_space<vmem>> -> memref<128xi32, #tpu.memory_space<vmem>>
        %dma_wait3A_42 = arith.constant 0 : i32
        %dma_wait3A_43 = arith.constant 0 : i32
        %dma_wait3A_44 = tpu.memref_slice %arg11[%dma_wait3A_42, %dma_wait3A_43] : memref<10240x128xf32, #tpu.memory_space<vmem_shared>> -> memref<10240x128xf32, #tpu.memory_space<vmem_shared>>
        tpu.wait_indirect_dma semaphore(%arg12 : memref<!tpu.dma_semaphore, #tpu.memory_space<semaphore_mem>>) src(%dma_wait3A_44 : memref<10240x128xf32, #tpu.memory_space<vmem_shared>>) dst(%arg9 : memref<128x128xf32, #tpu.memory_space<vmem>>)
        %dma_wait3A_45 = arith.constant 0 : i32
        %dma_wait3A_46 = tpu.memref_slice %arg8[%scan3A_28, %dma_wait3A_45] : memref<16x128xi32, #tpu.memory_space<vmem>> -> memref<1x128xi32, #tpu.memory_space<vmem>>
        %dma_wait3A_47 = tpu.memref_squeeze %dma_wait3A_46 : memref<1x128xi32, #tpu.memory_space<vmem>> -> memref<128xi32, #tpu.memory_space<vmem>>
        %dma_wait3A_48 = arith.constant 0 : i32
        %dma_wait3A_49 = arith.constant 0 : i32
        %dma_wait3A_50 = tpu.memref_slice %arg11[%dma_wait3A_48, %dma_wait3A_49] : memref<10240x128xf32, #tpu.memory_space<vmem_shared>> -> memref<10240x128xf32, #tpu.memory_space<vmem_shared>>
        tpu.wait_indirect_dma semaphore(%arg13 : memref<!tpu.dma_semaphore, #tpu.memory_space<semaphore_mem>>) src(%dma_wait3A_50 : memref<10240x128xf32, #tpu.memory_space<vmem_shared>>) dst(%arg10 : memref<128x128xf32, #tpu.memory_space<vmem>>)
        %mul3A_51 = arith.constant 16 : i32
        %mul3A_52 = arith.muli %scan3A_16, %mul3A_51 : i32
        %add3A_53 = arith.addi %mul3A_52, %scan3A_28 : i32
        %mul3A_54 = arith.constant 128 : i32
        %mul3A_55 = arith.muli %add3A_53, %mul3A_54 : i32
        %add3A_56 = arith.addi %mul3A_2, %mul3A_55 : i32
        "tpu.region"() ({
          %run_scoped3A = tpu.sem_alloc : memref<!tpu.dma_semaphore, #tpu.memory_space<semaphore_mem>>
          %dma_start3A_57 = arith.constant 0 : i32
          %dma_start3A_58 = tpu.memref_slice %arg5[%add3A_56, %dma_start3A_57] : memref<327680x128xf32, #tpu.memory_space<hbm>> -> memref<128x128xf32, #tpu.memory_space<hbm>>
          %dma_start3A_59 = arith.constant 0 : i32
          %dma_start3A_60 = tpu.memref_slice %arg5[%add3A_56, %dma_start3A_59] : memref<327680x128xf32, #tpu.memory_space<hbm>> -> memref<128x128xf32, #tpu.memory_space<hbm>>
          tpu.enqueue_dma source(%arg9 : memref<128x128xf32, #tpu.memory_space<vmem>>) target(%dma_start3A_60 : memref<128x128xf32, #tpu.memory_space<hbm>>) target_semaphore(%run_scoped3A : memref<!tpu.dma_semaphore, #tpu.memory_space<semaphore_mem>>)
          %dma_wait3A_61 = arith.constant 0 : i32
          %dma_wait3A_62 = tpu.memref_slice %arg5[%add3A_56, %dma_wait3A_61] : memref<327680x128xf32, #tpu.memory_space<hbm>> -> memref<128x128xf32, #tpu.memory_space<hbm>>
          %dma_wait3A_63 = arith.constant 0 : i32
          %dma_wait3A_64 = tpu.memref_slice %arg5[%add3A_56, %dma_wait3A_63] : memref<327680x128xf32, #tpu.memory_space<hbm>> -> memref<128x128xf32, #tpu.memory_space<hbm>>
          tpu.wait_dma2 semaphore(%run_scoped3A : memref<!tpu.dma_semaphore, #tpu.memory_space<semaphore_mem>>) src(%arg9 : memref<128x128xf32, #tpu.memory_space<vmem>>) dst(%dma_wait3A_64 : memref<128x128xf32, #tpu.memory_space<hbm>>)
          tpu.yield
        }) : () -> ()
        "tpu.region"() ({
          %run_scoped3A = tpu.sem_alloc : memref<!tpu.dma_semaphore, #tpu.memory_space<semaphore_mem>>
          %dma_start3A_57 = arith.constant 0 : i32
          %dma_start3A_58 = tpu.memref_slice %arg6[%add3A_56, %dma_start3A_57] : memref<327680x128xf32, #tpu.memory_space<hbm>> -> memref<128x128xf32, #tpu.memory_space<hbm>>
          %dma_start3A_59 = arith.constant 0 : i32
          %dma_start3A_60 = tpu.memref_slice %arg6[%add3A_56, %dma_start3A_59] : memref<327680x128xf32, #tpu.memory_space<hbm>> -> memref<128x128xf32, #tpu.memory_space<hbm>>
          tpu.enqueue_dma source(%arg10 : memref<128x128xf32, #tpu.memory_space<vmem>>) target(%dma_start3A_60 : memref<128x128xf32, #tpu.memory_space<hbm>>) target_semaphore(%run_scoped3A : memref<!tpu.dma_semaphore, #tpu.memory_space<semaphore_mem>>)
          %dma_wait3A_61 = arith.constant 0 : i32
          %dma_wait3A_62 = tpu.memref_slice %arg6[%add3A_56, %dma_wait3A_61] : memref<327680x128xf32, #tpu.memory_space<hbm>> -> memref<128x128xf32, #tpu.memory_space<hbm>>
          %dma_wait3A_63 = arith.constant 0 : i32
          %dma_wait3A_64 = tpu.memref_slice %arg6[%add3A_56, %dma_wait3A_63] : memref<327680x128xf32, #tpu.memory_space<hbm>> -> memref<128x128xf32, #tpu.memory_space<hbm>>
          tpu.wait_dma2 semaphore(%run_scoped3A : memref<!tpu.dma_semaphore, #tpu.memory_space<semaphore_mem>>) src(%arg10 : memref<128x128xf32, #tpu.memory_space<vmem>>) dst(%dma_wait3A_64 : memref<128x128xf32, #tpu.memory_space<hbm>>)
          tpu.yield
        }) : () -> ()
      }
      %scan3A_27 = arith.constant 16 : i32
    }
    %scan3A_15 = arith.constant 5 : i32
    return
  }
}

module attributes {stable_mosaic.version = 14 : i64} {
  func.func @body(%arg0: memref<10000x128xf32, #tpu.memory_space<vmem>>, %arg1: memref<10000x3xf32, #tpu.memory_space<vmem>>, %arg2: memref<32x128xf32, #tpu.memory_space<vmem>>, %arg3: memref<1x32xf32, #tpu.memory_space<vmem>>, %arg4: memref<1x32xf32, #tpu.memory_space<vmem>>, %arg5: memref<1x32xf32, #tpu.memory_space<vmem>>, %arg6: memref<10240x128xf32, #tpu.memory_space<vmem>>) attributes {dimension_semantics = [], scalar_prefetch = 0 : i64, scratch_operands = 0 : i64, tpu.core_type = #tpu.core_type<tc>} {
    %get3A = arith.constant 0 : index
    %get3A_0 = arith.constant 0 : index
    %get3A_1 = vector.load %arg0[%get3A, %get3A_0] : memref<10000x128xf32, #tpu.memory_space<vmem>>, vector<10000x128xf32>
    %get3A_2 = arith.constant 0 : index
    %get3A_3 = arith.constant 0 : index
    %get3A_4 = vector.load %arg2[%get3A_2, %get3A_3] : memref<32x128xf32, #tpu.memory_space<vmem>>, vector<32x128xf32>
    %dot_general3A = arith.constant dense<0.000000e+00> : vector<10000x32xf32>
    %dot_general3A_5 = tpu.matmul %get3A_1, %get3A_4, %dot_general3A {dimension_numbers = #tpu.dot_dimension_numbers<[1], [1], [0], [0], [0, 0, 1, 0], [], []>, precision = #tpu.contract_precision<fp32>, transpose_lhs_hint = false} : vector<10000x128xf32>, vector<32x128xf32>, vector<10000x32xf32> -> vector<10000x32xf32>
    %get3A_6 = arith.constant 0 : index
    %get3A_7 = arith.constant 0 : index
    %get3A_8 = vector.load %arg3[%get3A_6, %get3A_7] : memref<1x32xf32, #tpu.memory_space<vmem>>, vector<1x32xf32>
    %add3A = vector.broadcast %get3A_8 : vector<1x32xf32> to vector<10000x32xf32>
    %add3A_9 = arith.addf %dot_general3A_5, %add3A : vector<10000x32xf32>
    %reduce_sum3A = arith.constant dense<0.000000e+00> : vector<32xf32>
    %reduce_sum3A_10 = vector.multi_reduction <add>, %add3A_9, %reduce_sum3A [0] : vector<10000x32xf32> to vector<32xf32>
    %broadcast_in_dim3A = vector.shape_cast %reduce_sum3A_10 : vector<32xf32> to vector<1x32xf32>
    %div3A = arith.constant 1.000000e+04 : f32
    %div3A_11 = vector.broadcast %div3A : f32 to vector<1x32xf32>
    %div3A_12 = arith.divf %broadcast_in_dim3A, %div3A_11 : vector<1x32xf32>
    %mul3A = arith.mulf %add3A_9, %add3A_9 : vector<10000x32xf32>
    %reduce_sum3A_13 = arith.constant dense<0.000000e+00> : vector<32xf32>
    %reduce_sum3A_14 = vector.multi_reduction <add>, %mul3A, %reduce_sum3A_13 [0] : vector<10000x32xf32> to vector<32xf32>
    %broadcast_in_dim3A_15 = vector.shape_cast %reduce_sum3A_14 : vector<32xf32> to vector<1x32xf32>
    %div3A_16 = arith.constant 1.000000e+04 : f32
    %div3A_17 = vector.broadcast %div3A_16 : f32 to vector<1x32xf32>
    %div3A_18 = arith.divf %broadcast_in_dim3A_15, %div3A_17 : vector<1x32xf32>
    %mul3A_19 = arith.mulf %div3A_12, %div3A_12 : vector<1x32xf32>
    %sub3A = arith.subf %div3A_18, %mul3A_19 : vector<1x32xf32>
    %sub3A_20 = vector.broadcast %div3A_12 : vector<1x32xf32> to vector<10000x32xf32>
    %sub3A_21 = arith.subf %add3A_9, %sub3A_20 : vector<10000x32xf32>
    %add3A_22 = arith.constant 9.99999974E-6 : f32
    %add3A_23 = vector.broadcast %add3A_22 : f32 to vector<1x32xf32>
    %add3A_24 = arith.addf %sub3A, %add3A_23 : vector<1x32xf32>
    %rsqrt3A = math.rsqrt %add3A_24 : vector<1x32xf32>
    %mul3A_25 = vector.broadcast %rsqrt3A : vector<1x32xf32> to vector<10000x32xf32>
    %mul3A_26 = arith.mulf %sub3A_21, %mul3A_25 : vector<10000x32xf32>
    %get3A_27 = arith.constant 0 : index
    %get3A_28 = arith.constant 0 : index
    %get3A_29 = vector.load %arg4[%get3A_27, %get3A_28] : memref<1x32xf32, #tpu.memory_space<vmem>>, vector<1x32xf32>
    %mul3A_30 = vector.broadcast %get3A_29 : vector<1x32xf32> to vector<10000x32xf32>
    %mul3A_31 = arith.mulf %mul3A_26, %mul3A_30 : vector<10000x32xf32>
    %get3A_32 = arith.constant 0 : index
    %get3A_33 = arith.constant 0 : index
    %get3A_34 = vector.load %arg5[%get3A_32, %get3A_33] : memref<1x32xf32, #tpu.memory_space<vmem>>, vector<1x32xf32>
    %add3A_35 = vector.broadcast %get3A_34 : vector<1x32xf32> to vector<10000x32xf32>
    %add3A_36 = arith.addf %mul3A_31, %add3A_35 : vector<10000x32xf32>
    %gt3A = arith.constant 0.000000e+00 : f32
    %gt3A_37 = vector.broadcast %gt3A : f32 to vector<10000x32xf32>
    %gt3A_38 = arith.cmpf ogt, %add3A_36, %gt3A_37 : vector<10000x32xf32>
    %mul3A_39 = arith.constant 0.00999999977 : f32
    %mul3A_40 = vector.broadcast %mul3A_39 : f32 to vector<10000x32xf32>
    %mul3A_41 = arith.mulf %mul3A_40, %add3A_36 : vector<10000x32xf32>
    %select_n3A = arith.select %gt3A_38, %add3A_36, %mul3A_41 : vector<10000x32xi1>, vector<10000x32xf32>
    %get3A_42 = arith.constant 0 : index
    %get3A_43 = arith.constant 0 : index
    %get3A_44 = vector.load %arg1[%get3A_42, %get3A_43] : memref<10000x3xf32, #tpu.memory_space<vmem>>, vector<10000x3xf32>
    %broadcast_in_dim3A_45 = arith.constant 0.000000e+00 : f32
    %broadcast_in_dim3A_46 = vector.broadcast %broadcast_in_dim3A_45 : f32 to vector<10000x93xf32>
    %concatenate3A = tpu.concatenate %select_n3A, %get3A_44, %broadcast_in_dim3A_46 in 1 : vector<10000x32xf32>, vector<10000x3xf32>, vector<10000x93xf32> -> vector<10000x128xf32>
    %broadcast_in_dim3A_47 = arith.constant 0.000000e+00 : f32
    %broadcast_in_dim3A_48 = vector.broadcast %broadcast_in_dim3A_47 : f32 to vector<240x128xf32>
    %concatenate3A_49 = tpu.concatenate %concatenate3A, %broadcast_in_dim3A_48 in 0 : vector<10000x128xf32>, vector<240x128xf32> -> vector<10240x128xf32>
    %swap3A = arith.constant 0 : index
    %swap3A_50 = arith.constant 0 : index
    %swap3A_51 = vector.load %arg6[%swap3A, %swap3A_50] : memref<10240x128xf32, #tpu.memory_space<vmem>>, vector<10240x128xf32>
    tpu.vector_store %arg6[%swap3A, %swap3A_50], %concatenate3A_49 {strides = array<i32>} : memref<10240x128xf32, #tpu.memory_space<vmem>>, vector<10240x128xf32>,
    return
  }
}

module attributes {stable_mosaic.version = 14 : i64} {
  func.func @body(%arg0: i32, %arg1: memref<4096x128xf32, #tpu.memory_space<vmem>>, %arg2: memref<4096x128xf32, #tpu.memory_space<vmem>>, %arg3: memref<2x128xf32, #tpu.memory_space<vmem>>) attributes {dimension_semantics = [#tpu.dimension_semantics<arbitrary>], iteration_bounds = array<i64: 80>, scalar_prefetch = 0 : i64, scratch_operands = 0 : i64, tpu.core_type = #tpu.core_type<tc>, window_params = [{transform_indices = @transform_0, window_bounds = array<i64: 4096, 128>}, {transform_indices = @transform_1, window_bounds = array<i64: 4096, 128>}, {pipeline_mode = #tpu.pipeline_mode<synchronous>, transform_indices = @transform_2, window_bounds = array<i64: 2, 128>}]} {
    %get3A = arith.constant 0 : index
    %get3A_0 = arith.constant 0 : index
    %get3A_1 = vector.load %arg1[%get3A, %get3A_0] : memref<4096x128xf32, #tpu.memory_space<vmem>>, vector<4096x128xf32>
    %get3A_2 = arith.constant 0 : index
    %get3A_3 = arith.constant 0 : index
    %get3A_4 = vector.load %arg2[%get3A_2, %get3A_3] : memref<4096x128xf32, #tpu.memory_space<vmem>>, vector<4096x128xf32>
    %slice3A = vector.extract_strided_slice %get3A_1 {offsets = [0, 0], sizes = [4096, 32], strides = [1, 1]} : vector<4096x128xf32> to vector<4096x32xf32>
    %slice3A_5 = vector.extract_strided_slice %get3A_4 {offsets = [0, 0], sizes = [4096, 32], strides = [1, 1]} : vector<4096x128xf32> to vector<4096x32xf32>
    %slice3A_6 = vector.extract_strided_slice %get3A_1 {offsets = [0, 32], sizes = [4096, 3], strides = [1, 1]} : vector<4096x128xf32> to vector<4096x3xf32>
    %slice3A_7 = vector.extract_strided_slice %get3A_4 {offsets = [0, 32], sizes = [4096, 3], strides = [1, 1]} : vector<4096x128xf32> to vector<4096x3xf32>
    %sub3A = arith.subf %slice3A_6, %slice3A_7 : vector<4096x3xf32>
    %mul3A = arith.mulf %sub3A, %sub3A : vector<4096x3xf32>
    %reduce_sum3A = arith.constant dense<0.000000e+00> : vector<4096xf32>
    %reduce_sum3A_8 = vector.multi_reduction <add>, %mul3A, %reduce_sum3A [1] : vector<4096x3xf32> to vector<4096xf32>
    %broadcast_in_dim3A = vector.shape_cast %reduce_sum3A_8 : vector<4096xf32> to vector<4096x1xf32>
    %sqrt3A = math.sqrt %broadcast_in_dim3A : vector<4096x1xf32>
    %broadcast_in_dim3A_9 = arith.constant 0.000000e+00 : f32
    %broadcast_in_dim3A_10 = vector.broadcast %broadcast_in_dim3A_9 : f32 to vector<1x63xf32>
    %reduce_sum3A_11 = arith.constant dense<0.000000e+00> : vector<32xf32>
    %reduce_sum3A_12 = vector.multi_reduction <add>, %slice3A, %reduce_sum3A_11 [0] : vector<4096x32xf32> to vector<32xf32>
    %broadcast_in_dim3A_13 = vector.shape_cast %reduce_sum3A_12 : vector<32xf32> to vector<1x32xf32>
    %reduce_sum3A_14 = arith.constant dense<0.000000e+00> : vector<32xf32>
    %reduce_sum3A_15 = vector.multi_reduction <add>, %slice3A_5, %reduce_sum3A_14 [0] : vector<4096x32xf32> to vector<32xf32>
    %broadcast_in_dim3A_16 = vector.shape_cast %reduce_sum3A_15 : vector<32xf32> to vector<1x32xf32>
    %reduce_sum3A_17 = arith.constant dense<0.000000e+00> : vector<1xf32>
    %reduce_sum3A_18 = vector.multi_reduction <add>, %sqrt3A, %reduce_sum3A_17 [0] : vector<4096x1xf32> to vector<1xf32>
    %broadcast_in_dim3A_19 = vector.shape_cast %reduce_sum3A_18 : vector<1xf32> to vector<1x1xf32>
    %concatenate3A = tpu.concatenate %broadcast_in_dim3A_13, %broadcast_in_dim3A_16, %broadcast_in_dim3A_19, %broadcast_in_dim3A_10 in 1 : vector<1x32xf32>, vector<1x32xf32>, vector<1x1xf32>, vector<1x63xf32> -> vector<1x128xf32>
    %mul3A_20 = arith.mulf %slice3A, %slice3A : vector<4096x32xf32>
    %reduce_sum3A_21 = arith.constant dense<0.000000e+00> : vector<32xf32>
    %reduce_sum3A_22 = vector.multi_reduction <add>, %mul3A_20, %reduce_sum3A_21 [0] : vector<4096x32xf32> to vector<32xf32>
    %broadcast_in_dim3A_23 = vector.shape_cast %reduce_sum3A_22 : vector<32xf32> to vector<1x32xf32>
    %mul3A_24 = arith.mulf %slice3A_5, %slice3A_5 : vector<4096x32xf32>
    %reduce_sum3A_25 = arith.constant dense<0.000000e+00> : vector<32xf32>
    %reduce_sum3A_26 = vector.multi_reduction <add>, %mul3A_24, %reduce_sum3A_25 [0] : vector<4096x32xf32> to vector<32xf32>
    %broadcast_in_dim3A_27 = vector.shape_cast %reduce_sum3A_26 : vector<32xf32> to vector<1x32xf32>
    %reduce_sum3A_28 = arith.constant dense<0.000000e+00> : vector<1xf32>
    %reduce_sum3A_29 = vector.multi_reduction <add>, %broadcast_in_dim3A, %reduce_sum3A_28 [0] : vector<4096x1xf32> to vector<1xf32>
    %broadcast_in_dim3A_30 = vector.shape_cast %reduce_sum3A_29 : vector<1xf32> to vector<1x1xf32>
    %concatenate3A_31 = tpu.concatenate %broadcast_in_dim3A_23, %broadcast_in_dim3A_27, %broadcast_in_dim3A_30, %broadcast_in_dim3A_10 in 1 : vector<1x32xf32>, vector<1x32xf32>, vector<1x1xf32>, vector<1x63xf32> -> vector<1x128xf32>
    %concatenate3A_32 = tpu.concatenate %concatenate3A, %concatenate3A_31 in 0 : vector<1x128xf32>, vector<1x128xf32> -> vector<2x128xf32>
    %eq3A = arith.constant 0 : i32
    %eq3A_33 = arith.cmpi eq, %arg0, %eq3A : i32
    %convert_element_type3A = arith.extui %eq3A_33 : i1 to i32
    %cond3A = arith.constant 0 : i32
    %cond3A_34 = arith.cmpi ne, %convert_element_type3A, %cond3A : i32
    scf.if %cond3A_34 {
      %swap3A = arith.constant 0 : index
      %swap3A_39 = arith.constant 0 : index
      %swap3A_40 = vector.load %arg3[%swap3A, %swap3A_39] : memref<2x128xf32, #tpu.memory_space<vmem>>, vector<2x128xf32>
      tpu.vector_store %arg3[%swap3A, %swap3A_39], %concatenate3A_32 {strides = array<i32>} : memref<2x128xf32, #tpu.memory_space<vmem>>, vector<2x128xf32>,
    } else {
    }
    %ne3A = arith.constant 0 : i32
    %ne3A_35 = arith.cmpi ne, %arg0, %ne3A : i32
    %convert_element_type3A_36 = arith.extui %ne3A_35 : i1 to i32
    %cond3A_37 = arith.constant 0 : i32
    %cond3A_38 = arith.cmpi ne, %convert_element_type3A_36, %cond3A_37 : i32
    scf.if %cond3A_38 {
      %get3A_39 = arith.constant 0 : index
      %get3A_40 = arith.constant 0 : index
      %get3A_41 = vector.load %arg3[%get3A_39, %get3A_40] : memref<2x128xf32, #tpu.memory_space<vmem>>, vector<2x128xf32>
      %add3A = arith.addf %get3A_41, %concatenate3A_32 : vector<2x128xf32>
      %swap3A = arith.constant 0 : index
      %swap3A_42 = arith.constant 0 : index
      %swap3A_43 = vector.load %arg3[%swap3A, %swap3A_42] : memref<2x128xf32, #tpu.memory_space<vmem>>, vector<2x128xf32>
      tpu.vector_store %arg3[%swap3A, %swap3A_42], %add3A {strides = array<i32>} : memref<2x128xf32, #tpu.memory_space<vmem>>, vector<2x128xf32>,
    } else {
    }
    return
  }
  func.func @transform_0(%arg0: i32) -> (i32, i32) {
    %c0_i32 = arith.constant 0 : i32
    %c0_i32_0 = arith.constant 0 : i32
    return %arg0, %c0_i32 : i32, i32
  }
  func.func @transform_1(%arg0: i32) -> (i32, i32) {
    %c0_i32 = arith.constant 0 : i32
    %c0_i32_0 = arith.constant 0 : i32
    return %arg0, %c0_i32 : i32, i32
  }
  func.func @transform_2(%arg0: i32) -> (i32, i32) {
    %c0_i32 = arith.constant 0 : i32
    %c0_i32_0 = arith.constant 0 : i32
    %c0_i32_1 = arith.constant 0 : i32
    return %c0_i32, %c0_i32_0 : i32, i32
  }
}

module attributes {stable_mosaic.version = 14 : i64} {
  func.func @body(%arg0: i32, %arg1: memref<4096x128xf32, #tpu.memory_space<vmem>>, %arg2: memref<4096x128xf32, #tpu.memory_space<vmem>>, %arg3: memref<2x128xf32, #tpu.memory_space<vmem>>, %arg4: memref<1x65xf32, #tpu.memory_space<vmem>>, %arg5: memref<1x65xf32, #tpu.memory_space<vmem>>, %arg6: memref<32x65xf32, #tpu.memory_space<vmem>>, %arg7: memref<1x32xf32, #tpu.memory_space<vmem>>, %arg8: memref<32x32xf32, #tpu.memory_space<vmem>>, %arg9: memref<1x32xf32, #tpu.memory_space<vmem>>, %arg10: memref<32x32xf32, #tpu.memory_space<vmem>>, %arg11: memref<1x32xf32, #tpu.memory_space<vmem>>, %arg12: memref<3x32xf32, #tpu.memory_space<vmem>>, %arg13: memref<4096x128xf32, #tpu.memory_space<vmem>>) attributes {dimension_semantics = [#tpu.dimension_semantics<arbitrary>], iteration_bounds = array<i64: 80>, scalar_prefetch = 0 : i64, scratch_operands = 0 : i64, tpu.core_type = #tpu.core_type<tc>, window_params = [{transform_indices = @transform_0, window_bounds = array<i64: 4096, 128>}, {transform_indices = @transform_1, window_bounds = array<i64: 4096, 128>}, {pipeline_mode = #tpu.pipeline_mode<synchronous>, transform_indices = @transform_2, window_bounds = array<i64: 2, 128>}, {pipeline_mode = #tpu.pipeline_mode<synchronous>, transform_indices = @transform_3, window_bounds = array<i64: 1, 65>}, {pipeline_mode = #tpu.pipeline_mode<synchronous>, transform_indices = @transform_4, window_bounds = array<i64: 1, 65>}, {pipeline_mode = #tpu.pipeline_mode<synchronous>, transform_indices = @transform_5, window_bounds = array<i64: 32, 65>}, {pipeline_mode = #tpu.pipeline_mode<synchronous>, transform_indices = @transform_6, window_bounds = array<i64: 1, 32>}, {pipeline_mode = #tpu.pipeline_mode<synchronous>, transform_indices = @transform_7, window_bounds = array<i64: 32, 32>}, {pipeline_mode = #tpu.pipeline_mode<synchronous>, transform_indices = @transform_8, window_bounds = array<i64: 1, 32>}, {pipeline_mode = #tpu.pipeline_mode<synchronous>, transform_indices = @transform_9, window_bounds = array<i64: 32, 32>}, {pipeline_mode = #tpu.pipeline_mode<synchronous>, transform_indices = @transform_10, window_bounds = array<i64: 1, 32>}, {pipeline_mode = #tpu.pipeline_mode<synchronous>, transform_indices = @transform_11, window_bounds = array<i64: 3, 32>}, {transform_indices = @transform_12, window_bounds = array<i64: 4096, 128>}]} {
    %get3A = arith.constant 0 : index
    %get3A_0 = arith.constant 0 : index
    %get3A_1 = vector.load %arg3[%get3A, %get3A_0] : memref<2x128xf32, #tpu.memory_space<vmem>>, vector<1x65xf32>
    %mul3A = arith.constant 3.125000e-06 : f32
    %mul3A_2 = vector.broadcast %mul3A : f32 to vector<1x65xf32>
    %mul3A_3 = arith.mulf %get3A_1, %mul3A_2 : vector<1x65xf32>
    %get3A_4 = arith.constant 1 : index
    %get3A_5 = arith.constant 0 : index
    %get3A_6 = vector.load %arg3[%get3A_4, %get3A_5] : memref<2x128xf32, #tpu.memory_space<vmem>>, vector<1x65xf32>
    %mul3A_7 = arith.constant 3.125000e-06 : f32
    %mul3A_8 = vector.broadcast %mul3A_7 : f32 to vector<1x65xf32>
    %mul3A_9 = arith.mulf %get3A_6, %mul3A_8 : vector<1x65xf32>
    %mul3A_10 = arith.mulf %mul3A_3, %mul3A_3 : vector<1x65xf32>
    %sub3A = arith.subf %mul3A_9, %mul3A_10 : vector<1x65xf32>
    %get3A_11 = arith.constant 0 : index
    %get3A_12 = arith.constant 0 : index
    %get3A_13 = vector.load %arg4[%get3A_11, %get3A_12] : memref<1x65xf32, #tpu.memory_space<vmem>>, vector<1x65xf32>
    %add3A = arith.constant 9.99999974E-6 : f32
    %add3A_14 = vector.broadcast %add3A : f32 to vector<1x65xf32>
    %add3A_15 = arith.addf %sub3A, %add3A_14 : vector<1x65xf32>
    %rsqrt3A = math.rsqrt %add3A_15 : vector<1x65xf32>
    %mul3A_16 = arith.mulf %get3A_13, %rsqrt3A : vector<1x65xf32>
    %get3A_17 = arith.constant 0 : index
    %get3A_18 = arith.constant 0 : index
    %get3A_19 = vector.load %arg5[%get3A_17, %get3A_18] : memref<1x65xf32, #tpu.memory_space<vmem>>, vector<1x65xf32>
    %mul3A_20 = arith.mulf %mul3A_3, %mul3A_16 : vector<1x65xf32>
    %sub3A_21 = arith.subf %get3A_19, %mul3A_20 : vector<1x65xf32>
    %get3A_22 = arith.constant 0 : index
    %get3A_23 = arith.constant 0 : index
    %get3A_24 = vector.load %arg1[%get3A_22, %get3A_23] : memref<4096x128xf32, #tpu.memory_space<vmem>>, vector<4096x128xf32>
    %get3A_25 = arith.constant 0 : index
    %get3A_26 = arith.constant 0 : index
    %get3A_27 = vector.load %arg2[%get3A_25, %get3A_26] : memref<4096x128xf32, #tpu.memory_space<vmem>>, vector<4096x128xf32>
    %slice3A = vector.extract_strided_slice %get3A_24 {offsets = [0, 0], sizes = [4096, 32], strides = [1, 1]} : vector<4096x128xf32> to vector<4096x32xf32>
    %slice3A_28 = vector.extract_strided_slice %get3A_27 {offsets = [0, 0], sizes = [4096, 32], strides = [1, 1]} : vector<4096x128xf32> to vector<4096x32xf32>
    %slice3A_29 = vector.extract_strided_slice %get3A_24 {offsets = [0, 32], sizes = [4096, 3], strides = [1, 1]} : vector<4096x128xf32> to vector<4096x3xf32>
    %slice3A_30 = vector.extract_strided_slice %get3A_27 {offsets = [0, 32], sizes = [4096, 3], strides = [1, 1]} : vector<4096x128xf32> to vector<4096x3xf32>
    %sub3A_31 = arith.subf %slice3A_29, %slice3A_30 : vector<4096x3xf32>
    %mul3A_32 = arith.mulf %sub3A_31, %sub3A_31 : vector<4096x3xf32>
    %reduce_sum3A = arith.constant dense<0.000000e+00> : vector<4096xf32>
    %reduce_sum3A_33 = vector.multi_reduction <add>, %mul3A_32, %reduce_sum3A [1] : vector<4096x3xf32> to vector<4096xf32>
    %broadcast_in_dim3A = vector.shape_cast %reduce_sum3A_33 : vector<4096xf32> to vector<4096x1xf32>
    %sqrt3A = math.sqrt %broadcast_in_dim3A : vector<4096x1xf32>
    %concatenate3A = tpu.concatenate %slice3A, %slice3A_28, %sqrt3A in 1 : vector<4096x32xf32>, vector<4096x32xf32>, vector<4096x1xf32> -> vector<4096x65xf32>
    %mul3A_34 = vector.broadcast %mul3A_16 : vector<1x65xf32> to vector<4096x65xf32>
    %mul3A_35 = arith.mulf %concatenate3A, %mul3A_34 : vector<4096x65xf32>
    %add3A_36 = vector.broadcast %sub3A_21 : vector<1x65xf32> to vector<4096x65xf32>
    %add3A_37 = arith.addf %mul3A_35, %add3A_36 : vector<4096x65xf32>
    %get3A_38 = arith.constant 0 : index
    %get3A_39 = arith.constant 0 : index
    %get3A_40 = vector.load %arg6[%get3A_38, %get3A_39] : memref<32x65xf32, #tpu.memory_space<vmem>>, vector<32x65xf32>
    %dot_general3A = arith.constant dense<0.000000e+00> : vector<4096x32xf32>
    %dot_general3A_41 = tpu.matmul %add3A_37, %get3A_40, %dot_general3A {dimension_numbers = #tpu.dot_dimension_numbers<[1], [1], [0], [0], [0, 0, 1, 0], [], []>, precision = #tpu.contract_precision<fp32>, transpose_lhs_hint = false} : vector<4096x65xf32>, vector<32x65xf32>, vector<4096x32xf32> -> vector<4096x32xf32>
    %get3A_42 = arith.constant 0 : index
    %get3A_43 = arith.constant 0 : index
    %get3A_44 = vector.load %arg7[%get3A_42, %get3A_43] : memref<1x32xf32, #tpu.memory_space<vmem>>, vector<1x32xf32>
    %add3A_45 = vector.broadcast %get3A_44 : vector<1x32xf32> to vector<4096x32xf32>
    %add3A_46 = arith.addf %dot_general3A_41, %add3A_45 : vector<4096x32xf32>
    %gt3A = arith.constant 0.000000e+00 : f32
    %gt3A_47 = vector.broadcast %gt3A : f32 to vector<4096x32xf32>
    %gt3A_48 = arith.cmpf ogt, %add3A_46, %gt3A_47 : vector<4096x32xf32>
    %mul3A_49 = arith.constant 0.00999999977 : f32
    %mul3A_50 = vector.broadcast %mul3A_49 : f32 to vector<4096x32xf32>
    %mul3A_51 = arith.mulf %mul3A_50, %add3A_46 : vector<4096x32xf32>
    %select_n3A = arith.select %gt3A_48, %add3A_46, %mul3A_51 : vector<4096x32xi1>, vector<4096x32xf32>
    %get3A_52 = arith.constant 0 : index
    %get3A_53 = arith.constant 0 : index
    %get3A_54 = vector.load %arg8[%get3A_52, %get3A_53] : memref<32x32xf32, #tpu.memory_space<vmem>>, vector<32x32xf32>
    %dot_general3A_55 = arith.constant dense<0.000000e+00> : vector<4096x32xf32>
    %dot_general3A_56 = tpu.matmul %select_n3A, %get3A_54, %dot_general3A_55 {dimension_numbers = #tpu.dot_dimension_numbers<[1], [1], [0], [0], [0, 0, 1, 0], [], []>, precision = #tpu.contract_precision<fp32>, transpose_lhs_hint = false} : vector<4096x32xf32>, vector<32x32xf32>, vector<4096x32xf32> -> vector<4096x32xf32>
    %get3A_57 = arith.constant 0 : index
    %get3A_58 = arith.constant 0 : index
    %get3A_59 = vector.load %arg9[%get3A_57, %get3A_58] : memref<1x32xf32, #tpu.memory_space<vmem>>, vector<1x32xf32>
    %add3A_60 = vector.broadcast %get3A_59 : vector<1x32xf32> to vector<4096x32xf32>
    %add3A_61 = arith.addf %dot_general3A_56, %add3A_60 : vector<4096x32xf32>
    %gt3A_62 = arith.constant 0.000000e+00 : f32
    %gt3A_63 = vector.broadcast %gt3A_62 : f32 to vector<4096x32xf32>
    %gt3A_64 = arith.cmpf ogt, %add3A_61, %gt3A_63 : vector<4096x32xf32>
    %mul3A_65 = arith.constant 0.00999999977 : f32
    %mul3A_66 = vector.broadcast %mul3A_65 : f32 to vector<4096x32xf32>
    %mul3A_67 = arith.mulf %mul3A_66, %add3A_61 : vector<4096x32xf32>
    %select_n3A_68 = arith.select %gt3A_64, %add3A_61, %mul3A_67 : vector<4096x32xi1>, vector<4096x32xf32>
    %get3A_69 = arith.constant 0 : index
    %get3A_70 = arith.constant 0 : index
    %get3A_71 = vector.load %arg10[%get3A_69, %get3A_70] : memref<32x32xf32, #tpu.memory_space<vmem>>, vector<32x32xf32>
    %dot_general3A_72 = arith.constant dense<0.000000e+00> : vector<4096x32xf32>
    %dot_general3A_73 = tpu.matmul %select_n3A_68, %get3A_71, %dot_general3A_72 {dimension_numbers = #tpu.dot_dimension_numbers<[1], [1], [0], [0], [0, 0, 1, 0], [], []>, precision = #tpu.contract_precision<fp32>, transpose_lhs_hint = false} : vector<4096x32xf32>, vector<32x32xf32>, vector<4096x32xf32> -> vector<4096x32xf32>
    %get3A_74 = arith.constant 0 : index
    %get3A_75 = arith.constant 0 : index
    %get3A_76 = vector.load %arg11[%get3A_74, %get3A_75] : memref<1x32xf32, #tpu.memory_space<vmem>>, vector<1x32xf32>
    %add3A_77 = vector.broadcast %get3A_76 : vector<1x32xf32> to vector<4096x32xf32>
    %add3A_78 = arith.addf %dot_general3A_73, %add3A_77 : vector<4096x32xf32>
    %gt3A_79 = arith.constant 0.000000e+00 : f32
    %gt3A_80 = vector.broadcast %gt3A_79 : f32 to vector<4096x32xf32>
    %gt3A_81 = arith.cmpf ogt, %add3A_78, %gt3A_80 : vector<4096x32xf32>
    %mul3A_82 = arith.constant 0.00999999977 : f32
    %mul3A_83 = vector.broadcast %mul3A_82 : f32 to vector<4096x32xf32>
    %mul3A_84 = arith.mulf %mul3A_83, %add3A_78 : vector<4096x32xf32>
    %select_n3A_85 = arith.select %gt3A_81, %add3A_78, %mul3A_84 : vector<4096x32xi1>, vector<4096x32xf32>
    %get3A_86 = arith.constant 0 : index
    %get3A_87 = arith.constant 0 : index
    %get3A_88 = vector.load %arg12[%get3A_86, %get3A_87] : memref<3x32xf32, #tpu.memory_space<vmem>>, vector<3x32xf32>
    %dot_general3A_89 = arith.constant dense<0.000000e+00> : vector<4096x3xf32>
    %dot_general3A_90 = tpu.matmul %select_n3A_85, %get3A_88, %dot_general3A_89 {dimension_numbers = #tpu.dot_dimension_numbers<[1], [1], [0], [0], [0, 0, 1, 0], [], []>, precision = #tpu.contract_precision<fp32>, transpose_lhs_hint = false} : vector<4096x32xf32>, vector<3x32xf32>, vector<4096x3xf32> -> vector<4096x3xf32>
    %mul3A_91 = arith.mulf %sub3A_31, %dot_general3A_90 : vector<4096x3xf32>
    %broadcast_in_dim3A_92 = arith.constant 0.000000e+00 : f32
    %broadcast_in_dim3A_93 = vector.broadcast %broadcast_in_dim3A_92 : f32 to vector<4096x93xf32>
    %concatenate3A_94 = tpu.concatenate %select_n3A_68, %mul3A_91, %broadcast_in_dim3A_93 in 1 : vector<4096x32xf32>, vector<4096x3xf32>, vector<4096x93xf32> -> vector<4096x128xf32>
    %swap3A = arith.constant 0 : index
    %swap3A_95 = arith.constant 0 : index
    %swap3A_96 = vector.load %arg13[%swap3A, %swap3A_95] : memref<4096x128xf32, #tpu.memory_space<vmem>>, vector<4096x128xf32>
    tpu.vector_store %arg13[%swap3A, %swap3A_95], %concatenate3A_94 {strides = array<i32>} : memref<4096x128xf32, #tpu.memory_space<vmem>>, vector<4096x128xf32>,
    return
  }
  func.func @transform_0(%arg0: i32) -> (i32, i32) {
    %c0_i32 = arith.constant 0 : i32
    %c0_i32_0 = arith.constant 0 : i32
    return %arg0, %c0_i32 : i32, i32
  }
  func.func @transform_1(%arg0: i32) -> (i32, i32) {
    %c0_i32 = arith.constant 0 : i32
    %c0_i32_0 = arith.constant 0 : i32
    return %arg0, %c0_i32 : i32, i32
  }
  func.func @transform_2(%arg0: i32) -> (i32, i32) {
    %c0_i32 = arith.constant 0 : i32
    %c0_i32_0 = arith.constant 0 : i32
    %c0_i32_1 = arith.constant 0 : i32
    return %c0_i32, %c0_i32_0 : i32, i32
  }
  func.func @transform_3(%arg0: i32) -> (i32, i32) {
    %c0_i32 = arith.constant 0 : i32
    %c0_i32_0 = arith.constant 0 : i32
    %c0_i32_1 = arith.constant 0 : i32
    return %c0_i32, %c0_i32_0 : i32, i32
  }
  func.func @transform_4(%arg0: i32) -> (i32, i32) {
    %c0_i32 = arith.constant 0 : i32
    %c0_i32_0 = arith.constant 0 : i32
    %c0_i32_1 = arith.constant 0 : i32
    return %c0_i32, %c0_i32_0 : i32, i32
  }
  func.func @transform_5(%arg0: i32) -> (i32, i32) {
    %c0_i32 = arith.constant 0 : i32
    %c0_i32_0 = arith.constant 0 : i32
    %c0_i32_1 = arith.constant 0 : i32
    return %c0_i32, %c0_i32_0 : i32, i32
  }
  func.func @transform_6(%arg0: i32) -> (i32, i32) {
    %c0_i32 = arith.constant 0 : i32
    %c0_i32_0 = arith.constant 0 : i32
    %c0_i32_1 = arith.constant 0 : i32
    return %c0_i32, %c0_i32_0 : i32, i32
  }
  func.func @transform_7(%arg0: i32) -> (i32, i32) {
    %c0_i32 = arith.constant 0 : i32
    %c0_i32_0 = arith.constant 0 : i32
    %c0_i32_1 = arith.constant 0 : i32
    return %c0_i32, %c0_i32_0 : i32, i32
  }
  func.func @transform_8(%arg0: i32) -> (i32, i32) {
    %c0_i32 = arith.constant 0 : i32
    %c0_i32_0 = arith.constant 0 : i32
    %c0_i32_1 = arith.constant 0 : i32
    return %c0_i32, %c0_i32_0 : i32, i32
  }
  func.func @transform_9(%arg0: i32) -> (i32, i32) {
    %c0_i32 = arith.constant 0 : i32
    %c0_i32_0 = arith.constant 0 : i32
    %c0_i32_1 = arith.constant 0 : i32
    return %c0_i32, %c0_i32_0 : i32, i32
  }
  func.func @transform_10(%arg0: i32) -> (i32, i32) {
    %c0_i32 = arith.constant 0 : i32
    %c0_i32_0 = arith.constant 0 : i32
    %c0_i32_1 = arith.constant 0 : i32
    return %c0_i32, %c0_i32_0 : i32, i32
  }
  func.func @transform_11(%arg0: i32) -> (i32, i32) {
    %c0_i32 = arith.constant 0 : i32
    %c0_i32_0 = arith.constant 0 : i32
    %c0_i32_1 = arith.constant 0 : i32
    return %c0_i32, %c0_i32_0 : i32, i32
  }
  func.func @transform_12(%arg0: i32) -> (i32, i32) {
    %c0_i32 = arith.constant 0 : i32
    %c0_i32_0 = arith.constant 0 : i32
    return %arg0, %c0_i32 : i32, i32
  }
}

module attributes {stable_mosaic.version = 14 : i64} {
  func.func @body(%arg0: memref<10240x128xf32, #tpu.memory_space<vmem>>, %arg1: memref<2x10240x128xf32, #tpu.memory_space<vmem>>, %arg2: memref<32x64xf32, #tpu.memory_space<vmem>>, %arg3: memref<1x32xf32, #tpu.memory_space<vmem>>, %arg4: memref<1x32xf32, #tpu.memory_space<vmem>>, %arg5: memref<1x32xf32, #tpu.memory_space<vmem>>, %arg6: memref<32x32xf32, #tpu.memory_space<vmem>>, %arg7: memref<1x32xf32, #tpu.memory_space<vmem>>, %arg8: memref<10240x128xf32, #tpu.memory_space<vmem>>) attributes {dimension_semantics = [], scalar_prefetch = 0 : i64, scratch_operands = 0 : i64, tpu.core_type = #tpu.core_type<tc>} {
    %get3A = arith.constant 0 : index
    %get3A_0 = arith.constant 0 : index
    %get3A_1 = vector.load %arg0[%get3A, %get3A_0] : memref<10240x128xf32, #tpu.memory_space<vmem>>, vector<10240x128xf32>
    %get3A_2 = arith.constant 0 : index
    %get3A_3 = arith.constant 0 : index
    %get3A_4 = arith.constant 0 : index
    %get3A_5 = vector.load %arg1[%get3A_2, %get3A_3, %get3A_4] : memref<2x10240x128xf32, #tpu.memory_space<vmem>>, vector<1x10240x128xf32>
    %get3A_6 = vector.shape_cast %get3A_5 : vector<1x10240x128xf32> to vector<10240x128xf32>
    %get3A_7 = arith.constant 1 : index
    %get3A_8 = arith.constant 0 : index
    %get3A_9 = arith.constant 0 : index
    %get3A_10 = vector.load %arg1[%get3A_7, %get3A_8, %get3A_9] : memref<2x10240x128xf32, #tpu.memory_space<vmem>>, vector<1x10240x128xf32>
    %get3A_11 = vector.shape_cast %get3A_10 : vector<1x10240x128xf32> to vector<10240x128xf32>
    %add3A = arith.addf %get3A_6, %get3A_11 : vector<10240x128xf32>
    %slice3A = vector.extract_strided_slice %get3A_1 {offsets = [0, 0], sizes = [10000, 32], strides = [1, 1]} : vector<10240x128xf32> to vector<10000x32xf32>
    %slice3A_12 = vector.extract_strided_slice %get3A_1 {offsets = [0, 32], sizes = [10000, 3], strides = [1, 1]} : vector<10240x128xf32> to vector<10000x3xf32>
    %slice3A_13 = vector.extract_strided_slice %add3A {offsets = [0, 32], sizes = [10000, 3], strides = [1, 1]} : vector<10240x128xf32> to vector<10000x3xf32>
    %add3A_14 = arith.addf %slice3A_12, %slice3A_13 : vector<10000x3xf32>
    %slice3A_15 = vector.extract_strided_slice %add3A {offsets = [0, 0], sizes = [10000, 32], strides = [1, 1]} : vector<10240x128xf32> to vector<10000x32xf32>
    %concatenate3A = tpu.concatenate %slice3A, %slice3A_15 in 1 : vector<10000x32xf32>, vector<10000x32xf32> -> vector<10000x64xf32>
    %get3A_16 = arith.constant 0 : index
    %get3A_17 = arith.constant 0 : index
    %get3A_18 = vector.load %arg2[%get3A_16, %get3A_17] : memref<32x64xf32, #tpu.memory_space<vmem>>, vector<32x64xf32>
    %dot_general3A = arith.constant dense<0.000000e+00> : vector<10000x32xf32>
    %dot_general3A_19 = tpu.matmul %concatenate3A, %get3A_18, %dot_general3A {dimension_numbers = #tpu.dot_dimension_numbers<[1], [1], [0], [0], [0, 0, 1, 0], [], []>, precision = #tpu.contract_precision<fp32>, transpose_lhs_hint = false} : vector<10000x64xf32>, vector<32x64xf32>, vector<10000x32xf32> -> vector<10000x32xf32>
    %get3A_20 = arith.constant 0 : index
    %get3A_21 = arith.constant 0 : index
    %get3A_22 = vector.load %arg3[%get3A_20, %get3A_21] : memref<1x32xf32, #tpu.memory_space<vmem>>, vector<1x32xf32>
    %add3A_23 = vector.broadcast %get3A_22 : vector<1x32xf32> to vector<10000x32xf32>
    %add3A_24 = arith.addf %dot_general3A_19, %add3A_23 : vector<10000x32xf32>
    %reduce_sum3A = arith.constant dense<0.000000e+00> : vector<32xf32>
    %reduce_sum3A_25 = vector.multi_reduction <add>, %add3A_24, %reduce_sum3A [0] : vector<10000x32xf32> to vector<32xf32>
    %broadcast_in_dim3A = vector.shape_cast %reduce_sum3A_25 : vector<32xf32> to vector<1x32xf32>
    %div3A = arith.constant 1.000000e+04 : f32
    %div3A_26 = vector.broadcast %div3A : f32 to vector<1x32xf32>
    %div3A_27 = arith.divf %broadcast_in_dim3A, %div3A_26 : vector<1x32xf32>
    %mul3A = arith.mulf %add3A_24, %add3A_24 : vector<10000x32xf32>
    %reduce_sum3A_28 = arith.constant dense<0.000000e+00> : vector<32xf32>
    %reduce_sum3A_29 = vector.multi_reduction <add>, %mul3A, %reduce_sum3A_28 [0] : vector<10000x32xf32> to vector<32xf32>
    %broadcast_in_dim3A_30 = vector.shape_cast %reduce_sum3A_29 : vector<32xf32> to vector<1x32xf32>
    %div3A_31 = arith.constant 1.000000e+04 : f32
    %div3A_32 = vector.broadcast %div3A_31 : f32 to vector<1x32xf32>
    %div3A_33 = arith.divf %broadcast_in_dim3A_30, %div3A_32 : vector<1x32xf32>
    %mul3A_34 = arith.mulf %div3A_27, %div3A_27 : vector<1x32xf32>
    %sub3A = arith.subf %div3A_33, %mul3A_34 : vector<1x32xf32>
    %sub3A_35 = vector.broadcast %div3A_27 : vector<1x32xf32> to vector<10000x32xf32>
    %sub3A_36 = arith.subf %add3A_24, %sub3A_35 : vector<10000x32xf32>
    %add3A_37 = arith.constant 9.99999974E-6 : f32
    %add3A_38 = vector.broadcast %add3A_37 : f32 to vector<1x32xf32>
    %add3A_39 = arith.addf %sub3A, %add3A_38 : vector<1x32xf32>
    %rsqrt3A = math.rsqrt %add3A_39 : vector<1x32xf32>
    %mul3A_40 = vector.broadcast %rsqrt3A : vector<1x32xf32> to vector<10000x32xf32>
    %mul3A_41 = arith.mulf %sub3A_36, %mul3A_40 : vector<10000x32xf32>
    %get3A_42 = arith.constant 0 : index
    %get3A_43 = arith.constant 0 : index
    %get3A_44 = vector.load %arg4[%get3A_42, %get3A_43] : memref<1x32xf32, #tpu.memory_space<vmem>>, vector<1x32xf32>
    %mul3A_45 = vector.broadcast %get3A_44 : vector<1x32xf32> to vector<10000x32xf32>
    %mul3A_46 = arith.mulf %mul3A_41, %mul3A_45 : vector<10000x32xf32>
    %get3A_47 = arith.constant 0 : index
    %get3A_48 = arith.constant 0 : index
    %get3A_49 = vector.load %arg5[%get3A_47, %get3A_48] : memref<1x32xf32, #tpu.memory_space<vmem>>, vector<1x32xf32>
    %add3A_50 = vector.broadcast %get3A_49 : vector<1x32xf32> to vector<10000x32xf32>
    %add3A_51 = arith.addf %mul3A_46, %add3A_50 : vector<10000x32xf32>
    %gt3A = arith.constant 0.000000e+00 : f32
    %gt3A_52 = vector.broadcast %gt3A : f32 to vector<10000x32xf32>
    %gt3A_53 = arith.cmpf ogt, %add3A_51, %gt3A_52 : vector<10000x32xf32>
    %mul3A_54 = arith.constant 0.00999999977 : f32
    %mul3A_55 = vector.broadcast %mul3A_54 : f32 to vector<10000x32xf32>
    %mul3A_56 = arith.mulf %mul3A_55, %add3A_51 : vector<10000x32xf32>
    %select_n3A = arith.select %gt3A_53, %add3A_51, %mul3A_56 : vector<10000x32xi1>, vector<10000x32xf32>
    %get3A_57 = arith.constant 0 : index
    %get3A_58 = arith.constant 0 : index
    %get3A_59 = vector.load %arg6[%get3A_57, %get3A_58] : memref<32x32xf32, #tpu.memory_space<vmem>>, vector<32x32xf32>
    %dot_general3A_60 = arith.constant dense<0.000000e+00> : vector<10000x32xf32>
    %dot_general3A_61 = tpu.matmul %select_n3A, %get3A_59, %dot_general3A_60 {dimension_numbers = #tpu.dot_dimension_numbers<[1], [1], [0], [0], [0, 0, 1, 0], [], []>, precision = #tpu.contract_precision<fp32>, transpose_lhs_hint = false} : vector<10000x32xf32>, vector<32x32xf32>, vector<10000x32xf32> -> vector<10000x32xf32>
    %get3A_62 = arith.constant 0 : index
    %get3A_63 = arith.constant 0 : index
    %get3A_64 = vector.load %arg7[%get3A_62, %get3A_63] : memref<1x32xf32, #tpu.memory_space<vmem>>, vector<1x32xf32>
    %add3A_65 = vector.broadcast %get3A_64 : vector<1x32xf32> to vector<10000x32xf32>
    %add3A_66 = arith.addf %dot_general3A_61, %add3A_65 : vector<10000x32xf32>
    %broadcast_in_dim3A_67 = arith.constant 0.000000e+00 : f32
    %broadcast_in_dim3A_68 = vector.broadcast %broadcast_in_dim3A_67 : f32 to vector<10000x93xf32>
    %concatenate3A_69 = tpu.concatenate %add3A_66, %add3A_14, %broadcast_in_dim3A_68 in 1 : vector<10000x32xf32>, vector<10000x3xf32>, vector<10000x93xf32> -> vector<10000x128xf32>
    %broadcast_in_dim3A_70 = arith.constant 0.000000e+00 : f32
    %broadcast_in_dim3A_71 = vector.broadcast %broadcast_in_dim3A_70 : f32 to vector<240x128xf32>
    %concatenate3A_72 = tpu.concatenate %concatenate3A_69, %broadcast_in_dim3A_71 in 0 : vector<10000x128xf32>, vector<240x128xf32> -> vector<10240x128xf32>
    %swap3A = arith.constant 0 : index
    %swap3A_73 = arith.constant 0 : index
    %swap3A_74 = vector.load %arg8[%swap3A, %swap3A_73] : memref<10240x128xf32, #tpu.memory_space<vmem>>, vector<10240x128xf32>
    tpu.vector_store %arg8[%swap3A, %swap3A_73], %concatenate3A_72 {strides = array<i32>} : memref<10240x128xf32, #tpu.memory_space<vmem>>, vector<10240x128xf32>,
    return
  }
}

module attributes {stable_mosaic.version = 14 : i64} {
  func.func @body(%arg0: memref<10240x128xf32, #tpu.memory_space<vmem>>, %arg1: memref<128x32xf32, #tpu.memory_space<vmem>>, %arg2: memref<1x128xf32, #tpu.memory_space<vmem>>, %arg3: memref<10000x128xf32, #tpu.memory_space<vmem>>) attributes {dimension_semantics = [], scalar_prefetch = 0 : i64, scratch_operands = 0 : i64, tpu.core_type = #tpu.core_type<tc>} {
    %get3A = arith.constant 0 : index
    %get3A_0 = arith.constant 0 : index
    %get3A_1 = vector.load %arg0[%get3A, %get3A_0] : memref<10240x128xf32, #tpu.memory_space<vmem>>, vector<10000x32xf32>
    %get3A_2 = arith.constant 0 : index
    %get3A_3 = arith.constant 0 : index
    %get3A_4 = vector.load %arg1[%get3A_2, %get3A_3] : memref<128x32xf32, #tpu.memory_space<vmem>>, vector<128x32xf32>
    %dot_general3A = arith.constant dense<0.000000e+00> : vector<10000x128xf32>
    %dot_general3A_5 = tpu.matmul %get3A_1, %get3A_4, %dot_general3A {dimension_numbers = #tpu.dot_dimension_numbers<[1], [1], [0], [0], [0, 0, 1, 0], [], []>, precision = #tpu.contract_precision<fp32>, transpose_lhs_hint = false} : vector<10000x32xf32>, vector<128x32xf32>, vector<10000x128xf32> -> vector<10000x128xf32>
    %get3A_6 = arith.constant 0 : index
    %get3A_7 = arith.constant 0 : index
    %get3A_8 = vector.load %arg2[%get3A_6, %get3A_7] : memref<1x128xf32, #tpu.memory_space<vmem>>, vector<1x128xf32>
    %add3A = vector.broadcast %get3A_8 : vector<1x128xf32> to vector<10000x128xf32>
    %add3A_9 = arith.addf %dot_general3A_5, %add3A : vector<10000x128xf32>
    %swap3A = arith.constant 0 : index
    %swap3A_10 = arith.constant 0 : index
    %swap3A_11 = vector.load %arg3[%swap3A, %swap3A_10] : memref<10000x128xf32, #tpu.memory_space<vmem>>, vector<10000x128xf32>
    tpu.vector_store %arg3[%swap3A, %swap3A_10], %add3A_9 {strides = array<i32>} : memref<10000x128xf32, #tpu.memory_space<vmem>>, vector<10000x128xf32>,
    return
  }
}

</mosaic_0001>

<sc_bundles>
// kernel: kernel.14.cloned.1.call-start
scs
__scs_entry_jumppad:
0x0: {  	(pc) =	sbr.rel $0x88, $3  }
0x1: {  	(tag) =	ssettag $0x0;
	lr =	simm.s32 $0x1  }
0x2: {  	[smem:$0x3F7A] =	sst lr;
	_ =	strace $0xD0000000  }
0x3: {  	_ = 	snop  }
0x4: {  	_ = 	snop  }
0x5: {  	_ = 	snop  }
0x6: {  	_ = 	snop  }
0x7: {  	_ = 	snop  }
__scs_overlays_trampoline_lowered:
0x8: {  	[smem:$0x3F89] =	sst s0  }
0x9: {  	[smem:$0x3F8A] =	sst s1  }
0xa: {  	[smem:$0x3F8B] =	sst s2  }
0xb: {  	[smem:$0x3F8C] =	sst s3  }
0xc: {  	[smem:$0x3F8D] =	sst s4  }
0xd: {  	[smem:$0x3F8E] =	sst s5  }
0xe: {  	[smem:$0x3F8F] =	sst s6  }
0xf: {  	[smem:$0x3F90] =	sst s7  }
0x10: {  	[smem:$0x3F91] =	sst s8  }
0x11: {  	[smem:$0x3F92] =	sst s9;
	s0 =	simm.s32 @!p0 $0x0  }
0x12: {  	s1 =	sld [smem:$0x3F78];
	s0 =	simm.s32 @p0 $0x1  }
0x13: {  	[smem:$0x3F93] =	sst s0;
	s0 =	simm.s32 @!p1 $0x0  }
0x14: {  	s2 =	sld [smem:$0x3F77];
	s0 =	simm.s32 @p1 $0x1  }
0x15: {  	[smem:$0x3F94] =	sst s0;
	s0 =	simm.s32 @!p2 $0x0  }
0x16: {  	s3 =	sld [smem:$0x3FDB];
	s0 =	simm.s32 @p2 $0x1  }
0x17: {  	s4 =	simm.s32 $0x1BF5;
	[smem:$0x3F96] =	sst s0  }
0x18: {  	s0 =	sld [smem:$0x3F79];
	_ =	swait.ge [sflag:s4], $0x0  }
0x19: {  	s7 =	sld [smem:$0x3F7A]  }
0x1a: {  	s8 =	sadd.s32 $0xFFFFE003, lr  }
0x1b: {  	s9 =	sadd.s32 $0xFFFFFEF7, lr;
	s5 =	simm.s32 $0xFFFFFFFF;
	p2 =	slt.u32 s8, $0xFFFFF086  }
0x1c: {  	p1 =	slt.u32 s9, $0xF7A;
	s5 =	simm.s32 @!p2 $0x0  }
0x1d: {  	s5 =	simm.s32 @p1 $0x1;
	p0 =	seq.s32 s7, s2  }
0x1e: {  	s7 =	smul.u32 @!p0 $0xF7A, s2;
	p2 =	seq.s32 @!p0 s5, $0x0  }
0x1f: {  	s9 =	smul.u32 $0xF7A, s1;
	s8 =	simm.s32 @!p0 $0x1BF5;
	p2 =	por !p2, p0  }
0x20: {  	[sflag:s8] =	ssyncset.s32 @!p0 $0xFFFFF086;
	s6 =	sadd.s32 @!p0 s3, s7;
	s7 =	simm.s32 @!p0 $0x108  }
0x21: {  	s3 =	sadd.s32 s3, s9;
	s6 =	sadd.s32 @!p0 $0x88, s6;
	s7 =	simm.s32 @p2 $0x1082  }
0x22: {  	[simem:s7], [sflag:s8] =	dma.local @!p0 [hbm:s6], $0xF7A  }
0x23: {  	s9 =	sor.u32 $0xD0000000, s2;
	s6 =	simm.s32 $0x108;
	_ =	swait.ge @!p0 [sflag:s8], $0x0  }
0x24: {  	s3 =	sadd.s32 $0x88, s3;
	s6 =	simm.s32 @!p1 $0x1082;
	[sflag:s4] =	ssyncset.s32 $0xFFFFF086  }
0x25: {  	[simem:s6], [sflag:s4] =	dma.local [hbm:s3], $0xF7A  }
0x26: {  	[smem:$0x3F7A] =	sst s1;
	(tag) =	ssettag s2;
	_ =	strace s9  }
0x27: {  	s1 =	sld [smem:$0x3F8A]  }
0x28: {  	s2 =	sld [smem:$0x3F8B]  }
0x29: {  	s4 =	sld [smem:$0x3F8D]  }
0x2a: {  	p0 =	seq.s32 s5, $0x0;
	s5 =	sld [smem:$0x3F8E]  }
0x2b: {  	s6 =	sld [smem:$0x3F8F]  }
0x2c: {  	s7 =	sld [smem:$0x3F90]  }
0x2d: {  	s3 =	simm.s32 $0x108;
	s8 =	sld [smem:$0x3F91]  }
0x2e: {  	s3 =	simm.s32 @!p0 $0x1082;
	s9 =	sld [smem:$0x3F92]  }
0x2f: {  	lr =	sadd.s32 s0, s3;
	s0 =	sld [smem:$0x3F89]  }
0x30: {  	s3 =	sld [smem:$0x3F8C]  }
0x31: {  	[smem:$0x3F95] =	sst s10  }
0x32: {  	s10 =	sld [smem:$0x3F93];
	_ =	sdelay $0x3  }
0x33: {  	p0 =	seq.s32 s10, $0x1;
	s10 =	sld [smem:$0x3F95];
	_ =	sdelay $0x3  }
0x34: {  	[smem:$0x3F95] =	sst s10  }
0x35: {  	s10 =	sld [smem:$0x3F94];
	_ =	sdelay $0x3  }
0x36: {  	p1 =	seq.s32 s10, $0x1;
	s10 =	sld [smem:$0x3F95];
	_ =	sdelay $0x3  }
0x37: {  	[smem:$0x3F95] =	sst s10  }
0x38: {  	s10 =	sld [smem:$0x3F96]  }
0x39: {  	_ = 	snop;
	(pc) =	sbr.ind lr, $3  }
0x3a: {  	_ = 	snop  }
0x3b: {  	_ = 	snop  }
0x3c: {  	p2 =	seq.s32 s10, $0x1;
	s10 =	sld [smem:$0x3F95]  }
0x3d: {  	_ =	shalt  }
0x3e: {  	_ =	shalt  }
0x3f: {  	_ =	shalt  }
0x40: {  	_ =	shalt  }
0x41: {  	_ =	shalt  }
0x42: {  	_ =	shalt  }
0x43: {  	_ =	shalt  }
0x44: {  	_ =	shalt  }
0x45: {  	_ =	shalt  }
0x46: {  	_ =	shalt  }
0x47: {  	_ =	shalt  }
0x48: {  	_ =	shalt  }
0x49: {  	_ =	shalt  }
0x4a: {  	_ =	shalt  }
0x4b: {  	_ =	shalt  }
0x4c: {  	_ =	shalt  }
0x4d: {  	_ =	shalt  }
0x4e: {  	_ =	shalt  }
0x4f: {  	_ =	shalt  }
0x50: {  	_ =	shalt  }
0x51: {  	_ =	shalt  }
0x52: {  	_ =	shalt  }
0x53: {  	_ =	shalt  }
0x54: {  	_ =	shalt  }
0x55: {  	_ =	shalt  }
0x56: {  	_ =	shalt  }
0x57: {  	_ =	shalt  }
0x58: {  	_ =	shalt  }
0x59: {  	_ =	shalt  }
0x5a: {  	_ =	shalt  }
0x5b: {  	_ =	shalt  }
0x5c: {  	_ =	shalt  }
0x5d: {  	_ =	shalt  }
0x5e: {  	_ =	shalt  }
0x5f: {  	_ =	shalt  }
0x60: {  	_ =	shalt  }
0x61: {  	_ =	shalt  }
0x62: {  	_ =	shalt  }
0x63: {  	_ =	shalt  }
0x64: {  	_ =	shalt  }
0x65: {  	_ =	shalt  }
0x66: {  	_ =	shalt  }
0x67: {  	_ =	shalt  }
0x68: {  	_ =	shalt  }
0x69: {  	_ =	shalt  }
0x6a: {  	_ =	shalt  }
0x6b: {  	_ =	shalt  }
0x6c: {  	_ =	shalt  }
0x6d: {  	_ =	shalt  }
0x6e: {  	_ =	shalt  }
0x6f: {  	_ =	shalt  }
0x70: {  	_ =	shalt  }
0x71: {  	_ =	shalt  }
0x72: {  	_ =	shalt  }
0x73: {  	_ =	shalt  }
0x74: {  	_ =	shalt  }
0x75: {  	_ =	shalt  }
0x76: {  	_ =	shalt  }
0x77: {  	_ =	shalt  }
0x78: {  	_ =	shalt  }
0x79: {  	_ =	shalt  }
0x7a: {  	_ =	shalt  }
0x7b: {  	_ =	shalt  }
0x7c: {  	_ =	shalt  }
0x7d: {  	_ =	shalt  }
0x7e: {  	_ =	shalt  }
0x7f: {  	_ =	shalt  }
0x80: {  	_ =	shalt  }
0x81: {  	_ =	shalt  }
0x82: {  	_ =	shalt  }
0x83: {  	_ =	shalt  }
0x84: {  	_ =	shalt  }
0x85: {  	_ =	shalt  }
0x86: {  	_ =	shalt  }
0x87: {  	_ =	shalt  }
.Lfunc_end0:
.L_simem_size_0:
called_computation_lowered:
.L_overlay_start_0:
0x88: {  	s2 =	sld [smem:$0x3FD9]  }
0x89: {  	s3 =	sld [smem:$0x3FFE];
	_ =	sdelay $0x1  }
0x8a: {  	s1 =	srdreg.scid  }
0x8b: {  	s0 =	sand.u32 $0x1, s1  }
0x8c: {  	s17 =	sshll.u32 s0, $0xA;
	s2 =	sadd.s32 s3, s2  }
0x8d: {  	s2 =	sadd.s32 s2, s17  }
0x8e: {  	[smem:$0x3FA1] =	sst s2  }
0x8f: {  	_ = 	snop  }
0x90: {  	s2 =	sld [smem:$0x3FD0];
	(tm) =	ssettm $0x1  }
0x91: {  	s18 =	sld [smem:$0x3FFB];
	_ =	sdelay $0x3  }
0x92: {  	_ =	strace s18  }
0x93: {  	s3 =	sld [smem:$0x3FFC];
	_ =	sdelay $0x3  }
0x94: {  	_ =	strace s3  }
0x95: {  	s3 =	sld [smem:$0x3FFD];
	_ =	sdelay $0x3  }
0x96: {  	_ =	strace s3  }
0x97: {  	_ =	strace $0x8FFFFFFF  }
0x98: {  	s19 =	sld [smem:$0x3FDB];
	_ =	sdelay $0x1  }
0x99: {  	s4 =	simm.s32 $_scs_section_size  }
0x9a: {  	s5 =	simm.s32 $_size__tile_overlayer_lowered;
	s6 =	simm.s32 $_tile_overlayer_lowered  }
0x9b: {  	s22 =	simm.s32 $0x1BFF;
	s21 =	sshll.u32 s6, $0x1;
	s3 =	sadd.s32 s4, s19  }
0x9c: {  	s7 =	simm.s32 $0x0;
	s20 =	sshll.u32 s5, $0x1;
	s5 =	sadd.s32 s21, s3  }
0x9d: {  	[timem:s7], [sflag:s22] =	dma.local [hbm:s5], s20  }
0x9e: {  	_ =	swait.ge [sflag:s22], s20  }
0x9f: {  	s4 =	ssub.s32 $0x0, s20;
	[sflag:s22] =	ssyncset.done $0x0  }
0xa0: {  	[sflag:s22] =	ssyncadd.s32 s4;
	_ =	sdelay $0x1  }
0xa1: {  	s23 =	simm.s32 $0x1B8B  }
0xa2: {  	_ =	swait.ge [sflag:s23], $0x1  }
0xa3: {  	[sflag:s23] =	ssyncset.done $0x0  }
0xa4: {  	s25 =	simm.s32 $0x1B8E;
	s24 =	sld [smem:$0x3FFE];
	[sflag:s23] =	ssyncadd.s32 $0xFFFFFFFF  }
0xa5: {  	s26 =	simm.s32 $execute0_lowered;
	[smem:$0x3FD2] =	sst s25  }
0xa6: {  	s5 =	sshll.u32 s26, $0x1;
	_ =	strace $0x80000046;
	[dreg:$0x1] =	wrdreg $0xFFFFFFFF  }
0xa7: {  	s28 =	simm.s32 $_size_execute0_lowered;
	s3 =	sadd.s32 s3, s5;
	[dreg:$0x0] =	wrdreg $0x0  }
0xa8: {  	s5 =	sshll.u32 s28, $0x1;
	[dreg:$0x2] =	wrdreg s3  }
0xa9: {  	[dreg:$0x3] =	wrdreg s5  }
0xaa: {  	[dreg:$0x4] =	wrdreg $0xC0  }
0xab: {  	_ =	task [dreg:s7], $0x5FFFF  }
0xac: {  	[dreg:$0x1] =	wrdreg $0xFFFFFFFF  }
0xad: {  	[dreg:$0x0] =	wrdreg $0x60  }
0xae: {  	[dreg:$0x2] =	wrdreg s2  }
0xaf: {  	[dreg:$0x3] =	wrdreg s24  }
0xb0: {  	[dreg:$0x4] =	wrdreg $0x90000  }
0xb1: {  	[dreg:$0x5] =	wrdreg $0x9  }
0xb2: {  	_ =	task.clear_ibuf [dreg:s7], $0x6FFFF;
	_ =	strace $0x90000046  }
0xb3: {  	s29 =	simm.s32 $0x9;
	_ =	strace $0x80000048  }
0xb4: {  	_ =	swait.ge [sflag:s29], $0x1  }
0xb5: {  	[sflag:s29] =	ssyncadd.s32 $0xFFFFFFFF  }
0xb6: {  	_ =	strace $0x90000048  }
0xb7: {  	_ =	sfence  }
0xb8: {  	s30 =	sld [smem:$0x0];
	_ =	sdelay $0x2  }
0xb9: {  	s31 =	sshll.u32 s1, $0xD;
	s1 =	sshrl.u32 s1, $0x2  }
0xba: {  	s3 =	sand.u32 $0x4000, s31;
	s1 =	sadd.s32 s1, s30  }
0xbb: {  	s0 =	sor.u32 s3, s0;
	s1 =	sshll.u32 s1, $0x11  }
0xbc: {  	s0 =	sor.u32 s1, s0  }
0xbd: {  	s0 =	sadd.s32 $0x8F2B, s0  }
0xbe: {  	[sflag:s0] =	ssyncadd.remote.s32 $0x1  }
0xbf: {  	_ =	sfence.sel $0xFFFF  }
0xc0: {  	[dreg:$0x0] =	wrdreg $0xFFFFFFFF;
	(pc) =	sbr.abs _section_cstart, $3  }
0xc1: {  	[dreg:$0x1] =	wrdreg $0xFFFFFFFF  }
0xc2: {  	_ =	task.clear_ibuf [dreg:s7], $0x2FFFF;
	_ =	strace $0x9FFFFFFF  }
0xc3: {  	(tm) =	ssettm $0x7FFFFFFF  }
tec
execute0_lowered:
.L_overlay_start_1:
0x0: {  	(tag) =	ssettag $0x1  }
0x1: {  	s0 =	rddreg [dreg:$0x0]  }
0x2: {  	s2 =	rddreg [dreg:$0x1]  }
0x3: {  	s1 =	rddreg [dreg:$0x2];
	s3 =	simm.s32 $0x0  }
0x4: {  	s11 =	stileid.u32;
	s5 =	srdreg.scid;
	s20 =	simm.s32 $0x1000  }
0x5: {  	s28 =	simm.s32 $0x0;
	[smem:$0x7FF] =	sst s3;
	s7 =	smul.u32 $0x50000, s11  }
0x6: {  	s4 =	sadd.s32 $0x11000, s2;
	s8 =	sand.u32 $0x1, s5;
	s16 =	smul.u32 $0x280, s11  }
0x7: {  	s21 =	sshll.u32 s11, $0x1;
	s5 =	sadd.s32 $0x7000, s2;
	s22 =	smul.u32 $0x2800, s11  }
0x8: {  	_ =	strace $0x80000047;
	s9 =	ssub.s32 $0x2, s8;
	s6 =	sor.u32 s8, s21  }
0x9: {  	s8 =	smul.u32 $0x28000, s8;
	s21 =	simm.s32 $0x3;
	s10 =	sshrl.u32 s9, $0x1  }
0xa: {  	s6 =	smul.u32 $0x5, s6;
	s2 =	sadd.s32 s7, s2;
	s7 =	sshrl.u32 s7, $0x2  }
0xb: {  	s23 =	sadd.s32 $0x80, s16;
	s24 =	sadd.s32 s0, s22;
	s12 =	sadd.s32 $0x100, s16  }
0xc: {  	s30 =	sadd.s32 $0x180, s16;
	s31 =	sadd.s32 $0x200, s16;
	s22 =	simm.s32 $0x800  }
0xd: {  	s9 =	ssub.s32 s9, s10;
	[dreg:$0x5] =	wrdreg s24;
	s7 =	sadd.s32 s7, s1  }
0xe: {  	s25 =	sshll.u32 s23, $0x4;
	s26 =	sshll.u32 s23, $0x7;
	s29 =	sshll.u32 s12, $0x4  }
0xf: {  	s13 =	sshll.u32 s12, $0x7;
	s14 =	sshll.u32 s30, $0x4;
	s16 =	sshll.u32 s31, $0x4  }
0x10: {  	s2 =	sadd.s32 s8, s2;
	s23 =	simm.s32 $0x80;
	s24 =	simm.s32 $0x5000  }
0x11: {  	s9 =	smax.u32 s9, $0x1;
	[dreg:$0x6] =	wrdreg s7;
	s7 =	sadd.s32 s0, s25  }
0x12: {  	s11 =	sadd.s32 s26, s1;
	s12 =	sadd.s32 s0, s29;
	s13 =	sadd.s32 s13, s1  }
0x13: {  	s14 =	sadd.s32 s0, s14;
	s16 =	sadd.s32 s0, s16;
	s18 =	sadd.s32 $0x1B000, s2  }
0x14: {  	s19 =	sadd.s32 $0x51B000, s2;
	[dreg:$0x7] =	wrdreg s7;
	s7 =	sshll.u32 s30, $0x7  }
0x15: {  	s25 =	simm.s32 $0x1;
	s15 =	sadd.s32 s7, s1;
	s7 =	sshll.u32 s31, $0x7  }
0x16: {  	s26 =	simm.s32 $0x2;
	[dreg:$0x4] =	wrdreg s9;
	s17 =	sadd.s32 s7, s1  }
.LBB2_1:
0x17: {  	s0 =	rddreg [dreg:$0x5]  }
0x18: {  	[tilespmem:s20], [sflag:$0x3] =	stream.linear.gather [hbm4b:s0+s3], $0x4000, $0x38;
	[tilespmem:$0x1D000] =	vst v63  }
0x19: {  	_ =	swait.ge [sflag:s21], $0x4000  }
0x1a: {  	[sflag:s21] =	ssyncset.done $0x0  }
0x1b: {  	s9 =	rddreg [dreg:$0x6];
	[sflag:s21] =	ssyncadd.s32 $0xFFFFC000  }
0x1c: {  	[spmem:s9] =	stream.linear.scatter [tilespmem:s20], [sflag:$0x3], $0x4000, $0x38;
	[tilespmem:$0x1D000] =	vst v63  }
0x1d: {  	_ =	swait.ge [sflag:s21], $0x4000  }
0x1e: {  	[sflag:s21] =	ssyncset.done $0x0  }
0x1f: {  	s10 =	rddreg [dreg:$0x7];
	[sflag:s21] =	ssyncadd.s32 $0xFFFFC000  }
0x20: {  	[tilespmem:s20], [sflag:$0x3] =	stream.linear.gather [hbm4b:s10+s3], $0x4000, $0x38;
	[tilespmem:$0x1D000] =	vst v63  }
0x21: {  	_ =	swait.ge [sflag:s21], $0x4000  }
0x22: {  	[sflag:s21] =	ssyncset.done $0x0  }
0x23: {  	[sflag:s21] =	ssyncadd.s32 $0xFFFFC000  }
0x24: {  	[spmem:s11] =	stream.linear.scatter [tilespmem:s20], [sflag:$0x3], $0x4000, $0x38;
	[tilespmem:$0x1D000] =	vst v63  }
0x25: {  	_ =	swait.ge [sflag:s21], $0x4000  }
0x26: {  	[sflag:s21] =	ssyncset.done $0x0  }
0x27: {  	[sflag:s21] =	ssyncadd.s32 $0xFFFFC000  }
0x28: {  	[tilespmem:s20], [sflag:$0x3] =	stream.linear.gather [hbm4b:s12+s3], $0x4000, $0x38;
	[tilespmem:$0x1D000] =	vst v63  }
0x29: {  	_ =	swait.ge [sflag:s21], $0x4000  }
0x2a: {  	[sflag:s21] =	ssyncset.done $0x0  }
0x2b: {  	[sflag:s21] =	ssyncadd.s32 $0xFFFFC000  }
0x2c: {  	[spmem:s13] =	stream.linear.scatter [tilespmem:s20], [sflag:$0x3], $0x4000, $0x38;
	[tilespmem:$0x1D000] =	vst v63  }
0x2d: {  	_ =	swait.ge [sflag:s21], $0x4000  }
0x2e: {  	[sflag:s21] =	ssyncset.done $0x0  }
0x2f: {  	[sflag:s21] =	ssyncadd.s32 $0xFFFFC000  }
0x30: {  	[tilespmem:s20], [sflag:$0x3] =	stream.linear.gather [hbm4b:s14+s3], $0x4000, $0x38;
	[tilespmem:$0x1D000] =	vst v63  }
0x31: {  	_ =	swait.ge [sflag:s21], $0x4000  }
0x32: {  	[sflag:s21] =	ssyncset.done $0x0  }
0x33: {  	[sflag:s21] =	ssyncadd.s32 $0xFFFFC000  }
0x34: {  	[spmem:s15] =	stream.linear.scatter [tilespmem:s20], [sflag:$0x3], $0x4000, $0x38;
	[tilespmem:$0x1D000] =	vst v63  }
0x35: {  	_ =	swait.ge [sflag:s21], $0x4000  }
0x36: {  	[sflag:s21] =	ssyncset.done $0x0  }
0x37: {  	[sflag:s21] =	ssyncadd.s32 $0xFFFFC000  }
0x38: {  	[tilespmem:s20], [sflag:$0x3] =	stream.linear.gather [hbm4b:s16+s3], $0x4000, $0x38;
	[tilespmem:$0x1D000] =	vst v63  }
0x39: {  	_ =	swait.ge [sflag:s21], $0x4000  }
0x3a: {  	[sflag:s21] =	ssyncset.done $0x0  }
0x3b: {  	[sflag:s21] =	ssyncadd.s32 $0xFFFFC000  }
0x3c: {  	[spmem:s17] =	stream.linear.scatter [tilespmem:s20], [sflag:$0x3], $0x4000, $0x38;
	[tilespmem:$0x1D000] =	vst v63  }
0x3d: {  	_ =	swait.ge [sflag:s21], $0x4000  }
0x3e: {  	[sflag:s21] =	ssyncset.done $0x0  }
0x3f: {  	s29 =	smov.u32 s19;
	[sflag:s21] =	ssyncadd.s32 $0xFFFFC000  }
0x40: {  	s30 =	smov.u32 s18;
	s31 =	simm.s32 $0x0;
	[bflag:$0x0] =	sbarrier.arrive $0xFFFF  }
.LBB2_2:
0x41: {  	s0 =	sadd.s32 s6, s31  }
0x42: {  	s0 =	sshll.u32 s0, $0x8  }
0x43: {  	s7 =	simm.s32 $0x0;
	s2 =	sadd.s32 s4, s0  }
0x44: {  	[tilespmem:s7], [sflag:$0x3] =	stream.linear.gather [hbm4b:s2+s7], $0x800, $0x38;
	[tilespmem:$0x1D000] =	vst v63  }
0x45: {  	_ =	swait.ge [sflag:s21], $0x800  }
0x46: {  	[sflag:s21] =	ssyncset.done $0x0  }
0x47: {  	s0 =	sadd.s32 s5, s0;
	[sflag:s21] =	ssyncadd.s32 $0xFFFFF800  }
0x48: {  	[tilespmem:s22], [sflag:$0x3] =	stream.linear.gather [hbm4b:s0+s7], $0x800, $0x38;
	[tilespmem:$0x1D000] =	vst v63  }
0x49: {  	_ =	swait.ge [sflag:s21], $0x800  }
0x4a: {  	[sflag:s21] =	ssyncset.done $0x0  }
0x4b: {  	s9 =	simm.s32 $0x0;
	[sflag:s21] =	ssyncadd.s32 $0xFFFFF800  }
0x4c: {  	[tilespmem:s20], [sflag:$0x1] =	stream.indirect.gather [spmem:s1], $0x80, s9, s23, $0xb8;
	[tilespmem:$0x1D000] =	vst v63  }
0x4d: {  	s10 =	simm.s32 $0x800  }
0x4e: {  	[tilespmem:s24], [sflag:$0x2] =	stream.indirect.gather [spmem:s1], $0x80, s10, s23, $0xb8;
	[tilespmem:$0x1D000] =	vst v63  }
0x4f: {  	_ =	swait.ge [sflag:s25], $0x4000  }
0x50: {  	[sflag:s25] =	ssyncset.done $0x0  }
0x51: {  	[sflag:s25] =	ssyncadd.s32 $0xFFFFC000  }
0x52: {  	_ =	swait.ge [sflag:s26], $0x4000  }
0x53: {  	[sflag:s26] =	ssyncset.done $0x0  }
0x54: {  	[sflag:s26] =	ssyncadd.s32 $0xFFFFC000  }
0x55: {  	[hbm4b:s30+s3] =	stream.linear.scatter [tilespmem:s20], [sflag:$0x3], $0x4000, $0x38;
	[tilespmem:$0x1D000] =	vst v63  }
0x56: {  	_ =	swait.ge [sflag:s21], $0x4000  }
0x57: {  	[sflag:s21] =	ssyncset.done $0x0  }
0x58: {  	[sflag:s21] =	ssyncadd.s32 $0xFFFFC000  }
0x59: {  	[hbm4b:s29+s3] =	stream.linear.scatter [tilespmem:s24], [sflag:$0x3], $0x4000, $0x38;
	[tilespmem:$0x1D000] =	vst v63  }
0x5a: {  	s8 =	simm.s32 $0x400;
	s2 =	sadd.s32 $0x800, s30;
	_ =	swait.ge [sflag:s21], $0x4000  }
0x5b: {  	s7 =	simm.s32 $0x200;
	s0 =	sadd.s32 $0x800, s29;
	[sflag:s21] =	ssyncset.done $0x0  }
.LBB2_3:
0x5c: {  	s9 =	sshra.s32 s7, $0x2  }
0x5d: {  	[sflag:s21] =	ssyncadd.s32 $0xFFFFC000;
	s7 =	smov.u32 s8;
	s10 =	sadd.s32 $0x200, s8  }
0x5e: {  	[tilespmem:s20], [sflag:$0x1] =	stream.indirect.gather [spmem:s1], $0x80, s9, s23, $0xb8;
	[tilespmem:$0x1D000] =	vst v63  }
0x5f: {  	p0 =	sne.s32 s8, $0x1E00;
	s8 =	sadd.s32 $0x800, s9  }
0x60: {  	[tilespmem:s24], [sflag:$0x2] =	stream.indirect.gather [spmem:s1], $0x80, s8, s23, $0xb8;
	[tilespmem:$0x1D000] =	vst v63  }
0x61: {  	_ =	swait.ge [sflag:s25], $0x4000  }
0x62: {  	[sflag:s25] =	ssyncset.done $0x0  }
0x63: {  	[sflag:s25] =	ssyncadd.s32 $0xFFFFC000  }
0x64: {  	_ =	swait.ge [sflag:s26], $0x4000  }
0x65: {  	[sflag:s26] =	ssyncset.done $0x0  }
0x66: {  	[sflag:s26] =	ssyncadd.s32 $0xFFFFC000  }
0x67: {  	[hbm4b:s2+s3] =	stream.linear.scatter [tilespmem:s20], [sflag:$0x3], $0x4000, $0x38;
	[tilespmem:$0x1D000] =	vst v63  }
0x68: {  	_ =	swait.ge [sflag:s21], $0x4000  }
.Ltmp0:
0x69: {  	[sflag:s21] =	ssyncset.done $0x0;
	(pc) =	sbr.rel @p0 .LBB2_3-.Ltmp0, $4  }
0x6a: {  	[sflag:s21] =	ssyncadd.s32 $0xFFFFC000  }
0x6b: {  	[hbm4b:s0+s3] =	stream.linear.scatter [tilespmem:s24], [sflag:$0x3], $0x4000, $0x38;
	[tilespmem:$0x1D000] =	vst v63  }
0x6c: {  	s8 =	smov.u32 s10;
	_ =	swait.ge [sflag:s21], $0x4000  }
0x6d: {  	s2 =	sadd.s32 $0x800, s2;
	s0 =	sadd.s32 $0x800, s0;
	[sflag:s21] =	ssyncset.done $0x0  }
0x6e: {  	s7 =	sshra.s32 s7, $0x2;
	[sflag:s21] =	ssyncadd.s32 $0xFFFFC000  }
0x6f: {  	[tilespmem:s20], [sflag:$0x1] =	stream.indirect.gather [spmem:s1], $0x80, s7, s23, $0xb8;
	[tilespmem:$0x1D000] =	vst v63  }
0x70: {  	s7 =	sadd.s32 $0x800, s7  }
0x71: {  	[tilespmem:s24], [sflag:$0x2] =	stream.indirect.gather [spmem:s1], $0x80, s7, s23, $0xb8;
	[tilespmem:$0x1D000] =	vst v63  }
0x72: {  	_ =	swait.ge [sflag:s25], $0x4000  }
0x73: {  	[sflag:s25] =	ssyncset.done $0x0  }
0x74: {  	[sflag:s25] =	ssyncadd.s32 $0xFFFFC000  }
0x75: {  	_ =	swait.ge [sflag:s26], $0x4000  }
0x76: {  	[sflag:s26] =	ssyncset.done $0x0  }
0x77: {  	[sflag:s26] =	ssyncadd.s32 $0xFFFFC000  }
0x78: {  	[hbm4b:s2+s3] =	stream.linear.scatter [tilespmem:s20], [sflag:$0x3], $0x4000, $0x38;
	[tilespmem:$0x1D000] =	vst v63  }
0x79: {  	s31 =	sadd.s32 $0x1, s31;
	_ =	swait.ge [sflag:s21], $0x4000  }
0x7a: {  	p0 =	sne.s32 s31, $0x5;
	[sflag:s21] =	ssyncset.done $0x0  }
.Ltmp1:
0x7b: {  	[sflag:s21] =	ssyncadd.s32 $0xFFFFC000;
	(pc) =	sbr.rel @p0 .LBB2_2-.Ltmp1, $4  }
0x7c: {  	[hbm4b:s0+s3] =	stream.linear.scatter [tilespmem:s24], [sflag:$0x3], $0x4000, $0x38;
	[tilespmem:$0x1D000] =	vst v63  }
0x7d: {  	_ =	swait.ge [sflag:s21], $0x4000  }
0x7e: {  	[sflag:s21] =	ssyncset.done $0x0  }
0x7f: {  	s30 =	sadd.s32 $0x8000, s30;
	s29 =	sadd.s32 $0x8000, s29;
	[sflag:s21] =	ssyncadd.s32 $0xFFFFC000  }
0x80: {  	s28 =	sadd.s32 $0x1, s28;
	s0 =	rddreg [dreg:$0x4]  }
0x81: {  	p0 =	sne.s32 s28, s0  }
.Ltmp2:
0x82: {  	_ = 	snop;
	(pc) =	sbr.rel @p0 .LBB2_1-.Ltmp2, $1  }
0x83: {  	_ =	sdelay $0x3  }
0x84: {  	_ =	sfence.sel $0x180000  }
0x85: {  	[bflag:$0x0] =	sbarrier.arrive $0xFFFF  }
0x86: {  	_ =	strace $0x90000047  }
0x87: {  	s0 =	stileid.u32;
	[bflag:$0x2] =	sbarrier.arrive $0xFFFF  }
0x88: {  	p0 =	sne.s32 s0, $0x0;
	s0 =	rddreg [dreg:$0x3]  }
0x89: {  	s0 =	sadd.s32 @!p0 $0x100000, s0  }
0x8a: {  	[sflag:s0] =	ssyncadd.tile.s32 @!p0 $0x1;
	_ =	shalt  }
.Lfunc_end2:
_tile_overlayer_lowered:
.L_overlay_start_2:
0x8b: {  	(tag) =	ssettag $0x2  }
0x8c: {  	s0 =	rddreg [dreg:$0x0];
	s2 =	stileid.u32  }
0x8d: {  	s1 =	rddreg [dreg:$0x1];
	p0 =	sne.s32 s2, $0x0  }
0x8e: {  	s3 =	rddreg [dreg:$0x2];
	[bflag:$0x3] =	sbarrier.arrive $0xFFFF;
	s2 =	simm.s32 @!p0 $0x1C03  }
0x8f: {  	[timem:s3], [sflag:s2] =	dma.local @!p0 [hbm:s0], s1  }
0x90: {  	s0 =	simm.s32 @!p0 $0x3  }
0x91: {  	_ =	swait.ge @!p0 [sflag:s0], s1  }
0x92: {  	s1 =	ssub.s32 @!p0 $0x0, s1;
	[sflag:s0] =	ssyncset.done @!p0 $0x0  }
0x93: {  	[sflag:s0] =	ssyncadd.s32 @!p0 s1  }
0x94: {  	[bflag:$0x3] =	sbarrier.arrive $0xFFFF  }
0x95: {  	_ =	shalt  }

// kernel: kernel.17.cloned.1.call-start
scs
__scs_entry_jumppad:
0x0: {  	(pc) =	sbr.rel $0x88, $3  }
0x1: {  	(tag) =	ssettag $0x0;
	lr =	simm.s32 $0x1  }
0x2: {  	[smem:$0x3F7A] =	sst lr;
	_ =	strace $0xD0000000  }
0x3: {  	_ = 	snop  }
0x4: {  	_ = 	snop  }
0x5: {  	_ = 	snop  }
0x6: {  	_ = 	snop  }
0x7: {  	_ = 	snop  }
__scs_overlays_trampoline_lowered:
0x8: {  	[smem:$0x3F89] =	sst s0  }
0x9: {  	[smem:$0x3F8A] =	sst s1  }
0xa: {  	[smem:$0x3F8B] =	sst s2  }
0xb: {  	[smem:$0x3F8C] =	sst s3  }
0xc: {  	[smem:$0x3F8D] =	sst s4  }
0xd: {  	[smem:$0x3F8E] =	sst s5  }
0xe: {  	[smem:$0x3F8F] =	sst s6  }
0xf: {  	[smem:$0x3F90] =	sst s7  }
0x10: {  	[smem:$0x3F91] =	sst s8  }
0x11: {  	[smem:$0x3F92] =	sst s9;
	s0 =	simm.s32 @!p0 $0x0  }
0x12: {  	s1 =	sld [smem:$0x3F78];
	s0 =	simm.s32 @p0 $0x1  }
0x13: {  	[smem:$0x3F93] =	sst s0;
	s0 =	simm.s32 @!p1 $0x0  }
0x14: {  	s2 =	sld [smem:$0x3F77];
	s0 =	simm.s32 @p1 $0x1  }
0x15: {  	[smem:$0x3F94] =	sst s0;
	s0 =	simm.s32 @!p2 $0x0  }
0x16: {  	s3 =	sld [smem:$0x3FDB];
	s0 =	simm.s32 @p2 $0x1  }
0x17: {  	s4 =	simm.s32 $0x1BF5;
	[smem:$0x3F96] =	sst s0  }
0x18: {  	s0 =	sld [smem:$0x3F79];
	_ =	swait.ge [sflag:s4], $0x0  }
0x19: {  	s7 =	sld [smem:$0x3F7A]  }
0x1a: {  	s8 =	sadd.s32 $0xFFFFE003, lr  }
0x1b: {  	s9 =	sadd.s32 $0xFFFFFEF7, lr;
	s5 =	simm.s32 $0xFFFFFFFF;
	p2 =	slt.u32 s8, $0xFFFFF086  }
0x1c: {  	p1 =	slt.u32 s9, $0xF7A;
	s5 =	simm.s32 @!p2 $0x0  }
0x1d: {  	s5 =	simm.s32 @p1 $0x1;
	p0 =	seq.s32 s7, s2  }
0x1e: {  	s7 =	smul.u32 @!p0 $0xF7A, s2;
	p2 =	seq.s32 @!p0 s5, $0x0  }
0x1f: {  	s9 =	smul.u32 $0xF7A, s1;
	s8 =	simm.s32 @!p0 $0x1BF5;
	p2 =	por !p2, p0  }
0x20: {  	[sflag:s8] =	ssyncset.s32 @!p0 $0xFFFFF086;
	s6 =	sadd.s32 @!p0 s3, s7;
	s7 =	simm.s32 @!p0 $0x108  }
0x21: {  	s3 =	sadd.s32 s3, s9;
	s6 =	sadd.s32 @!p0 $0x88, s6;
	s7 =	simm.s32 @p2 $0x1082  }
0x22: {  	[simem:s7], [sflag:s8] =	dma.local @!p0 [hbm:s6], $0xF7A  }
0x23: {  	s9 =	sor.u32 $0xD0000000, s2;
	s6 =	simm.s32 $0x108;
	_ =	swait.ge @!p0 [sflag:s8], $0x0  }
0x24: {  	s3 =	sadd.s32 $0x88, s3;
	s6 =	simm.s32 @!p1 $0x1082;
	[sflag:s4] =	ssyncset.s32 $0xFFFFF086  }
0x25: {  	[simem:s6], [sflag:s4] =	dma.local [hbm:s3], $0xF7A  }
0x26: {  	[smem:$0x3F7A] =	sst s1;
	(tag) =	ssettag s2;
	_ =	strace s9  }
0x27: {  	s1 =	sld [smem:$0x3F8A]  }
0x28: {  	s2 =	sld [smem:$0x3F8B]  }
0x29: {  	s4 =	sld [smem:$0x3F8D]  }
0x2a: {  	p0 =	seq.s32 s5, $0x0;
	s5 =	sld [smem:$0x3F8E]  }
0x2b: {  	s6 =	sld [smem:$0x3F8F]  }
0x2c: {  	s7 =	sld [smem:$0x3F90]  }
0x2d: {  	s3 =	simm.s32 $0x108;
	s8 =	sld [smem:$0x3F91]  }
0x2e: {  	s3 =	simm.s32 @!p0 $0x1082;
	s9 =	sld [smem:$0x3F92]  }
0x2f: {  	lr =	sadd.s32 s0, s3;
	s0 =	sld [smem:$0x3F89]  }
0x30: {  	s3 =	sld [smem:$0x3F8C]  }
0x31: {  	[smem:$0x3F95] =	sst s10  }
0x32: {  	s10 =	sld [smem:$0x3F93];
	_ =	sdelay $0x3  }
0x33: {  	p0 =	seq.s32 s10, $0x1;
	s10 =	sld [smem:$0x3F95];
	_ =	sdelay $0x3  }
0x34: {  	[smem:$0x3F95] =	sst s10  }
0x35: {  	s10 =	sld [smem:$0x3F94];
	_ =	sdelay $0x3  }
0x36: {  	p1 =	seq.s32 s10, $0x1;
	s10 =	sld [smem:$0x3F95];
	_ =	sdelay $0x3  }
0x37: {  	[smem:$0x3F95] =	sst s10  }
0x38: {  	s10 =	sld [smem:$0x3F96]  }
0x39: {  	_ = 	snop;
	(pc) =	sbr.ind lr, $3  }
0x3a: {  	_ = 	snop  }
0x3b: {  	_ = 	snop  }
0x3c: {  	p2 =	seq.s32 s10, $0x1;
	s10 =	sld [smem:$0x3F95]  }
0x3d: {  	_ =	shalt  }
0x3e: {  	_ =	shalt  }
0x3f: {  	_ =	shalt  }
0x40: {  	_ =	shalt  }
0x41: {  	_ =	shalt  }
0x42: {  	_ =	shalt  }
0x43: {  	_ =	shalt  }
0x44: {  	_ =	shalt  }
0x45: {  	_ =	shalt  }
0x46: {  	_ =	shalt  }
0x47: {  	_ =	shalt  }
0x48: {  	_ =	shalt  }
0x49: {  	_ =	shalt  }
0x4a: {  	_ =	shalt  }
0x4b: {  	_ =	shalt  }
0x4c: {  	_ =	shalt  }
0x4d: {  	_ =	shalt  }
0x4e: {  	_ =	shalt  }
0x4f: {  	_ =	shalt  }
0x50: {  	_ =	shalt  }
0x51: {  	_ =	shalt  }
0x52: {  	_ =	shalt  }
0x53: {  	_ =	shalt  }
0x54: {  	_ =	shalt  }
0x55: {  	_ =	shalt  }
0x56: {  	_ =	shalt  }
0x57: {  	_ =	shalt  }
0x58: {  	_ =	shalt  }
0x59: {  	_ =	shalt  }
0x5a: {  	_ =	shalt  }
0x5b: {  	_ =	shalt  }
0x5c: {  	_ =	shalt  }
0x5d: {  	_ =	shalt  }
0x5e: {  	_ =	shalt  }
0x5f: {  	_ =	shalt  }
0x60: {  	_ =	shalt  }
0x61: {  	_ =	shalt  }
0x62: {  	_ =	shalt  }
0x63: {  	_ =	shalt  }
0x64: {  	_ =	shalt  }
0x65: {  	_ =	shalt  }
0x66: {  	_ =	shalt  }
0x67: {  	_ =	shalt  }
0x68: {  	_ =	shalt  }
0x69: {  	_ =	shalt  }
0x6a: {  	_ =	shalt  }
0x6b: {  	_ =	shalt  }
0x6c: {  	_ =	shalt  }
0x6d: {  	_ =	shalt  }
0x6e: {  	_ =	shalt  }
0x6f: {  	_ =	shalt  }
0x70: {  	_ =	shalt  }
0x71: {  	_ =	shalt  }
0x72: {  	_ =	shalt  }
0x73: {  	_ =	shalt  }
0x74: {  	_ =	shalt  }
0x75: {  	_ =	shalt  }
0x76: {  	_ =	shalt  }
0x77: {  	_ =	shalt  }
0x78: {  	_ =	shalt  }
0x79: {  	_ =	shalt  }
0x7a: {  	_ =	shalt  }
0x7b: {  	_ =	shalt  }
0x7c: {  	_ =	shalt  }
0x7d: {  	_ =	shalt  }
0x7e: {  	_ =	shalt  }
0x7f: {  	_ =	shalt  }
0x80: {  	_ =	shalt  }
0x81: {  	_ =	shalt  }
0x82: {  	_ =	shalt  }
0x83: {  	_ =	shalt  }
0x84: {  	_ =	shalt  }
0x85: {  	_ =	shalt  }
0x86: {  	_ =	shalt  }
0x87: {  	_ =	shalt  }
.Lfunc_end0:
.L_simem_size_0:
called_computation.1_lowered:
.L_overlay_start_0:
0x88: {  	s2 =	sld [smem:$0x3FD9]  }
0x89: {  	s3 =	sld [smem:$0x3FFE];
	_ =	sdelay $0x1  }
0x8a: {  	s1 =	srdreg.scid  }
0x8b: {  	s0 =	sand.u32 $0x1, s1  }
0x8c: {  	s16 =	sshll.u32 s0, $0xA;
	s2 =	sadd.s32 s3, s2  }
0x8d: {  	s2 =	sadd.s32 s2, s16  }
0x8e: {  	[smem:$0x3FA1] =	sst s2  }
0x8f: {  	_ = 	snop  }
0x90: {  	(tm) =	ssettm $0x1  }
0x91: {  	s17 =	sld [smem:$0x3FFB];
	_ =	sdelay $0x3  }
0x92: {  	_ =	strace s17  }
0x93: {  	s2 =	sld [smem:$0x3FFC];
	_ =	sdelay $0x3  }
0x94: {  	_ =	strace s2  }
0x95: {  	s2 =	sld [smem:$0x3FFD];
	_ =	sdelay $0x3  }
0x96: {  	_ =	strace s2  }
0x97: {  	_ =	strace $0x8FFFFFFF  }
0x98: {  	s18 =	sld [smem:$0x3FDB];
	_ =	sdelay $0x1  }
0x99: {  	s19 =	simm.s32 $_scs_section_size  }
0x9a: {  	s4 =	simm.s32 $_size__tile_overlayer_lowered;
	s5 =	simm.s32 $_tile_overlayer_lowered  }
0x9b: {  	s22 =	simm.s32 $0x1BFF;
	s21 =	sshll.u32 s5, $0x1;
	s2 =	sadd.s32 s19, s18  }
0x9c: {  	s6 =	simm.s32 $0x0;
	s20 =	sshll.u32 s4, $0x1;
	s4 =	sadd.s32 s21, s2  }
0x9d: {  	[timem:s6], [sflag:s22] =	dma.local [hbm:s4], s20  }
0x9e: {  	_ =	swait.ge [sflag:s22], s20  }
0x9f: {  	s3 =	ssub.s32 $0x0, s20;
	[sflag:s22] =	ssyncset.done $0x0  }
0xa0: {  	[sflag:s22] =	ssyncadd.s32 s3;
	_ =	sdelay $0x1  }
0xa1: {  	s23 =	simm.s32 $0x1B8B  }
0xa2: {  	_ =	swait.ge [sflag:s23], $0x1  }
0xa3: {  	[sflag:s23] =	ssyncset.done $0x0  }
0xa4: {  	s25 =	simm.s32 $0x1B8E;
	s24 =	sld [smem:$0x3FFE];
	[sflag:s23] =	ssyncadd.s32 $0xFFFFFFFF  }
0xa5: {  	s26 =	simm.s32 $execute0_lowered;
	[smem:$0x3FD2] =	sst s25  }
0xa6: {  	s4 =	sshll.u32 s26, $0x1;
	_ =	strace $0x80000049;
	[dreg:$0x1] =	wrdreg $0xFFFFFFFF  }
0xa7: {  	s28 =	simm.s32 $_size_execute0_lowered;
	s2 =	sadd.s32 s2, s4;
	[dreg:$0x0] =	wrdreg $0x0  }
0xa8: {  	s4 =	sshll.u32 s28, $0x1;
	[dreg:$0x2] =	wrdreg s2  }
0xa9: {  	[dreg:$0x3] =	wrdreg s4  }
0xaa: {  	[dreg:$0x4] =	wrdreg $0xC0  }
0xab: {  	_ =	task [dreg:s6], $0x5FFFF  }
0xac: {  	[dreg:$0x1] =	wrdreg $0xFFFFFFFF  }
0xad: {  	[dreg:$0x0] =	wrdreg $0x60  }
0xae: {  	[dreg:$0x2] =	wrdreg s24  }
0xaf: {  	[dreg:$0x3] =	wrdreg $0xA8000  }
0xb0: {  	[dreg:$0x4] =	wrdreg $0x9  }
0xb1: {  	_ =	task.clear_ibuf [dreg:s6], $0x5FFFF;
	_ =	strace $0x90000049  }
0xb2: {  	s29 =	simm.s32 $0x9;
	_ =	strace $0x8000004B  }
0xb3: {  	_ =	swait.ge [sflag:s29], $0x1  }
0xb4: {  	[sflag:s29] =	ssyncadd.s32 $0xFFFFFFFF  }
0xb5: {  	_ =	strace $0x9000004B  }
0xb6: {  	_ =	sfence  }
0xb7: {  	s30 =	sld [smem:$0x0];
	_ =	sdelay $0x2  }
0xb8: {  	s31 =	sshll.u32 s1, $0xD;
	s1 =	sshrl.u32 s1, $0x2  }
0xb9: {  	s3 =	sand.u32 $0x4000, s31;
	s1 =	sadd.s32 s1, s30  }
0xba: {  	s0 =	sor.u32 s3, s0;
	s1 =	sshll.u32 s1, $0x11  }
0xbb: {  	s0 =	sor.u32 s1, s0  }
0xbc: {  	s0 =	sadd.s32 $0x8F2B, s0  }
0xbd: {  	[sflag:s0] =	ssyncadd.remote.s32 $0x1  }
0xbe: {  	_ =	sfence.sel $0xFFFF  }
0xbf: {  	[dreg:$0x0] =	wrdreg $0xFFFFFFFF;
	(pc) =	sbr.abs _section_cstart, $3  }
0xc0: {  	[dreg:$0x1] =	wrdreg $0xFFFFFFFF  }
0xc1: {  	_ =	task.clear_ibuf [dreg:s6], $0x2FFFF;
	_ =	strace $0x9FFFFFFF  }
0xc2: {  	(tm) =	ssettm $0x7FFFFFFF  }
0xc3: {  	_ =	shalt  }
tec
execute0_lowered:
.L_overlay_start_1:
0x0: {  	(tag) =	ssettag $0x1  }
0x1: {  	s5 =	rddreg [dreg:$0x0]  }
0x2: {  	s2 =	rddreg [dreg:$0x1]  }
0x3: {  	s1 =	stileid.u32;
	s3 =	srdreg.scid  }
0x4: {  	s0 =	rddreg [dreg:$0x2];
	s26 =	simm.s32 $0x0;
	s6 =	smul.u32 $0x50000, s1  }
0x5: {  	s17 =	sand.u32 $0x1, s3;
	s4 =	sshll.u32 s1, $0x1;
	s19 =	smul.u32 $0x14000, s1  }
0x6: {  	s3 =	simm.s32 $0x0;
	s20 =	sadd.s32 $0x1B800, s5;
	s18 =	smul.u32 $0x140000, s17  }
0x7: {  	s4 =	sor.u32 s17, s4;
	[smem:$0x7FF] =	sst s3;
	s25 =	smul.u32 $0x28000, s17  }
0x8: {  	s8 =	ssub.s32 $0x2, s17;
	s4 =	smul.u32 $0x500, s4;
	_ =	strace $0x8000004A  }
0x9: {  	s21 =	sadd.s32 s6, s5;
	s29 =	sshrl.u32 s8, $0x1;
	s30 =	sshrl.u32 s6, $0x2  }
0xa: {  	s13 =	sadd.s32 $0x4000, s19;
	s15 =	sadd.s32 $0x8000, s19;
	s22 =	sadd.s32 $0xC000, s19  }
0xb: {  	s8 =	ssub.s32 s8, s29;
	s12 =	sadd.s32 s18, s19;
	s14 =	sadd.s32 s18, s13  }
0xc: {  	s13 =	sadd.s32 s13, s2;
	s16 =	sadd.s32 s18, s15;
	s15 =	sadd.s32 s15, s2  }
0xd: {  	s23 =	sadd.s32 s18, s22;
	s19 =	sadd.s32 $0x10000, s19;
	s17 =	sadd.s32 s22, s2  }
0xe: {  	s21 =	sadd.s32 s25, s21;
	s22 =	simm.s32 $0x6800;
	s25 =	simm.s32 $0x80  }
0xf: {  	s7 =	sadd.s32 s4, s5;
	s4 =	sadd.s32 $0x1B000, s5;
	s5 =	sadd.s32 s30, s2  }
0x10: {  	s12 =	sshrl.u32 s12, $0x3;
	s14 =	sshrl.u32 s14, $0x3;
	s16 =	sshrl.u32 s16, $0x3  }
0x11: {  	s23 =	sshrl.u32 s23, $0x3;
	s24 =	sadd.s32 s18, s19;
	s19 =	sadd.s32 s19, s2  }
0x12: {  	s21 =	sadd.s32 $0xA1B000, s21;
	s6 =	sadd.s32 $0x11000, s7;
	s7 =	smax.u32 s8, $0x1  }
0x13: {  	s8 =	sadd.s32 $0x4000, s5;
	s9 =	sadd.s32 $0x8000, s5;
	s10 =	sadd.s32 $0xC000, s5  }
0x14: {  	s11 =	sadd.s32 $0x10000, s5;
	s12 =	sadd.s32 s20, s12;
	s14 =	sadd.s32 s20, s14  }
0x15: {  	s16 =	sadd.s32 s20, s16;
	s18 =	sadd.s32 s20, s23;
	s31 =	sshrl.u32 s24, $0x3  }
0x16: {  	s23 =	simm.s32 $0x1;
	s24 =	simm.s32 $0x2800;
	s20 =	sadd.s32 s20, s31  }
.LBB2_1:
0x17: {  	[tilespmem:s22], [sflag:$0x1] =	stream.linear.gather [hbm4b:s4+s3], $0x4000, $0x38;
	[tilespmem:$0x1E800] =	vst v63  }
0x18: {  	_ =	swait.ge [sflag:s23], $0x4000  }
0x19: {  	[sflag:s23] =	ssyncset.done $0x0  }
0x1a: {  	[sflag:s23] =	ssyncadd.s32 $0xFFFFC000  }
0x1b: {  	[spmem:s5] =	stream.linear.scatter [tilespmem:s22], [sflag:$0x1], $0x4000, $0x38;
	[tilespmem:$0x1E800] =	vst v63  }
0x1c: {  	_ =	swait.ge [sflag:s23], $0x4000  }
0x1d: {  	[sflag:s23] =	ssyncset.done $0x0  }
0x1e: {  	[sflag:s23] =	ssyncadd.s32 $0xFFFFC000  }
0x1f: {  	[spmem:s8] =	stream.linear.scatter [tilespmem:s22], [sflag:$0x1], $0x4000, $0x38;
	[tilespmem:$0x1E800] =	vst v63  }
0x20: {  	_ =	swait.ge [sflag:s23], $0x4000  }
0x21: {  	[sflag:s23] =	ssyncset.done $0x0  }
0x22: {  	[sflag:s23] =	ssyncadd.s32 $0xFFFFC000  }
0x23: {  	[spmem:s9] =	stream.linear.scatter [tilespmem:s22], [sflag:$0x1], $0x4000, $0x38;
	[tilespmem:$0x1E800] =	vst v63  }
0x24: {  	_ =	swait.ge [sflag:s23], $0x4000  }
0x25: {  	[sflag:s23] =	ssyncset.done $0x0  }
0x26: {  	[sflag:s23] =	ssyncadd.s32 $0xFFFFC000  }
0x27: {  	[spmem:s10] =	stream.linear.scatter [tilespmem:s22], [sflag:$0x1], $0x4000, $0x38;
	[tilespmem:$0x1E800] =	vst v63  }
0x28: {  	_ =	swait.ge [sflag:s23], $0x4000  }
0x29: {  	[sflag:s23] =	ssyncset.done $0x0  }
0x2a: {  	[sflag:s23] =	ssyncadd.s32 $0xFFFFC000  }
0x2b: {  	[spmem:s11] =	stream.linear.scatter [tilespmem:s22], [sflag:$0x1], $0x4000, $0x38;
	[tilespmem:$0x1E800] =	vst v63  }
0x2c: {  	_ =	swait.ge [sflag:s23], $0x4000  }
0x2d: {  	[sflag:s23] =	ssyncset.done $0x0  }
0x2e: {  	[sflag:s23] =	ssyncadd.s32 $0xFFFFC000  }
0x2f: {  	[tilespmem:s3], [sflag:$0x1] =	stream.linear.gather [hbm4b:s6+s3], $0x2800, $0x38;
	[tilespmem:$0x1E800] =	vst v63  }
0x30: {  	_ =	swait.ge [sflag:s23], $0x2800  }
0x31: {  	[sflag:s23] =	ssyncset.done $0x0  }
0x32: {  	[sflag:s23] =	ssyncadd.s32 $0xFFFFD800  }
0x33: {  	[bflag:$0x0] =	sbarrier.arrive $0xFFFF  }
0x34: {  	[tilespmem:s24], [sflag:$0x1] =	stream.linear.gather [hbm4b:s21+s3], $0x4000, $0x38;
	[tilespmem:$0x1E800] =	vst v63  }
0x35: {  	_ =	swait.ge [sflag:s23], $0x4000  }
0x36: {  	[sflag:s23] =	ssyncset.done $0x0  }
0x37: {  	s28 =	simm.s32 $0x0;
	[sflag:s23] =	ssyncadd.s32 $0xFFFFC000  }
0x38: {  	[spmem:s2] =	stream.indirect.scatter.add.f32 [tilespmem:s24], [sflag:$0x1], $0x80, s28, s25, $0xb8;
	[tilespmem:$0x1E800] =	vst v63  }
0x39: {  	_ =	swait.ge [sflag:s23], $0x4000  }
0x3a: {  	s29 =	smov.u32 s21;
	s28 =	simm.s32 $0x200;
	[sflag:s23] =	ssyncset.done $0x0  }
.LBB2_2:
0x3b: {  	p0 =	sne.s32 s28, $0x9E00;
	[sflag:s23] =	ssyncadd.s32 $0xFFFFC000;
	s29 =	sadd.s32 $0x800, s29  }
0x3c: {  	[tilespmem:s24], [sflag:$0x1] =	stream.linear.gather [hbm4b:s29+s3], $0x4000, $0x38;
	[tilespmem:$0x1E800] =	vst v63  }
0x3d: {  	s30 =	smov.u32 s28;
	s28 =	sadd.s32 $0x200, s28;
	_ =	swait.ge [sflag:s23], $0x4000  }
.Ltmp0:
0x3e: {  	[sflag:s23] =	ssyncset.done $0x0;
	(pc) =	sbr.rel @p0 .LBB2_2-.Ltmp0, $4  }
0x3f: {  	s30 =	sshra.s32 s30, $0x2;
	[sflag:s23] =	ssyncadd.s32 $0xFFFFC000  }
0x40: {  	[spmem:s2] =	stream.indirect.scatter.add.f32 [tilespmem:s24], [sflag:$0x1], $0x80, s30, s25, $0xb8;
	[tilespmem:$0x1E800] =	vst v63  }
0x41: {  	_ =	swait.ge [sflag:s23], $0x4000  }
0x42: {  	[sflag:s23] =	ssyncset.done $0x0  }
0x43: {  	[sflag:s23] =	ssyncadd.s32 $0xFFFFC000  }
0x44: {  	[bflag:$0x0] =	sbarrier.arrive $0xFFFF  }
0x45: {  	[tilespmem:s22], [sflag:$0x1] =	stream.linear.gather [spmem:s5], $0x4000, $0x38;
	[tilespmem:$0x1E800] =	vst v63  }
0x46: {  	_ =	swait.ge [sflag:s23], $0x4000  }
0x47: {  	[sflag:s23] =	ssyncset.done $0x0  }
0x48: {  	[sflag:s23] =	ssyncadd.s32 $0xFFFFC000  }
0x49: {  	[hbm4b:s12+s3] =	stream.linear.scatter [tilespmem:s22], [sflag:$0x1], $0x4000, $0x38;
	[tilespmem:$0x1E800] =	vst v63  }
0x4a: {  	_ =	swait.ge [sflag:s23], $0x4000  }
0x4b: {  	[sflag:s23] =	ssyncset.done $0x0  }
0x4c: {  	[sflag:s23] =	ssyncadd.s32 $0xFFFFC000  }
0x4d: {  	[tilespmem:s22], [sflag:$0x1] =	stream.linear.gather [spmem:s13], $0x4000, $0x38;
	[tilespmem:$0x1E800] =	vst v63  }
0x4e: {  	_ =	swait.ge [sflag:s23], $0x4000  }
0x4f: {  	[sflag:s23] =	ssyncset.done $0x0  }
0x50: {  	[sflag:s23] =	ssyncadd.s32 $0xFFFFC000  }
0x51: {  	[hbm4b:s14+s3] =	stream.linear.scatter [tilespmem:s22], [sflag:$0x1], $0x4000, $0x38;
	[tilespmem:$0x1E800] =	vst v63  }
0x52: {  	_ =	swait.ge [sflag:s23], $0x4000  }
0x53: {  	[sflag:s23] =	ssyncset.done $0x0  }
0x54: {  	[sflag:s23] =	ssyncadd.s32 $0xFFFFC000  }
0x55: {  	[tilespmem:s22], [sflag:$0x1] =	stream.linear.gather [spmem:s15], $0x4000, $0x38;
	[tilespmem:$0x1E800] =	vst v63  }
0x56: {  	_ =	swait.ge [sflag:s23], $0x4000  }
0x57: {  	[sflag:s23] =	ssyncset.done $0x0  }
0x58: {  	[sflag:s23] =	ssyncadd.s32 $0xFFFFC000  }
0x59: {  	[hbm4b:s16+s3] =	stream.linear.scatter [tilespmem:s22], [sflag:$0x1], $0x4000, $0x38;
	[tilespmem:$0x1E800] =	vst v63  }
0x5a: {  	_ =	swait.ge [sflag:s23], $0x4000  }
0x5b: {  	[sflag:s23] =	ssyncset.done $0x0  }
0x5c: {  	[sflag:s23] =	ssyncadd.s32 $0xFFFFC000  }
0x5d: {  	[tilespmem:s22], [sflag:$0x1] =	stream.linear.gather [spmem:s17], $0x4000, $0x38;
	[tilespmem:$0x1E800] =	vst v63  }
0x5e: {  	_ =	swait.ge [sflag:s23], $0x4000  }
0x5f: {  	[sflag:s23] =	ssyncset.done $0x0  }
0x60: {  	[sflag:s23] =	ssyncadd.s32 $0xFFFFC000  }
0x61: {  	[hbm4b:s18+s3] =	stream.linear.scatter [tilespmem:s22], [sflag:$0x1], $0x4000, $0x38;
	[tilespmem:$0x1E800] =	vst v63  }
0x62: {  	_ =	swait.ge [sflag:s23], $0x4000  }
0x63: {  	[sflag:s23] =	ssyncset.done $0x0  }
0x64: {  	[sflag:s23] =	ssyncadd.s32 $0xFFFFC000  }
0x65: {  	[tilespmem:s22], [sflag:$0x1] =	stream.linear.gather [spmem:s19], $0x4000, $0x38;
	[tilespmem:$0x1E800] =	vst v63  }
0x66: {  	s26 =	sadd.s32 $0x1, s26;
	_ =	swait.ge [sflag:s23], $0x4000  }
0x67: {  	p0 =	sne.s32 s26, s7;
	[sflag:s23] =	ssyncset.done $0x0  }
.Ltmp1:
0x68: {  	[sflag:s23] =	ssyncadd.s32 $0xFFFFC000;
	(pc) =	sbr.rel @p0 .LBB2_1-.Ltmp1, $4  }
0x69: {  	[hbm4b:s20+s3] =	stream.linear.scatter [tilespmem:s22], [sflag:$0x1], $0x4000, $0x38;
	[tilespmem:$0x1E800] =	vst v63  }
0x6a: {  	_ =	swait.ge [sflag:s23], $0x4000  }
0x6b: {  	[sflag:s23] =	ssyncset.done $0x0  }
0x6c: {  	[sflag:s23] =	ssyncadd.s32 $0xFFFFC000  }
0x6d: {  	_ =	sfence.sel $0x180000  }
0x6e: {  	[bflag:$0x0] =	sbarrier.arrive $0xFFFF  }
0x6f: {  	p0 =	sne.s32 s1, $0x0;
	_ =	strace $0x9000004A  }
0x70: {  	s0 =	sadd.s32 @!p0 $0x100000, s0;
	[bflag:$0x2] =	sbarrier.arrive $0xFFFF  }
0x71: {  	[sflag:s0] =	ssyncadd.tile.s32 @!p0 $0x1;
	_ =	shalt  }
.Lfunc_end2:
_tile_overlayer_lowered:
.L_overlay_start_2:
0x72: {  	(tag) =	ssettag $0x2  }
0x73: {  	s0 =	rddreg [dreg:$0x0];
	s2 =	stileid.u32  }
0x74: {  	s1 =	rddreg [dreg:$0x1];
	p0 =	sne.s32 s2, $0x0  }
0x75: {  	s3 =	rddreg [dreg:$0x2];
	[bflag:$0x3] =	sbarrier.arrive $0xFFFF;
	s2 =	simm.s32 @!p0 $0x1C01  }
0x76: {  	[timem:s3], [sflag:s2] =	dma.local @!p0 [hbm:s0], s1  }
0x77: {  	s0 =	simm.s32 @!p0 $0x1  }
0x78: {  	_ =	swait.ge @!p0 [sflag:s0], s1  }
0x79: {  	s1 =	ssub.s32 @!p0 $0x0, s1;
	[sflag:s0] =	ssyncset.done @!p0 $0x0  }
0x7a: {  	[sflag:s0] =	ssyncadd.s32 @!p0 s1  }
0x7b: {  	[bflag:$0x3] =	sbarrier.arrive $0xFFFF  }
0x7c: {  	_ =	shalt  }

// kernel: kernel.20.cloned.1.call-start
scs
__scs_entry_jumppad:
0x0: {  	(pc) =	sbr.rel $0x88, $3  }
0x1: {  	(tag) =	ssettag $0x0;
	lr =	simm.s32 $0x1  }
0x2: {  	[smem:$0x3F7A] =	sst lr;
	_ =	strace $0xD0000000  }
0x3: {  	_ = 	snop  }
0x4: {  	_ = 	snop  }
0x5: {  	_ = 	snop  }
0x6: {  	_ = 	snop  }
0x7: {  	_ = 	snop  }
__scs_overlays_trampoline_lowered:
0x8: {  	[smem:$0x3F89] =	sst s0  }
0x9: {  	[smem:$0x3F8A] =	sst s1  }
0xa: {  	[smem:$0x3F8B] =	sst s2  }
0xb: {  	[smem:$0x3F8C] =	sst s3  }
0xc: {  	[smem:$0x3F8D] =	sst s4  }
0xd: {  	[smem:$0x3F8E] =	sst s5  }
0xe: {  	[smem:$0x3F8F] =	sst s6  }
0xf: {  	[smem:$0x3F90] =	sst s7  }
0x10: {  	[smem:$0x3F91] =	sst s8  }
0x11: {  	[smem:$0x3F92] =	sst s9;
	s0 =	simm.s32 @!p0 $0x0  }
0x12: {  	s1 =	sld [smem:$0x3F78];
	s0 =	simm.s32 @p0 $0x1  }
0x13: {  	[smem:$0x3F93] =	sst s0;
	s0 =	simm.s32 @!p1 $0x0  }
0x14: {  	s2 =	sld [smem:$0x3F77];
	s0 =	simm.s32 @p1 $0x1  }
0x15: {  	[smem:$0x3F94] =	sst s0;
	s0 =	simm.s32 @!p2 $0x0  }
0x16: {  	s3 =	sld [smem:$0x3FDB];
	s0 =	simm.s32 @p2 $0x1  }
0x17: {  	s4 =	simm.s32 $0x1BF5;
	[smem:$0x3F96] =	sst s0  }
0x18: {  	s0 =	sld [smem:$0x3F79];
	_ =	swait.ge [sflag:s4], $0x0  }
0x19: {  	s7 =	sld [smem:$0x3F7A]  }
0x1a: {  	s8 =	sadd.s32 $0xFFFFE003, lr  }
0x1b: {  	s9 =	sadd.s32 $0xFFFFFEF7, lr;
	s5 =	simm.s32 $0xFFFFFFFF;
	p2 =	slt.u32 s8, $0xFFFFF086  }
0x1c: {  	p1 =	slt.u32 s9, $0xF7A;
	s5 =	simm.s32 @!p2 $0x0  }
0x1d: {  	s5 =	simm.s32 @p1 $0x1;
	p0 =	seq.s32 s7, s2  }
0x1e: {  	s7 =	smul.u32 @!p0 $0xF7A, s2;
	p2 =	seq.s32 @!p0 s5, $0x0  }
0x1f: {  	s9 =	smul.u32 $0xF7A, s1;
	s8 =	simm.s32 @!p0 $0x1BF5;
	p2 =	por !p2, p0  }
0x20: {  	[sflag:s8] =	ssyncset.s32 @!p0 $0xFFFFF086;
	s6 =	sadd.s32 @!p0 s3, s7;
	s7 =	simm.s32 @!p0 $0x108  }
0x21: {  	s3 =	sadd.s32 s3, s9;
	s6 =	sadd.s32 @!p0 $0x88, s6;
	s7 =	simm.s32 @p2 $0x1082  }
0x22: {  	[simem:s7], [sflag:s8] =	dma.local @!p0 [hbm:s6], $0xF7A  }
0x23: {  	s9 =	sor.u32 $0xD0000000, s2;
	s6 =	simm.s32 $0x108;
	_ =	swait.ge @!p0 [sflag:s8], $0x0  }
0x24: {  	s3 =	sadd.s32 $0x88, s3;
	s6 =	simm.s32 @!p1 $0x1082;
	[sflag:s4] =	ssyncset.s32 $0xFFFFF086  }
0x25: {  	[simem:s6], [sflag:s4] =	dma.local [hbm:s3], $0xF7A  }
0x26: {  	[smem:$0x3F7A] =	sst s1;
	(tag) =	ssettag s2;
	_ =	strace s9  }
0x27: {  	s1 =	sld [smem:$0x3F8A]  }
0x28: {  	s2 =	sld [smem:$0x3F8B]  }
0x29: {  	s4 =	sld [smem:$0x3F8D]  }
0x2a: {  	p0 =	seq.s32 s5, $0x0;
	s5 =	sld [smem:$0x3F8E]  }
0x2b: {  	s6 =	sld [smem:$0x3F8F]  }
0x2c: {  	s7 =	sld [smem:$0x3F90]  }
0x2d: {  	s3 =	simm.s32 $0x108;
	s8 =	sld [smem:$0x3F91]  }
0x2e: {  	s3 =	simm.s32 @!p0 $0x1082;
	s9 =	sld [smem:$0x3F92]  }
0x2f: {  	lr =	sadd.s32 s0, s3;
	s0 =	sld [smem:$0x3F89]  }
0x30: {  	s3 =	sld [smem:$0x3F8C]  }
0x31: {  	[smem:$0x3F95] =	sst s10  }
0x32: {  	s10 =	sld [smem:$0x3F93];
	_ =	sdelay $0x3  }
0x33: {  	p0 =	seq.s32 s10, $0x1;
	s10 =	sld [smem:$0x3F95];
	_ =	sdelay $0x3  }
0x34: {  	[smem:$0x3F95] =	sst s10  }
0x35: {  	s10 =	sld [smem:$0x3F94];
	_ =	sdelay $0x3  }
0x36: {  	p1 =	seq.s32 s10, $0x1;
	s10 =	sld [smem:$0x3F95];
	_ =	sdelay $0x3  }
0x37: {  	[smem:$0x3F95] =	sst s10  }
0x38: {  	s10 =	sld [smem:$0x3F96]  }
0x39: {  	_ = 	snop;
	(pc) =	sbr.ind lr, $3  }
0x3a: {  	_ = 	snop  }
0x3b: {  	_ = 	snop  }
0x3c: {  	p2 =	seq.s32 s10, $0x1;
	s10 =	sld [smem:$0x3F95]  }
0x3d: {  	_ =	shalt  }
0x3e: {  	_ =	shalt  }
0x3f: {  	_ =	shalt  }
0x40: {  	_ =	shalt  }
0x41: {  	_ =	shalt  }
0x42: {  	_ =	shalt  }
0x43: {  	_ =	shalt  }
0x44: {  	_ =	shalt  }
0x45: {  	_ =	shalt  }
0x46: {  	_ =	shalt  }
0x47: {  	_ =	shalt  }
0x48: {  	_ =	shalt  }
0x49: {  	_ =	shalt  }
0x4a: {  	_ =	shalt  }
0x4b: {  	_ =	shalt  }
0x4c: {  	_ =	shalt  }
0x4d: {  	_ =	shalt  }
0x4e: {  	_ =	shalt  }
0x4f: {  	_ =	shalt  }
0x50: {  	_ =	shalt  }
0x51: {  	_ =	shalt  }
0x52: {  	_ =	shalt  }
0x53: {  	_ =	shalt  }
0x54: {  	_ =	shalt  }
0x55: {  	_ =	shalt  }
0x56: {  	_ =	shalt  }
0x57: {  	_ =	shalt  }
0x58: {  	_ =	shalt  }
0x59: {  	_ =	shalt  }
0x5a: {  	_ =	shalt  }
0x5b: {  	_ =	shalt  }
0x5c: {  	_ =	shalt  }
0x5d: {  	_ =	shalt  }
0x5e: {  	_ =	shalt  }
0x5f: {  	_ =	shalt  }
0x60: {  	_ =	shalt  }
0x61: {  	_ =	shalt  }
0x62: {  	_ =	shalt  }
0x63: {  	_ =	shalt  }
0x64: {  	_ =	shalt  }
0x65: {  	_ =	shalt  }
0x66: {  	_ =	shalt  }
0x67: {  	_ =	shalt  }
0x68: {  	_ =	shalt  }
0x69: {  	_ =	shalt  }
0x6a: {  	_ =	shalt  }
0x6b: {  	_ =	shalt  }
0x6c: {  	_ =	shalt  }
0x6d: {  	_ =	shalt  }
0x6e: {  	_ =	shalt  }
0x6f: {  	_ =	shalt  }
0x70: {  	_ =	shalt  }
0x71: {  	_ =	shalt  }
0x72: {  	_ =	shalt  }
0x73: {  	_ =	shalt  }
0x74: {  	_ =	shalt  }
0x75: {  	_ =	shalt  }
0x76: {  	_ =	shalt  }
0x77: {  	_ =	shalt  }
0x78: {  	_ =	shalt  }
0x79: {  	_ =	shalt  }
0x7a: {  	_ =	shalt  }
0x7b: {  	_ =	shalt  }
0x7c: {  	_ =	shalt  }
0x7d: {  	_ =	shalt  }
0x7e: {  	_ =	shalt  }
0x7f: {  	_ =	shalt  }
0x80: {  	_ =	shalt  }
0x81: {  	_ =	shalt  }
0x82: {  	_ =	shalt  }
0x83: {  	_ =	shalt  }
0x84: {  	_ =	shalt  }
0x85: {  	_ =	shalt  }
0x86: {  	_ =	shalt  }
0x87: {  	_ =	shalt  }
.Lfunc_end0:
.L_simem_size_0:
called_computation.2_lowered:
.L_overlay_start_0:
0x88: {  	s2 =	sld [smem:$0x3FD9]  }
0x89: {  	s3 =	sld [smem:$0x3FFE];
	_ =	sdelay $0x1  }
0x8a: {  	s1 =	srdreg.scid  }
0x8b: {  	s0 =	sand.u32 $0x1, s1  }
0x8c: {  	s17 =	sshll.u32 s0, $0xA;
	s2 =	sadd.s32 s3, s2  }
0x8d: {  	s2 =	sadd.s32 s2, s17  }
0x8e: {  	[smem:$0x3FA1] =	sst s2  }
0x8f: {  	_ = 	snop  }
0x90: {  	s2 =	sld [smem:$0x3FD0];
	(tm) =	ssettm $0x1  }
0x91: {  	s18 =	sld [smem:$0x3FFB];
	_ =	sdelay $0x3  }
0x92: {  	_ =	strace s18  }
0x93: {  	s3 =	sld [smem:$0x3FFC];
	_ =	sdelay $0x3  }
0x94: {  	_ =	strace s3  }
0x95: {  	s3 =	sld [smem:$0x3FFD];
	_ =	sdelay $0x3  }
0x96: {  	_ =	strace s3  }
0x97: {  	_ =	strace $0x8FFFFFFF  }
0x98: {  	s19 =	sld [smem:$0x3FDB];
	_ =	sdelay $0x1  }
0x99: {  	s4 =	simm.s32 $_scs_section_size  }
0x9a: {  	s5 =	simm.s32 $_size__tile_overlayer_lowered;
	s6 =	simm.s32 $_tile_overlayer_lowered  }
0x9b: {  	s22 =	simm.s32 $0x1BFF;
	s21 =	sshll.u32 s6, $0x1;
	s3 =	sadd.s32 s4, s19  }
0x9c: {  	s7 =	simm.s32 $0x0;
	s20 =	sshll.u32 s5, $0x1;
	s5 =	sadd.s32 s21, s3  }
0x9d: {  	[timem:s7], [sflag:s22] =	dma.local [hbm:s5], s20  }
0x9e: {  	_ =	swait.ge [sflag:s22], s20  }
0x9f: {  	s4 =	ssub.s32 $0x0, s20;
	[sflag:s22] =	ssyncset.done $0x0  }
0xa0: {  	[sflag:s22] =	ssyncadd.s32 s4;
	_ =	sdelay $0x1  }
0xa1: {  	s23 =	simm.s32 $0x1B8B  }
0xa2: {  	_ =	swait.ge [sflag:s23], $0x1  }
0xa3: {  	[sflag:s23] =	ssyncset.done $0x0  }
0xa4: {  	s25 =	simm.s32 $0x1B8E;
	s24 =	sld [smem:$0x3FFE];
	[sflag:s23] =	ssyncadd.s32 $0xFFFFFFFF  }
0xa5: {  	s26 =	simm.s32 $execute0_lowered;
	[smem:$0x3FD2] =	sst s25  }
0xa6: {  	s5 =	sshll.u32 s26, $0x1;
	_ =	strace $0x8000004C;
	[dreg:$0x1] =	wrdreg $0xFFFFFFFF  }
0xa7: {  	s28 =	simm.s32 $_size_execute0_lowered;
	s3 =	sadd.s32 s3, s5;
	[dreg:$0x0] =	wrdreg $0x0  }
0xa8: {  	s5 =	sshll.u32 s28, $0x1;
	[dreg:$0x2] =	wrdreg s3  }
0xa9: {  	[dreg:$0x3] =	wrdreg s5  }
0xaa: {  	[dreg:$0x4] =	wrdreg $0xC0  }
0xab: {  	_ =	task [dreg:s7], $0x5FFFF  }
0xac: {  	[dreg:$0x1] =	wrdreg $0xFFFFFFFF  }
0xad: {  	[dreg:$0x0] =	wrdreg $0x60  }
0xae: {  	[dreg:$0x2] =	wrdreg s2  }
0xaf: {  	[dreg:$0x3] =	wrdreg s24  }
0xb0: {  	[dreg:$0x4] =	wrdreg $0x90000  }
0xb1: {  	[dreg:$0x5] =	wrdreg $0x9  }
0xb2: {  	_ =	task.clear_ibuf [dreg:s7], $0x6FFFF;
	_ =	strace $0x9000004C  }
0xb3: {  	s29 =	simm.s32 $0x9;
	_ =	strace $0x8000004E  }
0xb4: {  	_ =	swait.ge [sflag:s29], $0x1  }
0xb5: {  	[sflag:s29] =	ssyncadd.s32 $0xFFFFFFFF  }
0xb6: {  	_ =	strace $0x9000004E  }
0xb7: {  	_ =	sfence  }
0xb8: {  	s30 =	sld [smem:$0x0];
	_ =	sdelay $0x2  }
0xb9: {  	s31 =	sshll.u32 s1, $0xD;
	s1 =	sshrl.u32 s1, $0x2  }
0xba: {  	s3 =	sand.u32 $0x4000, s31;
	s1 =	sadd.s32 s1, s30  }
0xbb: {  	s0 =	sor.u32 s3, s0;
	s1 =	sshll.u32 s1, $0x11  }
0xbc: {  	s0 =	sor.u32 s1, s0  }
0xbd: {  	s0 =	sadd.s32 $0x8F2B, s0  }
0xbe: {  	[sflag:s0] =	ssyncadd.remote.s32 $0x1  }
0xbf: {  	_ =	sfence.sel $0xFFFF  }
0xc0: {  	[dreg:$0x0] =	wrdreg $0xFFFFFFFF;
	(pc) =	sbr.abs _section_cstart, $3  }
0xc1: {  	[dreg:$0x1] =	wrdreg $0xFFFFFFFF  }
0xc2: {  	_ =	task.clear_ibuf [dreg:s7], $0x2FFFF;
	_ =	strace $0x9FFFFFFF  }
0xc3: {  	(tm) =	ssettm $0x7FFFFFFF  }
tec
execute0_lowered:
.L_overlay_start_1:
0x0: {  	(tag) =	ssettag $0x1  }
0x1: {  	s0 =	rddreg [dreg:$0x0]  }
0x2: {  	s2 =	rddreg [dreg:$0x1]  }
0x3: {  	s1 =	rddreg [dreg:$0x2];
	s3 =	simm.s32 $0x0  }
0x4: {  	s11 =	stileid.u32;
	s5 =	srdreg.scid;
	s20 =	simm.s32 $0x1000  }
0x5: {  	s28 =	simm.s32 $0x0;
	[smem:$0x7FF] =	sst s3;
	s7 =	smul.u32 $0x50000, s11  }
0x6: {  	s4 =	sadd.s32 $0x11000, s2;
	s8 =	sand.u32 $0x1, s5;
	s16 =	smul.u32 $0x280, s11  }
0x7: {  	s21 =	sshll.u32 s11, $0x1;
	s5 =	sadd.s32 $0x7000, s2;
	s22 =	smul.u32 $0x2800, s11  }
0x8: {  	_ =	strace $0x8000004D;
	s9 =	ssub.s32 $0x2, s8;
	s6 =	sor.u32 s8, s21  }
0x9: {  	s8 =	smul.u32 $0x28000, s8;
	s21 =	simm.s32 $0x3;
	s10 =	sshrl.u32 s9, $0x1  }
0xa: {  	s6 =	smul.u32 $0x5, s6;
	s2 =	sadd.s32 s7, s2;
	s7 =	sshrl.u32 s7, $0x2  }
0xb: {  	s23 =	sadd.s32 $0x80, s16;
	s24 =	sadd.s32 s0, s22;
	s12 =	sadd.s32 $0x100, s16  }
0xc: {  	s30 =	sadd.s32 $0x180, s16;
	s31 =	sadd.s32 $0x200, s16;
	s22 =	simm.s32 $0x800  }
0xd: {  	s9 =	ssub.s32 s9, s10;
	[dreg:$0x5] =	wrdreg s24;
	s7 =	sadd.s32 s7, s1  }
0xe: {  	s25 =	sshll.u32 s23, $0x4;
	s26 =	sshll.u32 s23, $0x7;
	s29 =	sshll.u32 s12, $0x4  }
0xf: {  	s13 =	sshll.u32 s12, $0x7;
	s14 =	sshll.u32 s30, $0x4;
	s16 =	sshll.u32 s31, $0x4  }
0x10: {  	s2 =	sadd.s32 s8, s2;
	s23 =	simm.s32 $0x80;
	s24 =	simm.s32 $0x5000  }
0x11: {  	s9 =	smax.u32 s9, $0x1;
	[dreg:$0x6] =	wrdreg s7;
	s7 =	sadd.s32 s0, s25  }
0x12: {  	s11 =	sadd.s32 s26, s1;
	s12 =	sadd.s32 s0, s29;
	s13 =	sadd.s32 s13, s1  }
0x13: {  	s14 =	sadd.s32 s0, s14;
	s16 =	sadd.s32 s0, s16;
	s18 =	sadd.s32 $0x1B800, s2  }
0x14: {  	s19 =	sadd.s32 $0x51B800, s2;
	[dreg:$0x7] =	wrdreg s7;
	s7 =	sshll.u32 s30, $0x7  }
0x15: {  	s25 =	simm.s32 $0x1;
	s15 =	sadd.s32 s7, s1;
	s7 =	sshll.u32 s31, $0x7  }
0x16: {  	s26 =	simm.s32 $0x2;
	[dreg:$0x4] =	wrdreg s9;
	s17 =	sadd.s32 s7, s1  }
.LBB2_1:
0x17: {  	s0 =	rddreg [dreg:$0x5]  }
0x18: {  	[tilespmem:s20], [sflag:$0x3] =	stream.linear.gather [hbm4b:s0+s3], $0x4000, $0x38;
	[tilespmem:$0x1D000] =	vst v63  }
0x19: {  	_ =	swait.ge [sflag:s21], $0x4000  }
0x1a: {  	[sflag:s21] =	ssyncset.done $0x0  }
0x1b: {  	s9 =	rddreg [dreg:$0x6];
	[sflag:s21] =	ssyncadd.s32 $0xFFFFC000  }
0x1c: {  	[spmem:s9] =	stream.linear.scatter [tilespmem:s20], [sflag:$0x3], $0x4000, $0x38;
	[tilespmem:$0x1D000] =	vst v63  }
0x1d: {  	_ =	swait.ge [sflag:s21], $0x4000  }
0x1e: {  	[sflag:s21] =	ssyncset.done $0x0  }
0x1f: {  	s10 =	rddreg [dreg:$0x7];
	[sflag:s21] =	ssyncadd.s32 $0xFFFFC000  }
0x20: {  	[tilespmem:s20], [sflag:$0x3] =	stream.linear.gather [hbm4b:s10+s3], $0x4000, $0x38;
	[tilespmem:$0x1D000] =	vst v63  }
0x21: {  	_ =	swait.ge [sflag:s21], $0x4000  }
0x22: {  	[sflag:s21] =	ssyncset.done $0x0  }
0x23: {  	[sflag:s21] =	ssyncadd.s32 $0xFFFFC000  }
0x24: {  	[spmem:s11] =	stream.linear.scatter [tilespmem:s20], [sflag:$0x3], $0x4000, $0x38;
	[tilespmem:$0x1D000] =	vst v63  }
0x25: {  	_ =	swait.ge [sflag:s21], $0x4000  }
0x26: {  	[sflag:s21] =	ssyncset.done $0x0  }
0x27: {  	[sflag:s21] =	ssyncadd.s32 $0xFFFFC000  }
0x28: {  	[tilespmem:s20], [sflag:$0x3] =	stream.linear.gather [hbm4b:s12+s3], $0x4000, $0x38;
	[tilespmem:$0x1D000] =	vst v63  }
0x29: {  	_ =	swait.ge [sflag:s21], $0x4000  }
0x2a: {  	[sflag:s21] =	ssyncset.done $0x0  }
0x2b: {  	[sflag:s21] =	ssyncadd.s32 $0xFFFFC000  }
0x2c: {  	[spmem:s13] =	stream.linear.scatter [tilespmem:s20], [sflag:$0x3], $0x4000, $0x38;
	[tilespmem:$0x1D000] =	vst v63  }
0x2d: {  	_ =	swait.ge [sflag:s21], $0x4000  }
0x2e: {  	[sflag:s21] =	ssyncset.done $0x0  }
0x2f: {  	[sflag:s21] =	ssyncadd.s32 $0xFFFFC000  }
0x30: {  	[tilespmem:s20], [sflag:$0x3] =	stream.linear.gather [hbm4b:s14+s3], $0x4000, $0x38;
	[tilespmem:$0x1D000] =	vst v63  }
0x31: {  	_ =	swait.ge [sflag:s21], $0x4000  }
0x32: {  	[sflag:s21] =	ssyncset.done $0x0  }
0x33: {  	[sflag:s21] =	ssyncadd.s32 $0xFFFFC000  }
0x34: {  	[spmem:s15] =	stream.linear.scatter [tilespmem:s20], [sflag:$0x3], $0x4000, $0x38;
	[tilespmem:$0x1D000] =	vst v63  }
0x35: {  	_ =	swait.ge [sflag:s21], $0x4000  }
0x36: {  	[sflag:s21] =	ssyncset.done $0x0  }
0x37: {  	[sflag:s21] =	ssyncadd.s32 $0xFFFFC000  }
0x38: {  	[tilespmem:s20], [sflag:$0x3] =	stream.linear.gather [hbm4b:s16+s3], $0x4000, $0x38;
	[tilespmem:$0x1D000] =	vst v63  }
0x39: {  	_ =	swait.ge [sflag:s21], $0x4000  }
0x3a: {  	[sflag:s21] =	ssyncset.done $0x0  }
0x3b: {  	[sflag:s21] =	ssyncadd.s32 $0xFFFFC000  }
0x3c: {  	[spmem:s17] =	stream.linear.scatter [tilespmem:s20], [sflag:$0x3], $0x4000, $0x38;
	[tilespmem:$0x1D000] =	vst v63  }
0x3d: {  	_ =	swait.ge [sflag:s21], $0x4000  }
0x3e: {  	[sflag:s21] =	ssyncset.done $0x0  }
0x3f: {  	s29 =	smov.u32 s19;
	[sflag:s21] =	ssyncadd.s32 $0xFFFFC000  }
0x40: {  	s30 =	smov.u32 s18;
	s31 =	simm.s32 $0x0;
	[bflag:$0x0] =	sbarrier.arrive $0xFFFF  }
.LBB2_2:
0x41: {  	s0 =	sadd.s32 s6, s31  }
0x42: {  	s0 =	sshll.u32 s0, $0x8  }
0x43: {  	s7 =	simm.s32 $0x0;
	s2 =	sadd.s32 s4, s0  }
0x44: {  	[tilespmem:s7], [sflag:$0x3] =	stream.linear.gather [hbm4b:s2+s7], $0x800, $0x38;
	[tilespmem:$0x1D000] =	vst v63  }
0x45: {  	_ =	swait.ge [sflag:s21], $0x800  }
0x46: {  	[sflag:s21] =	ssyncset.done $0x0  }
0x47: {  	s0 =	sadd.s32 s5, s0;
	[sflag:s21] =	ssyncadd.s32 $0xFFFFF800  }
0x48: {  	[tilespmem:s22], [sflag:$0x3] =	stream.linear.gather [hbm4b:s0+s7], $0x800, $0x38;
	[tilespmem:$0x1D000] =	vst v63  }
0x49: {  	_ =	swait.ge [sflag:s21], $0x800  }
0x4a: {  	[sflag:s21] =	ssyncset.done $0x0  }
0x4b: {  	s9 =	simm.s32 $0x0;
	[sflag:s21] =	ssyncadd.s32 $0xFFFFF800  }
0x4c: {  	[tilespmem:s20], [sflag:$0x1] =	stream.indirect.gather [spmem:s1], $0x80, s9, s23, $0xb8;
	[tilespmem:$0x1D000] =	vst v63  }
0x4d: {  	s10 =	simm.s32 $0x800  }
0x4e: {  	[tilespmem:s24], [sflag:$0x2] =	stream.indirect.gather [spmem:s1], $0x80, s10, s23, $0xb8;
	[tilespmem:$0x1D000] =	vst v63  }
0x4f: {  	_ =	swait.ge [sflag:s25], $0x4000  }
0x50: {  	[sflag:s25] =	ssyncset.done $0x0  }
0x51: {  	[sflag:s25] =	ssyncadd.s32 $0xFFFFC000  }
0x52: {  	_ =	swait.ge [sflag:s26], $0x4000  }
0x53: {  	[sflag:s26] =	ssyncset.done $0x0  }
0x54: {  	[sflag:s26] =	ssyncadd.s32 $0xFFFFC000  }
0x55: {  	[hbm4b:s30+s3] =	stream.linear.scatter [tilespmem:s20], [sflag:$0x3], $0x4000, $0x38;
	[tilespmem:$0x1D000] =	vst v63  }
0x56: {  	_ =	swait.ge [sflag:s21], $0x4000  }
0x57: {  	[sflag:s21] =	ssyncset.done $0x0  }
0x58: {  	[sflag:s21] =	ssyncadd.s32 $0xFFFFC000  }
0x59: {  	[hbm4b:s29+s3] =	stream.linear.scatter [tilespmem:s24], [sflag:$0x3], $0x4000, $0x38;
	[tilespmem:$0x1D000] =	vst v63  }
0x5a: {  	s8 =	simm.s32 $0x400;
	s2 =	sadd.s32 $0x800, s30;
	_ =	swait.ge [sflag:s21], $0x4000  }
0x5b: {  	s7 =	simm.s32 $0x200;
	s0 =	sadd.s32 $0x800, s29;
	[sflag:s21] =	ssyncset.done $0x0  }
.LBB2_3:
0x5c: {  	s9 =	sshra.s32 s7, $0x2  }
0x5d: {  	[sflag:s21] =	ssyncadd.s32 $0xFFFFC000;
	s7 =	smov.u32 s8;
	s10 =	sadd.s32 $0x200, s8  }
0x5e: {  	[tilespmem:s20], [sflag:$0x1] =	stream.indirect.gather [spmem:s1], $0x80, s9, s23, $0xb8;
	[tilespmem:$0x1D000] =	vst v63  }
0x5f: {  	p0 =	sne.s32 s8, $0x1E00;
	s8 =	sadd.s32 $0x800, s9  }
0x60: {  	[tilespmem:s24], [sflag:$0x2] =	stream.indirect.gather [spmem:s1], $0x80, s8, s23, $0xb8;
	[tilespmem:$0x1D000] =	vst v63  }
0x61: {  	_ =	swait.ge [sflag:s25], $0x4000  }
0x62: {  	[sflag:s25] =	ssyncset.done $0x0  }
0x63: {  	[sflag:s25] =	ssyncadd.s32 $0xFFFFC000  }
0x64: {  	_ =	swait.ge [sflag:s26], $0x4000  }
0x65: {  	[sflag:s26] =	ssyncset.done $0x0  }
0x66: {  	[sflag:s26] =	ssyncadd.s32 $0xFFFFC000  }
0x67: {  	[hbm4b:s2+s3] =	stream.linear.scatter [tilespmem:s20], [sflag:$0x3], $0x4000, $0x38;
	[tilespmem:$0x1D000] =	vst v63  }
0x68: {  	_ =	swait.ge [sflag:s21], $0x4000  }
.Ltmp0:
0x69: {  	[sflag:s21] =	ssyncset.done $0x0;
	(pc) =	sbr.rel @p0 .LBB2_3-.Ltmp0, $4  }
0x6a: {  	[sflag:s21] =	ssyncadd.s32 $0xFFFFC000  }
0x6b: {  	[hbm4b:s0+s3] =	stream.linear.scatter [tilespmem:s24], [sflag:$0x3], $0x4000, $0x38;
	[tilespmem:$0x1D000] =	vst v63  }
0x6c: {  	s8 =	smov.u32 s10;
	_ =	swait.ge [sflag:s21], $0x4000  }
0x6d: {  	s2 =	sadd.s32 $0x800, s2;
	s0 =	sadd.s32 $0x800, s0;
	[sflag:s21] =	ssyncset.done $0x0  }
0x6e: {  	s7 =	sshra.s32 s7, $0x2;
	[sflag:s21] =	ssyncadd.s32 $0xFFFFC000  }
0x6f: {  	[tilespmem:s20], [sflag:$0x1] =	stream.indirect.gather [spmem:s1], $0x80, s7, s23, $0xb8;
	[tilespmem:$0x1D000] =	vst v63  }
0x70: {  	s7 =	sadd.s32 $0x800, s7  }
0x71: {  	[tilespmem:s24], [sflag:$0x2] =	stream.indirect.gather [spmem:s1], $0x80, s7, s23, $0xb8;
	[tilespmem:$0x1D000] =	vst v63  }
0x72: {  	_ =	swait.ge [sflag:s25], $0x4000  }
0x73: {  	[sflag:s25] =	ssyncset.done $0x0  }
0x74: {  	[sflag:s25] =	ssyncadd.s32 $0xFFFFC000  }
0x75: {  	_ =	swait.ge [sflag:s26], $0x4000  }
0x76: {  	[sflag:s26] =	ssyncset.done $0x0  }
0x77: {  	[sflag:s26] =	ssyncadd.s32 $0xFFFFC000  }
0x78: {  	[hbm4b:s2+s3] =	stream.linear.scatter [tilespmem:s20], [sflag:$0x3], $0x4000, $0x38;
	[tilespmem:$0x1D000] =	vst v63  }
0x79: {  	s31 =	sadd.s32 $0x1, s31;
	_ =	swait.ge [sflag:s21], $0x4000  }
0x7a: {  	p0 =	sne.s32 s31, $0x5;
	[sflag:s21] =	ssyncset.done $0x0  }
.Ltmp1:
0x7b: {  	[sflag:s21] =	ssyncadd.s32 $0xFFFFC000;
	(pc) =	sbr.rel @p0 .LBB2_2-.Ltmp1, $4  }
0x7c: {  	[hbm4b:s0+s3] =	stream.linear.scatter [tilespmem:s24], [sflag:$0x3], $0x4000, $0x38;
	[tilespmem:$0x1D000] =	vst v63  }
0x7d: {  	_ =	swait.ge [sflag:s21], $0x4000  }
0x7e: {  	[sflag:s21] =	ssyncset.done $0x0  }
0x7f: {  	s30 =	sadd.s32 $0x8000, s30;
	s29 =	sadd.s32 $0x8000, s29;
	[sflag:s21] =	ssyncadd.s32 $0xFFFFC000  }
0x80: {  	s28 =	sadd.s32 $0x1, s28;
	s0 =	rddreg [dreg:$0x4]  }
0x81: {  	p0 =	sne.s32 s28, s0  }
.Ltmp2:
0x82: {  	_ = 	snop;
	(pc) =	sbr.rel @p0 .LBB2_1-.Ltmp2, $1  }
0x83: {  	_ =	sdelay $0x3  }
0x84: {  	_ =	sfence.sel $0x180000  }
0x85: {  	[bflag:$0x0] =	sbarrier.arrive $0xFFFF  }
0x86: {  	_ =	strace $0x9000004D  }
0x87: {  	s0 =	stileid.u32;
	[bflag:$0x2] =	sbarrier.arrive $0xFFFF  }
0x88: {  	p0 =	sne.s32 s0, $0x0;
	s0 =	rddreg [dreg:$0x3]  }
0x89: {  	s0 =	sadd.s32 @!p0 $0x100000, s0  }
0x8a: {  	[sflag:s0] =	ssyncadd.tile.s32 @!p0 $0x1;
	_ =	shalt  }
.Lfunc_end2:
_tile_overlayer_lowered:
.L_overlay_start_2:
0x8b: {  	(tag) =	ssettag $0x2  }
0x8c: {  	s0 =	rddreg [dreg:$0x0];
	s2 =	stileid.u32  }
0x8d: {  	s1 =	rddreg [dreg:$0x1];
	p0 =	sne.s32 s2, $0x0  }
0x8e: {  	s3 =	rddreg [dreg:$0x2];
	[bflag:$0x3] =	sbarrier.arrive $0xFFFF;
	s2 =	simm.s32 @!p0 $0x1C03  }
0x8f: {  	[timem:s3], [sflag:s2] =	dma.local @!p0 [hbm:s0], s1  }
0x90: {  	s0 =	simm.s32 @!p0 $0x3  }
0x91: {  	_ =	swait.ge @!p0 [sflag:s0], s1  }
0x92: {  	s1 =	ssub.s32 @!p0 $0x0, s1;
	[sflag:s0] =	ssyncset.done @!p0 $0x0  }
0x93: {  	[sflag:s0] =	ssyncadd.s32 @!p0 s1  }
0x94: {  	[bflag:$0x3] =	sbarrier.arrive $0xFFFF  }
0x95: {  	_ =	shalt  }

// kernel: kernel.23.cloned.1.call-start
scs
__scs_entry_jumppad:
0x0: {  	(pc) =	sbr.rel $0x88, $3  }
0x1: {  	(tag) =	ssettag $0x0;
	lr =	simm.s32 $0x1  }
0x2: {  	[smem:$0x3F7A] =	sst lr;
	_ =	strace $0xD0000000  }
0x3: {  	_ = 	snop  }
0x4: {  	_ = 	snop  }
0x5: {  	_ = 	snop  }
0x6: {  	_ = 	snop  }
0x7: {  	_ = 	snop  }
__scs_overlays_trampoline_lowered:
0x8: {  	[smem:$0x3F89] =	sst s0  }
0x9: {  	[smem:$0x3F8A] =	sst s1  }
0xa: {  	[smem:$0x3F8B] =	sst s2  }
0xb: {  	[smem:$0x3F8C] =	sst s3  }
0xc: {  	[smem:$0x3F8D] =	sst s4  }
0xd: {  	[smem:$0x3F8E] =	sst s5  }
0xe: {  	[smem:$0x3F8F] =	sst s6  }
0xf: {  	[smem:$0x3F90] =	sst s7  }
0x10: {  	[smem:$0x3F91] =	sst s8  }
0x11: {  	[smem:$0x3F92] =	sst s9;
	s0 =	simm.s32 @!p0 $0x0  }
0x12: {  	s1 =	sld [smem:$0x3F78];
	s0 =	simm.s32 @p0 $0x1  }
0x13: {  	[smem:$0x3F93] =	sst s0;
	s0 =	simm.s32 @!p1 $0x0  }
0x14: {  	s2 =	sld [smem:$0x3F77];
	s0 =	simm.s32 @p1 $0x1  }
0x15: {  	[smem:$0x3F94] =	sst s0;
	s0 =	simm.s32 @!p2 $0x0  }
0x16: {  	s3 =	sld [smem:$0x3FDB];
	s0 =	simm.s32 @p2 $0x1  }
0x17: {  	s4 =	simm.s32 $0x1BF5;
	[smem:$0x3F96] =	sst s0  }
0x18: {  	s0 =	sld [smem:$0x3F79];
	_ =	swait.ge [sflag:s4], $0x0  }
0x19: {  	s7 =	sld [smem:$0x3F7A]  }
0x1a: {  	s8 =	sadd.s32 $0xFFFFE003, lr  }
0x1b: {  	s9 =	sadd.s32 $0xFFFFFEF7, lr;
	s5 =	simm.s32 $0xFFFFFFFF;
	p2 =	slt.u32 s8, $0xFFFFF086  }
0x1c: {  	p1 =	slt.u32 s9, $0xF7A;
	s5 =	simm.s32 @!p2 $0x0  }
0x1d: {  	s5 =	simm.s32 @p1 $0x1;
	p0 =	seq.s32 s7, s2  }
0x1e: {  	s7 =	smul.u32 @!p0 $0xF7A, s2;
	p2 =	seq.s32 @!p0 s5, $0x0  }
0x1f: {  	s9 =	smul.u32 $0xF7A, s1;
	s8 =	simm.s32 @!p0 $0x1BF5;
	p2 =	por !p2, p0  }
0x20: {  	[sflag:s8] =	ssyncset.s32 @!p0 $0xFFFFF086;
	s6 =	sadd.s32 @!p0 s3, s7;
	s7 =	simm.s32 @!p0 $0x108  }
0x21: {  	s3 =	sadd.s32 s3, s9;
	s6 =	sadd.s32 @!p0 $0x88, s6;
	s7 =	simm.s32 @p2 $0x1082  }
0x22: {  	[simem:s7], [sflag:s8] =	dma.local @!p0 [hbm:s6], $0xF7A  }
0x23: {  	s9 =	sor.u32 $0xD0000000, s2;
	s6 =	simm.s32 $0x108;
	_ =	swait.ge @!p0 [sflag:s8], $0x0  }
0x24: {  	s3 =	sadd.s32 $0x88, s3;
	s6 =	simm.s32 @!p1 $0x1082;
	[sflag:s4] =	ssyncset.s32 $0xFFFFF086  }
0x25: {  	[simem:s6], [sflag:s4] =	dma.local [hbm:s3], $0xF7A  }
0x26: {  	[smem:$0x3F7A] =	sst s1;
	(tag) =	ssettag s2;
	_ =	strace s9  }
0x27: {  	s1 =	sld [smem:$0x3F8A]  }
0x28: {  	s2 =	sld [smem:$0x3F8B]  }
0x29: {  	s4 =	sld [smem:$0x3F8D]  }
0x2a: {  	p0 =	seq.s32 s5, $0x0;
	s5 =	sld [smem:$0x3F8E]  }
0x2b: {  	s6 =	sld [smem:$0x3F8F]  }
0x2c: {  	s7 =	sld [smem:$0x3F90]  }
0x2d: {  	s3 =	simm.s32 $0x108;
	s8 =	sld [smem:$0x3F91]  }
0x2e: {  	s3 =	simm.s32 @!p0 $0x1082;
	s9 =	sld [smem:$0x3F92]  }
0x2f: {  	lr =	sadd.s32 s0, s3;
	s0 =	sld [smem:$0x3F89]  }
0x30: {  	s3 =	sld [smem:$0x3F8C]  }
0x31: {  	[smem:$0x3F95] =	sst s10  }
0x32: {  	s10 =	sld [smem:$0x3F93];
	_ =	sdelay $0x3  }
0x33: {  	p0 =	seq.s32 s10, $0x1;
	s10 =	sld [smem:$0x3F95];
	_ =	sdelay $0x3  }
0x34: {  	[smem:$0x3F95] =	sst s10  }
0x35: {  	s10 =	sld [smem:$0x3F94];
	_ =	sdelay $0x3  }
0x36: {  	p1 =	seq.s32 s10, $0x1;
	s10 =	sld [smem:$0x3F95];
	_ =	sdelay $0x3  }
0x37: {  	[smem:$0x3F95] =	sst s10  }
0x38: {  	s10 =	sld [smem:$0x3F96]  }
0x39: {  	_ = 	snop;
	(pc) =	sbr.ind lr, $3  }
0x3a: {  	_ = 	snop  }
0x3b: {  	_ = 	snop  }
0x3c: {  	p2 =	seq.s32 s10, $0x1;
	s10 =	sld [smem:$0x3F95]  }
0x3d: {  	_ =	shalt  }
0x3e: {  	_ =	shalt  }
0x3f: {  	_ =	shalt  }
0x40: {  	_ =	shalt  }
0x41: {  	_ =	shalt  }
0x42: {  	_ =	shalt  }
0x43: {  	_ =	shalt  }
0x44: {  	_ =	shalt  }
0x45: {  	_ =	shalt  }
0x46: {  	_ =	shalt  }
0x47: {  	_ =	shalt  }
0x48: {  	_ =	shalt  }
0x49: {  	_ =	shalt  }
0x4a: {  	_ =	shalt  }
0x4b: {  	_ =	shalt  }
0x4c: {  	_ =	shalt  }
0x4d: {  	_ =	shalt  }
0x4e: {  	_ =	shalt  }
0x4f: {  	_ =	shalt  }
0x50: {  	_ =	shalt  }
0x51: {  	_ =	shalt  }
0x52: {  	_ =	shalt  }
0x53: {  	_ =	shalt  }
0x54: {  	_ =	shalt  }
0x55: {  	_ =	shalt  }
0x56: {  	_ =	shalt  }
0x57: {  	_ =	shalt  }
0x58: {  	_ =	shalt  }
0x59: {  	_ =	shalt  }
0x5a: {  	_ =	shalt  }
0x5b: {  	_ =	shalt  }
0x5c: {  	_ =	shalt  }
0x5d: {  	_ =	shalt  }
0x5e: {  	_ =	shalt  }
0x5f: {  	_ =	shalt  }
0x60: {  	_ =	shalt  }
0x61: {  	_ =	shalt  }
0x62: {  	_ =	shalt  }
0x63: {  	_ =	shalt  }
0x64: {  	_ =	shalt  }
0x65: {  	_ =	shalt  }
0x66: {  	_ =	shalt  }
0x67: {  	_ =	shalt  }
0x68: {  	_ =	shalt  }
0x69: {  	_ =	shalt  }
0x6a: {  	_ =	shalt  }
0x6b: {  	_ =	shalt  }
0x6c: {  	_ =	shalt  }
0x6d: {  	_ =	shalt  }
0x6e: {  	_ =	shalt  }
0x6f: {  	_ =	shalt  }
0x70: {  	_ =	shalt  }
0x71: {  	_ =	shalt  }
0x72: {  	_ =	shalt  }
0x73: {  	_ =	shalt  }
0x74: {  	_ =	shalt  }
0x75: {  	_ =	shalt  }
0x76: {  	_ =	shalt  }
0x77: {  	_ =	shalt  }
0x78: {  	_ =	shalt  }
0x79: {  	_ =	shalt  }
0x7a: {  	_ =	shalt  }
0x7b: {  	_ =	shalt  }
0x7c: {  	_ =	shalt  }
0x7d: {  	_ =	shalt  }
0x7e: {  	_ =	shalt  }
0x7f: {  	_ =	shalt  }
0x80: {  	_ =	shalt  }
0x81: {  	_ =	shalt  }
0x82: {  	_ =	shalt  }
0x83: {  	_ =	shalt  }
0x84: {  	_ =	shalt  }
0x85: {  	_ =	shalt  }
0x86: {  	_ =	shalt  }
0x87: {  	_ =	shalt  }
.Lfunc_end0:
.L_simem_size_0:
called_computation.3_lowered:
.L_overlay_start_0:
0x88: {  	s2 =	sld [smem:$0x3FD9]  }
0x89: {  	s3 =	sld [smem:$0x3FFE];
	_ =	sdelay $0x1  }
0x8a: {  	s1 =	srdreg.scid  }
0x8b: {  	s0 =	sand.u32 $0x1, s1  }
0x8c: {  	s16 =	sshll.u32 s0, $0xA;
	s2 =	sadd.s32 s3, s2  }
0x8d: {  	s2 =	sadd.s32 s2, s16  }
0x8e: {  	[smem:$0x3FA1] =	sst s2  }
0x8f: {  	_ = 	snop  }
0x90: {  	(tm) =	ssettm $0x1  }
0x91: {  	s17 =	sld [smem:$0x3FFB];
	_ =	sdelay $0x3  }
0x92: {  	_ =	strace s17  }
0x93: {  	s2 =	sld [smem:$0x3FFC];
	_ =	sdelay $0x3  }
0x94: {  	_ =	strace s2  }
0x95: {  	s2 =	sld [smem:$0x3FFD];
	_ =	sdelay $0x3  }
0x96: {  	_ =	strace s2  }
0x97: {  	_ =	strace $0x8FFFFFFF  }
0x98: {  	s18 =	sld [smem:$0x3FDB];
	_ =	sdelay $0x1  }
0x99: {  	s19 =	simm.s32 $_scs_section_size  }
0x9a: {  	s4 =	simm.s32 $_size__tile_overlayer_lowered;
	s5 =	simm.s32 $_tile_overlayer_lowered  }
0x9b: {  	s22 =	simm.s32 $0x1BFF;
	s21 =	sshll.u32 s5, $0x1;
	s2 =	sadd.s32 s19, s18  }
0x9c: {  	s6 =	simm.s32 $0x0;
	s20 =	sshll.u32 s4, $0x1;
	s4 =	sadd.s32 s21, s2  }
0x9d: {  	[timem:s6], [sflag:s22] =	dma.local [hbm:s4], s20  }
0x9e: {  	_ =	swait.ge [sflag:s22], s20  }
0x9f: {  	s3 =	ssub.s32 $0x0, s20;
	[sflag:s22] =	ssyncset.done $0x0  }
0xa0: {  	[sflag:s22] =	ssyncadd.s32 s3;
	_ =	sdelay $0x1  }
0xa1: {  	s23 =	simm.s32 $0x1B8B  }
0xa2: {  	_ =	swait.ge [sflag:s23], $0x1  }
0xa3: {  	[sflag:s23] =	ssyncset.done $0x0  }
0xa4: {  	s25 =	simm.s32 $0x1B8E;
	s24 =	sld [smem:$0x3FFE];
	[sflag:s23] =	ssyncadd.s32 $0xFFFFFFFF  }
0xa5: {  	s26 =	simm.s32 $execute0_lowered;
	[smem:$0x3FD2] =	sst s25  }
0xa6: {  	s4 =	sshll.u32 s26, $0x1;
	_ =	strace $0x8000004F;
	[dreg:$0x1] =	wrdreg $0xFFFFFFFF  }
0xa7: {  	s28 =	simm.s32 $_size_execute0_lowered;
	s2 =	sadd.s32 s2, s4;
	[dreg:$0x0] =	wrdreg $0x0  }
0xa8: {  	s4 =	sshll.u32 s28, $0x1;
	[dreg:$0x2] =	wrdreg s2  }
0xa9: {  	[dreg:$0x3] =	wrdreg s4  }
0xaa: {  	[dreg:$0x4] =	wrdreg $0xC0  }
0xab: {  	_ =	task [dreg:s6], $0x5FFFF  }
0xac: {  	[dreg:$0x1] =	wrdreg $0xFFFFFFFF  }
0xad: {  	[dreg:$0x0] =	wrdreg $0x60  }
0xae: {  	[dreg:$0x2] =	wrdreg s24  }
0xaf: {  	[dreg:$0x3] =	wrdreg $0xA8000  }
0xb0: {  	[dreg:$0x4] =	wrdreg $0x9  }
0xb1: {  	_ =	task.clear_ibuf [dreg:s6], $0x5FFFF;
	_ =	strace $0x9000004F  }
0xb2: {  	s29 =	simm.s32 $0x9;
	_ =	strace $0x80000051  }
0xb3: {  	_ =	swait.ge [sflag:s29], $0x1  }
0xb4: {  	[sflag:s29] =	ssyncadd.s32 $0xFFFFFFFF  }
0xb5: {  	_ =	strace $0x90000051  }
0xb6: {  	_ =	sfence  }
0xb7: {  	s30 =	sld [smem:$0x0];
	_ =	sdelay $0x2  }
0xb8: {  	s31 =	sshll.u32 s1, $0xD;
	s1 =	sshrl.u32 s1, $0x2  }
0xb9: {  	s3 =	sand.u32 $0x4000, s31;
	s1 =	sadd.s32 s1, s30  }
0xba: {  	s0 =	sor.u32 s3, s0;
	s1 =	sshll.u32 s1, $0x11  }
0xbb: {  	s0 =	sor.u32 s1, s0  }
0xbc: {  	s0 =	sadd.s32 $0x8F2B, s0  }
0xbd: {  	[sflag:s0] =	ssyncadd.remote.s32 $0x1  }
0xbe: {  	_ =	sfence.sel $0xFFFF  }
0xbf: {  	[dreg:$0x0] =	wrdreg $0xFFFFFFFF;
	(pc) =	sbr.abs _section_cstart, $3  }
0xc0: {  	[dreg:$0x1] =	wrdreg $0xFFFFFFFF  }
0xc1: {  	_ =	task.clear_ibuf [dreg:s6], $0x2FFFF;
	_ =	strace $0x9FFFFFFF  }
0xc2: {  	(tm) =	ssettm $0x7FFFFFFF  }
0xc3: {  	_ =	shalt  }
tec
execute0_lowered:
.L_overlay_start_1:
0x0: {  	(tag) =	ssettag $0x1  }
0x1: {  	s5 =	rddreg [dreg:$0x0]  }
0x2: {  	s2 =	rddreg [dreg:$0x1]  }
0x3: {  	s1 =	stileid.u32;
	s3 =	srdreg.scid  }
0x4: {  	s0 =	rddreg [dreg:$0x2];
	s26 =	simm.s32 $0x0;
	s6 =	smul.u32 $0x50000, s1  }
0x5: {  	s17 =	sand.u32 $0x1, s3;
	s4 =	sshll.u32 s1, $0x1;
	s19 =	smul.u32 $0x14000, s1  }
0x6: {  	s3 =	simm.s32 $0x0;
	s20 =	sadd.s32 $0x1B800, s5;
	s18 =	smul.u32 $0x140000, s17  }
0x7: {  	s4 =	sor.u32 s17, s4;
	[smem:$0x7FF] =	sst s3;
	s25 =	smul.u32 $0x28000, s17  }
0x8: {  	s8 =	ssub.s32 $0x2, s17;
	s4 =	smul.u32 $0x500, s4;
	_ =	strace $0x80000050  }
0x9: {  	s21 =	sadd.s32 s6, s5;
	s29 =	sshrl.u32 s8, $0x1;
	s30 =	sshrl.u32 s6, $0x2  }
0xa: {  	s13 =	sadd.s32 $0x4000, s19;
	s15 =	sadd.s32 $0x8000, s19;
	s22 =	sadd.s32 $0xC000, s19  }
0xb: {  	s8 =	ssub.s32 s8, s29;
	s12 =	sadd.s32 s18, s19;
	s14 =	sadd.s32 s18, s13  }
0xc: {  	s13 =	sadd.s32 s13, s2;
	s16 =	sadd.s32 s18, s15;
	s15 =	sadd.s32 s15, s2  }
0xd: {  	s23 =	sadd.s32 s18, s22;
	s19 =	sadd.s32 $0x10000, s19;
	s17 =	sadd.s32 s22, s2  }
0xe: {  	s21 =	sadd.s32 s25, s21;
	s22 =	simm.s32 $0x6800;
	s25 =	simm.s32 $0x80  }
0xf: {  	s7 =	sadd.s32 s4, s5;
	s4 =	sadd.s32 $0x1B000, s5;
	s5 =	sadd.s32 s30, s2  }
0x10: {  	s12 =	sshrl.u32 s12, $0x3;
	s14 =	sshrl.u32 s14, $0x3;
	s16 =	sshrl.u32 s16, $0x3  }
0x11: {  	s23 =	sshrl.u32 s23, $0x3;
	s24 =	sadd.s32 s18, s19;
	s19 =	sadd.s32 s19, s2  }
0x12: {  	s21 =	sadd.s32 $0xA1B800, s21;
	s6 =	sadd.s32 $0x11000, s7;
	s7 =	smax.u32 s8, $0x1  }
0x13: {  	s8 =	sadd.s32 $0x4000, s5;
	s9 =	sadd.s32 $0x8000, s5;
	s10 =	sadd.s32 $0xC000, s5  }
0x14: {  	s11 =	sadd.s32 $0x10000, s5;
	s12 =	sadd.s32 s20, s12;
	s14 =	sadd.s32 s20, s14  }
0x15: {  	s16 =	sadd.s32 s20, s16;
	s18 =	sadd.s32 s20, s23;
	s31 =	sshrl.u32 s24, $0x3  }
0x16: {  	s23 =	simm.s32 $0x1;
	s24 =	simm.s32 $0x2800;
	s20 =	sadd.s32 s20, s31  }
.LBB2_1:
0x17: {  	[tilespmem:s22], [sflag:$0x1] =	stream.linear.gather [hbm4b:s4+s3], $0x4000, $0x38;
	[tilespmem:$0x1E800] =	vst v63  }
0x18: {  	_ =	swait.ge [sflag:s23], $0x4000  }
0x19: {  	[sflag:s23] =	ssyncset.done $0x0  }
0x1a: {  	[sflag:s23] =	ssyncadd.s32 $0xFFFFC000  }
0x1b: {  	[spmem:s5] =	stream.linear.scatter [tilespmem:s22], [sflag:$0x1], $0x4000, $0x38;
	[tilespmem:$0x1E800] =	vst v63  }
0x1c: {  	_ =	swait.ge [sflag:s23], $0x4000  }
0x1d: {  	[sflag:s23] =	ssyncset.done $0x0  }
0x1e: {  	[sflag:s23] =	ssyncadd.s32 $0xFFFFC000  }
0x1f: {  	[spmem:s8] =	stream.linear.scatter [tilespmem:s22], [sflag:$0x1], $0x4000, $0x38;
	[tilespmem:$0x1E800] =	vst v63  }
0x20: {  	_ =	swait.ge [sflag:s23], $0x4000  }
0x21: {  	[sflag:s23] =	ssyncset.done $0x0  }
0x22: {  	[sflag:s23] =	ssyncadd.s32 $0xFFFFC000  }
0x23: {  	[spmem:s9] =	stream.linear.scatter [tilespmem:s22], [sflag:$0x1], $0x4000, $0x38;
	[tilespmem:$0x1E800] =	vst v63  }
0x24: {  	_ =	swait.ge [sflag:s23], $0x4000  }
0x25: {  	[sflag:s23] =	ssyncset.done $0x0  }
0x26: {  	[sflag:s23] =	ssyncadd.s32 $0xFFFFC000  }
0x27: {  	[spmem:s10] =	stream.linear.scatter [tilespmem:s22], [sflag:$0x1], $0x4000, $0x38;
	[tilespmem:$0x1E800] =	vst v63  }
0x28: {  	_ =	swait.ge [sflag:s23], $0x4000  }
0x29: {  	[sflag:s23] =	ssyncset.done $0x0  }
0x2a: {  	[sflag:s23] =	ssyncadd.s32 $0xFFFFC000  }
0x2b: {  	[spmem:s11] =	stream.linear.scatter [tilespmem:s22], [sflag:$0x1], $0x4000, $0x38;
	[tilespmem:$0x1E800] =	vst v63  }
0x2c: {  	_ =	swait.ge [sflag:s23], $0x4000  }
0x2d: {  	[sflag:s23] =	ssyncset.done $0x0  }
0x2e: {  	[sflag:s23] =	ssyncadd.s32 $0xFFFFC000  }
0x2f: {  	[tilespmem:s3], [sflag:$0x1] =	stream.linear.gather [hbm4b:s6+s3], $0x2800, $0x38;
	[tilespmem:$0x1E800] =	vst v63  }
0x30: {  	_ =	swait.ge [sflag:s23], $0x2800  }
0x31: {  	[sflag:s23] =	ssyncset.done $0x0  }
0x32: {  	[sflag:s23] =	ssyncadd.s32 $0xFFFFD800  }
0x33: {  	[bflag:$0x0] =	sbarrier.arrive $0xFFFF  }
0x34: {  	[tilespmem:s24], [sflag:$0x1] =	stream.linear.gather [hbm4b:s21+s3], $0x4000, $0x38;
	[tilespmem:$0x1E800] =	vst v63  }
0x35: {  	_ =	swait.ge [sflag:s23], $0x4000  }
0x36: {  	[sflag:s23] =	ssyncset.done $0x0  }
0x37: {  	s28 =	simm.s32 $0x0;
	[sflag:s23] =	ssyncadd.s32 $0xFFFFC000  }
0x38: {  	[spmem:s2] =	stream.indirect.scatter.add.f32 [tilespmem:s24], [sflag:$0x1], $0x80, s28, s25, $0xb8;
	[tilespmem:$0x1E800] =	vst v63  }
0x39: {  	_ =	swait.ge [sflag:s23], $0x4000  }
0x3a: {  	s29 =	smov.u32 s21;
	s28 =	simm.s32 $0x200;
	[sflag:s23] =	ssyncset.done $0x0  }
.LBB2_2:
0x3b: {  	p0 =	sne.s32 s28, $0x9E00;
	[sflag:s23] =	ssyncadd.s32 $0xFFFFC000;
	s29 =	sadd.s32 $0x800, s29  }
0x3c: {  	[tilespmem:s24], [sflag:$0x1] =	stream.linear.gather [hbm4b:s29+s3], $0x4000, $0x38;
	[tilespmem:$0x1E800] =	vst v63  }
0x3d: {  	s30 =	smov.u32 s28;
	s28 =	sadd.s32 $0x200, s28;
	_ =	swait.ge [sflag:s23], $0x4000  }
.Ltmp0:
0x3e: {  	[sflag:s23] =	ssyncset.done $0x0;
	(pc) =	sbr.rel @p0 .LBB2_2-.Ltmp0, $4  }
0x3f: {  	s30 =	sshra.s32 s30, $0x2;
	[sflag:s23] =	ssyncadd.s32 $0xFFFFC000  }
0x40: {  	[spmem:s2] =	stream.indirect.scatter.add.f32 [tilespmem:s24], [sflag:$0x1], $0x80, s30, s25, $0xb8;
	[tilespmem:$0x1E800] =	vst v63  }
0x41: {  	_ =	swait.ge [sflag:s23], $0x4000  }
0x42: {  	[sflag:s23] =	ssyncset.done $0x0  }
0x43: {  	[sflag:s23] =	ssyncadd.s32 $0xFFFFC000  }
0x44: {  	[bflag:$0x0] =	sbarrier.arrive $0xFFFF  }
0x45: {  	[tilespmem:s22], [sflag:$0x1] =	stream.linear.gather [spmem:s5], $0x4000, $0x38;
	[tilespmem:$0x1E800] =	vst v63  }
0x46: {  	_ =	swait.ge [sflag:s23], $0x4000  }
0x47: {  	[sflag:s23] =	ssyncset.done $0x0  }
0x48: {  	[sflag:s23] =	ssyncadd.s32 $0xFFFFC000  }
0x49: {  	[hbm4b:s12+s3] =	stream.linear.scatter [tilespmem:s22], [sflag:$0x1], $0x4000, $0x38;
	[tilespmem:$0x1E800] =	vst v63  }
0x4a: {  	_ =	swait.ge [sflag:s23], $0x4000  }
0x4b: {  	[sflag:s23] =	ssyncset.done $0x0  }
0x4c: {  	[sflag:s23] =	ssyncadd.s32 $0xFFFFC000  }
0x4d: {  	[tilespmem:s22], [sflag:$0x1] =	stream.linear.gather [spmem:s13], $0x4000, $0x38;
	[tilespmem:$0x1E800] =	vst v63  }
0x4e: {  	_ =	swait.ge [sflag:s23], $0x4000  }
0x4f: {  	[sflag:s23] =	ssyncset.done $0x0  }
0x50: {  	[sflag:s23] =	ssyncadd.s32 $0xFFFFC000  }
0x51: {  	[hbm4b:s14+s3] =	stream.linear.scatter [tilespmem:s22], [sflag:$0x1], $0x4000, $0x38;
	[tilespmem:$0x1E800] =	vst v63  }
0x52: {  	_ =	swait.ge [sflag:s23], $0x4000  }
0x53: {  	[sflag:s23] =	ssyncset.done $0x0  }
0x54: {  	[sflag:s23] =	ssyncadd.s32 $0xFFFFC000  }
0x55: {  	[tilespmem:s22], [sflag:$0x1] =	stream.linear.gather [spmem:s15], $0x4000, $0x38;
	[tilespmem:$0x1E800] =	vst v63  }
0x56: {  	_ =	swait.ge [sflag:s23], $0x4000  }
0x57: {  	[sflag:s23] =	ssyncset.done $0x0  }
0x58: {  	[sflag:s23] =	ssyncadd.s32 $0xFFFFC000  }
0x59: {  	[hbm4b:s16+s3] =	stream.linear.scatter [tilespmem:s22], [sflag:$0x1], $0x4000, $0x38;
	[tilespmem:$0x1E800] =	vst v63  }
0x5a: {  	_ =	swait.ge [sflag:s23], $0x4000  }
0x5b: {  	[sflag:s23] =	ssyncset.done $0x0  }
0x5c: {  	[sflag:s23] =	ssyncadd.s32 $0xFFFFC000  }
0x5d: {  	[tilespmem:s22], [sflag:$0x1] =	stream.linear.gather [spmem:s17], $0x4000, $0x38;
	[tilespmem:$0x1E800] =	vst v63  }
0x5e: {  	_ =	swait.ge [sflag:s23], $0x4000  }
0x5f: {  	[sflag:s23] =	ssyncset.done $0x0  }
0x60: {  	[sflag:s23] =	ssyncadd.s32 $0xFFFFC000  }
0x61: {  	[hbm4b:s18+s3] =	stream.linear.scatter [tilespmem:s22], [sflag:$0x1], $0x4000, $0x38;
	[tilespmem:$0x1E800] =	vst v63  }
0x62: {  	_ =	swait.ge [sflag:s23], $0x4000  }
0x63: {  	[sflag:s23] =	ssyncset.done $0x0  }
0x64: {  	[sflag:s23] =	ssyncadd.s32 $0xFFFFC000  }
0x65: {  	[tilespmem:s22], [sflag:$0x1] =	stream.linear.gather [spmem:s19], $0x4000, $0x38;
	[tilespmem:$0x1E800] =	vst v63  }
0x66: {  	s26 =	sadd.s32 $0x1, s26;
	_ =	swait.ge [sflag:s23], $0x4000  }
0x67: {  	p0 =	sne.s32 s26, s7;
	[sflag:s23] =	ssyncset.done $0x0  }
.Ltmp1:
0x68: {  	[sflag:s23] =	ssyncadd.s32 $0xFFFFC000;
	(pc) =	sbr.rel @p0 .LBB2_1-.Ltmp1, $4  }
0x69: {  	[hbm4b:s20+s3] =	stream.linear.scatter [tilespmem:s22], [sflag:$0x1], $0x4000, $0x38;
	[tilespmem:$0x1E800] =	vst v63  }
0x6a: {  	_ =	swait.ge [sflag:s23], $0x4000  }
0x6b: {  	[sflag:s23] =	ssyncset.done $0x0  }
0x6c: {  	[sflag:s23] =	ssyncadd.s32 $0xFFFFC000  }
0x6d: {  	_ =	sfence.sel $0x180000  }
0x6e: {  	[bflag:$0x0] =	sbarrier.arrive $0xFFFF  }
0x6f: {  	p0 =	sne.s32 s1, $0x0;
	_ =	strace $0x90000050  }
0x70: {  	s0 =	sadd.s32 @!p0 $0x100000, s0;
	[bflag:$0x2] =	sbarrier.arrive $0xFFFF  }
0x71: {  	[sflag:s0] =	ssyncadd.tile.s32 @!p0 $0x1;
	_ =	shalt  }
.Lfunc_end2:
_tile_overlayer_lowered:
.L_overlay_start_2:
0x72: {  	(tag) =	ssettag $0x2  }
0x73: {  	s0 =	rddreg [dreg:$0x0];
	s2 =	stileid.u32  }
0x74: {  	s1 =	rddreg [dreg:$0x1];
	p0 =	sne.s32 s2, $0x0  }
0x75: {  	s3 =	rddreg [dreg:$0x2];
	[bflag:$0x3] =	sbarrier.arrive $0xFFFF;
	s2 =	simm.s32 @!p0 $0x1C01  }
0x76: {  	[timem:s3], [sflag:s2] =	dma.local @!p0 [hbm:s0], s1  }
0x77: {  	s0 =	simm.s32 @!p0 $0x1  }
0x78: {  	_ =	swait.ge @!p0 [sflag:s0], s1  }
0x79: {  	s1 =	ssub.s32 @!p0 $0x0, s1;
	[sflag:s0] =	ssyncset.done @!p0 $0x0  }
0x7a: {  	[sflag:s0] =	ssyncadd.s32 @!p0 s1  }
0x7b: {  	[bflag:$0x3] =	sbarrier.arrive $0xFFFF  }
0x7c: {  	_ =	shalt  }

</sc_bundles>
